<compile_context>
chip_gen: v7x
topology: tpu7x:2x2x1
jax: 0.10.2.dev20260603
libtpu: 0.0.44.dev20260713+nightly
codegen_flags: <defaults>
</compile_context>

<pallas_src>
import functools

import jax
import jax.numpy as jnp
from jax import lax
from jax.experimental import pallas as pl
from jax.experimental.pallas import tpu as pltpu
from jax.experimental.pallas import tpu_sc as plsc

N = 50000
E = 800000
PE = 100000
D = 128
HID = 72

EPAD = 819200
EROWS = 6400
EROWS64 = 12800
PEPAD = 102400
PEROWS = 800

HALF = 25000
ACC_ROWS = 26112
JUNK_LOCAL = 25024
QUARTER = 12500
ACC4 = 12544
JUNK_Q = 12500
CAPW = 25600
CAPC = 200
DEG_ROWS = 51200
JUNK_DEG = 50432

_SC_MESH = dict(core_axis_name="c", subcore_axis_name="s")
_SC_PARAMS = pltpu.CompilerParams(use_tc_tiling_on_sc=False)
_SC_PARAMS_NL = pltpu.CompilerParams(use_tc_tiling_on_sc=False,
                                     needs_layout_passes=False)



def _deg_body(col2, zeros1d, out, colv, ones_v, acc, sem):
    c = lax.axis_index("c")
    s = lax.axis_index("s")
    wid = s * 2 + c
    pltpu.sync_copy(zeros1d, acc.at[pl.ds(s * 3200, 3200)])
    for i in range(8):
        ones_v[pl.ds(i * 16, 16)] = jnp.ones((16,), jnp.float32)
    pltpu.sync_copy(col2.at[pl.ds(wid * 200, 200)], colv)
    plsc.subcore_barrier()

    def body(j, carry):
        pltpu.sync_copy(ones_v, acc.at[colv.at[j]], add=True)
        return carry

    lax.fori_loop(0, 200, body, 0)
    plsc.subcore_barrier()
    pltpu.sync_copy(acc.at[pl.ds(s * 3200, 3200)],
                    out.at[c, pl.ds(s * 3200, 3200)])


def _make_deg_kernel():
    return functools.partial(
        pl.kernel,
        out_type=jax.ShapeDtypeStruct((2, DEG_ROWS), jnp.float32),
        mesh=plsc.VectorSubcoreMesh(**_SC_MESH),
        compiler_params=_SC_PARAMS,
        scratch_types=[
            pltpu.VMEM((200, 128), jnp.int32),
            pltpu.VMEM((128,), jnp.float32),
            pltpu.VMEM_SHARED((DEG_ROWS,), jnp.float32),
            pltpu.SemaphoreType.DMA,
        ],
    )(_deg_body)


def _part_body(row2, col2, selr, sellc, counts, rv, cv, bufr, bufl, cntv):
    c = lax.axis_index("c")
    s = lax.axis_index("s")
    w = s * 2 + c

    for b in range(4):
        base = b * QUARTER

        def blk(o, off):
            r0 = w * 400 + o * 8
            pltpu.sync_copy(row2.at[pl.ds(r0, 8)], rv)
            pltpu.sync_copy(col2.at[pl.ds(r0, 8)], cv)
            for j in range(8):
                for i in range(4):
                    rvv = rv[j, pl.ds(i * 16, 16)]
                    lc = cv[j, pl.ds(i * 16, 16)] - base
                    m = (lc >= 0) & (lc < QUARTER)
                    mi = m.astype(jnp.int32)
                    cum = plsc.cumsum(mi)
                    pos = off + cum - mi
                    plsc.store_scatter(bufr, [pos], rvv, mask=m)
                    plsc.store_scatter(bufl, [pos], lc, mask=m)
                    off = off + jnp.max(cum)
            return off

        off = lax.fori_loop(0, 50, blk, 0)
        target = ((off + 1023) // 1024) * 1024

        def padb(k, off2):
            pos = off2 + lax.iota(jnp.int32, 16)
            plsc.store_scatter(bufr, [pos], jnp.zeros((16,), jnp.int32))
            plsc.store_scatter(bufl, [pos], jnp.full((16,), JUNK_Q, jnp.int32))
            return off2 + 16

        lax.fori_loop(0, (target - off + 15) // 16, padb, off)
        pltpu.sync_copy(bufr.at[pl.ds(0, CAPW)], selr.at[b, w])
        pltpu.sync_copy(bufl.at[pl.ds(0, CAPW)], sellc.at[b, w])
        cntv[pl.ds(0, 16)] = jnp.full((16,), target // 128, jnp.int32)
        pltpu.sync_copy(cntv, counts.at[b, w])


def _make_part_kernel():
    return functools.partial(
        pl.kernel,
        out_type=(jax.ShapeDtypeStruct((4, 32, CAPW), jnp.int32),
                  jax.ShapeDtypeStruct((4, 32, CAPW), jnp.int32),
                  jax.ShapeDtypeStruct((4, 32, 16), jnp.int32)),
        mesh=plsc.VectorSubcoreMesh(**_SC_MESH),
        compiler_params=_SC_PARAMS_NL,
        scratch_types=[
            pltpu.VMEM((8, 64), jnp.int32),
            pltpu.VMEM((8, 64), jnp.int32),
            pltpu.VMEM((CAPW + 16,), jnp.int32),
            pltpu.VMEM((CAPW + 16,), jnp.int32),
            pltpu.VMEM((16,), jnp.int32),
        ],
    )(_part_body)


def _spmm_body(t_hbm, row2, col2, zeros2d, outp,
               row_v, col_v, rows_v, acc, sem):
    c = lax.axis_index("c")
    s = lax.axis_index("s")
    base = c * HALF
    pltpu.sync_copy(zeros2d, acc.at[pl.ds(s * 1632, 1632)])
    plsc.subcore_barrier()

    def chunk_body(o, carry):
        r0 = s * 400 + o * 16
        pltpu.sync_copy(row2.at[pl.ds(r0, 16)], row_v)
        pltpu.sync_copy(col2.at[pl.ds(r0, 16)], col_v)

        def body(j, carry2):
            for i in range(8):
                cv = col_v[j, pl.ds(i * 16, 16)]
                lc = cv - base
                ok = (lc >= 0) & (lc < HALF)
                junk = JUNK_LOCAL + (cv & 1023)
                col_v[j, pl.ds(i * 16, 16)] = jnp.where(ok, lc, junk)
            pltpu.async_copy(t_hbm.at[row_v.at[j]], rows_v, sem).wait()
            pltpu.sync_copy(rows_v, acc.at[col_v.at[j]], add=True)
            return carry2

        lax.fori_loop(0, 16, body, 0)
        return carry

    lax.fori_loop(0, 25, chunk_body, 0)
    plsc.subcore_barrier()
    pltpu.sync_copy(acc.at[pl.ds(s * 1632, 1632)],
                    outp.at[c, pl.ds(s * 1632, 1632)])


def _make_spmm_kernel():
    return functools.partial(
        pl.kernel,
        out_type=jax.ShapeDtypeStruct((2, ACC_ROWS, HID), jnp.float32),
        mesh=plsc.VectorSubcoreMesh(**_SC_MESH),
        compiler_params=_SC_PARAMS,
        scratch_types=[
            pltpu.VMEM((16, 128), jnp.int32),
            pltpu.VMEM((16, 128), jnp.int32),
            pltpu.VMEM((128, HID), jnp.float32),
            pltpu.VMEM_SHARED((ACC_ROWS, HID), jnp.float32),
            pltpu.SemaphoreType.DMA,
        ],
    )(_spmm_body)


def _pedge_body(u_hbm, v_hbm, src2, dst2, outU, outV, si, di, ub, vb,
                semu, semv):
    c = lax.axis_index("c")
    s = lax.axis_index("s")
    wid = s * 2 + c

    @pl.when(wid < 25)
    def _():
        pltpu.sync_copy(src2.at[pl.ds(wid * 32, 32)], si)
        pltpu.sync_copy(dst2.at[pl.ds(wid * 32, 32)], di)

        def body(j, carry):
            pltpu.async_copy(u_hbm.at[si.at[j]], ub, semu).wait()
            pltpu.sync_copy(ub, outU.at[pl.ds(wid * 4096 + j * 128, 128)])
            pltpu.async_copy(v_hbm.at[di.at[j]], vb, semv).wait()
            pltpu.sync_copy(vb, outV.at[pl.ds(wid * 4096 + j * 128, 128)])
            return carry

        lax.fori_loop(0, 32, body, 0)


def _make_pedge_kernel():
    return functools.partial(
        pl.kernel,
        out_type=(jax.ShapeDtypeStruct((PEPAD, HID), jnp.float32),
                  jax.ShapeDtypeStruct((PEPAD, HID), jnp.float32)),
        mesh=plsc.VectorSubcoreMesh(**_SC_MESH),
        compiler_params=_SC_PARAMS,
        scratch_types=[
            pltpu.VMEM((32, 128), jnp.int32),
            pltpu.VMEM((32, 128), jnp.int32),
            pltpu.VMEM((128, HID), jnp.float32),
            pltpu.VMEM((128, HID), jnp.float32),
            pltpu.SemaphoreType.DMA,
            pltpu.SemaphoreType.DMA,
        ],
    )(_pedge_body)



def _enc_kernel(x_ref, emb_ref, wn_ref, bn_ref, we_ref, be_ref, h_ref, e_ref):
    h_ref[...] = jnp.maximum(x_ref[...] @ wn_ref[...] + bn_ref[...], 0.0)
    e_ref[...] = jnp.maximum(emb_ref[...] @ we_ref[...] + be_ref[...], 0.0)


def _dinv_kernel(p_ref, o_ref):
    dsum = p_ref[0] + p_ref[1]
    o_ref[...] = jnp.where(dsum > 0.0,
                           lax.rsqrt(jnp.maximum(dsum, 1e-12)), 0.0)


def _pre_kernel(h_ref, dinv_ref, wi_ref, wr_ref, t_ref, r_ref):
    hs = h_ref[...] * dinv_ref[...]
    t_ref[...] = hs @ wi_ref[...]
    r_ref[...] = h_ref[...] @ wr_ref[...]


def _post_kernel(agg_ref, dinv_ref, r_ref, bias_ref, out_ref, sums_ref):
    b = pl.program_id(0)
    o = jnp.maximum(agg_ref[0] * dinv_ref[...] + r_ref[...] + bias_ref[...],
                    0.0)
    out_ref[...] = o
    part = jnp.stack([jnp.sum(o, axis=0), jnp.sum(o * o, axis=0)])

    @pl.when(b == 0)
    def _():
        sums_ref[...] = part

    @pl.when(b > 0)
    def _():
        sums_ref[...] += part


def _bn_kernel(out_ref, sums_ref, gamma_ref, beta_ref, h_ref):
    inv_n = 1.0 / N
    mean = sums_ref[0, :] * inv_n
    var = sums_ref[1, :] * inv_n - mean * mean
    scale = lax.rsqrt(var + 1e-5) * gamma_ref[0]
    h_ref[...] = (out_ref[...] - mean) * scale + beta_ref[0]


def _uv_kernel(h_ref, e_ref, wa_ref, wb_ref, wc_ref, wd_ref, b1_ref,
               u_ref, v_ref):
    u_ref[...] = (h_ref[...] @ wa_ref[...] + e_ref[...] @ wb_ref[...]
                  + b1_ref[...])
    v_ref[...] = h_ref[...] @ wc_ref[...] + e_ref[...] @ wd_ref[...]


def _fin_kernel(u_ref, v_ref, w2_ref, b2_ref, y_ref):
    y_ref[...] = jnp.tanh(u_ref[...] + v_ref[...]) @ w2_ref[...] + b2_ref[0]


def _full(shape):
    nd = len(shape)
    return pl.BlockSpec(shape, lambda b: (0,) * nd)



def kernel(x, emb, edge_index, pedge_index, W_node, b_node, W_emb, b_emb,
           conv_init_w, conv_root_w, conv_bias, bn_gamma, bn_beta,
           W1, b1, W2, b2):
    f32 = jnp.float32
    row = edge_index[0]
    col = edge_index[1]
    i32 = jnp.int32
    epad_fill_row = (jnp.arange(EPAD - E, dtype=i32) * 911) % N
    epad_fill_col = JUNK_DEG + (jnp.arange(EPAD - E, dtype=i32) % 768)
    row2 = jnp.concatenate([row, epad_fill_row]).reshape(EROWS, 128)
    col2 = jnp.concatenate([col, epad_fill_col]).reshape(EROWS, 128)
    pepad_fill = (jnp.arange(PEPAD - PE, dtype=i32) * 877) % N
    src2 = jnp.concatenate([pedge_index[0], pepad_fill]).reshape(PEROWS, 128)
    dst2 = jnp.concatenate([pedge_index[1], pepad_fill]).reshape(PEROWS, 128)

    zeros1d = jnp.zeros((3200,), f32)
    zeros2d = jnp.zeros((1632, HID), f32)

    Wa = W1[0:72] + W1[144:216] + W1[288:360]
    Wb = W1[72:144] + W1[216:288] + W1[360:432]
    Wc = W1[432:504] + W1[576:648] + W1[720:792]
    Wd = W1[504:576] + W1[648:720] + W1[792:864]

    bn1 = b_node.reshape(1, HID)
    be1 = b_emb.reshape(1, HID)
    b1r = b1.reshape(1, HID)
    b2r = b2.reshape(1, 1)

    deg_parts = _make_deg_kernel()(col2, zeros1d)

    grid25 = 25
    BLK = 2000
    h, e = pl.pallas_call(
        _enc_kernel,
        grid=(grid25,),
        in_specs=[
            pl.BlockSpec((BLK, D), lambda b: (b, 0)),
            pl.BlockSpec((BLK, D), lambda b: (b, 0)),
            _full((D, HID)), _full((1, HID)),
            _full((D, HID)), _full((1, HID)),
        ],
        out_specs=[
            pl.BlockSpec((BLK, HID), lambda b: (b, 0)),
            pl.BlockSpec((BLK, HID), lambda b: (b, 0)),
        ],
        out_shape=[
            jax.ShapeDtypeStruct((N, HID), f32),
            jax.ShapeDtypeStruct((N, HID), f32),
        ],
    )(x, emb, W_node, bn1, W_emb, be1)

    dinv2d = pl.pallas_call(
        _dinv_kernel,
        out_shape=jax.ShapeDtypeStruct((400, 128), f32),
    )(deg_parts.reshape(2, 400, 128))
    dinv = dinv2d.reshape(DEG_ROWS, 1)[:N]

    spmm = _make_spmm_kernel()

    for l in range(3):
        wi = conv_init_w[l]
        wr = conv_root_w[l]
        bias = conv_bias[l].reshape(1, HID)
        t, r = pl.pallas_call(
            _pre_kernel,
            grid=(grid25,),
            in_specs=[
                pl.BlockSpec((BLK, HID), lambda b: (b, 0)),
                pl.BlockSpec((BLK, 1), lambda b: (b, 0)),
                _full((HID, HID)), _full((HID, HID)),
            ],
            out_specs=[
                pl.BlockSpec((BLK, HID), lambda b: (b, 0)),
                pl.BlockSpec((BLK, HID), lambda b: (b, 0)),
            ],
            out_shape=[
                jax.ShapeDtypeStruct((N, HID), f32),
                jax.ShapeDtypeStruct((N, HID), f32),
            ],
        )(h, dinv, wi, wr)

        agg_parts = spmm(t, row2, col2, zeros2d)

        out, sums = pl.pallas_call(
            _post_kernel,
            grid=(50,),
            in_specs=[
                pl.BlockSpec((1, 1000, HID), lambda b: (b // 25, b % 25, 0)),
                pl.BlockSpec((1000, 1), lambda b: (b, 0)),
                pl.BlockSpec((1000, HID), lambda b: (b, 0)),
                _full((1, HID)),
            ],
            out_specs=[
                pl.BlockSpec((1000, HID), lambda b: (b, 0)),
                pl.BlockSpec((2, HID), lambda b: (0, 0)),
            ],
            out_shape=[
                jax.ShapeDtypeStruct((N, HID), f32),
                jax.ShapeDtypeStruct((2, HID), f32),
            ],
        )(agg_parts, dinv, r, bias)

        h = pl.pallas_call(
            _bn_kernel,
            grid=(grid25,),
            in_specs=[
                pl.BlockSpec((BLK, HID), lambda b: (b, 0)),
                _full((2, HID)), _full((1, HID)), _full((1, HID)),
            ],
            out_specs=pl.BlockSpec((BLK, HID), lambda b: (b, 0)),
            out_shape=jax.ShapeDtypeStruct((N, HID), f32),
        )(out, sums, bn_gamma[l].reshape(1, HID), bn_beta[l].reshape(1, HID))

    u, v = pl.pallas_call(
        _uv_kernel,
        grid=(grid25,),
        in_specs=[
            pl.BlockSpec((BLK, HID), lambda b: (b, 0)),
            pl.BlockSpec((BLK, HID), lambda b: (b, 0)),
            _full((HID, HID)), _full((HID, HID)),
            _full((HID, HID)), _full((HID, HID)),
            _full((1, HID)),
        ],
        out_specs=[
            pl.BlockSpec((BLK, HID), lambda b: (b, 0)),
            pl.BlockSpec((BLK, HID), lambda b: (b, 0)),
        ],
        out_shape=[
            jax.ShapeDtypeStruct((N, HID), f32),
            jax.ShapeDtypeStruct((N, HID), f32),
        ],
    )(h, e, Wa, Wb, Wc, Wd, b1r)

    U, V = _make_pedge_kernel()(u, v, src2, dst2)

    y = pl.pallas_call(
        _fin_kernel,
        grid=(32,),
        in_specs=[
            pl.BlockSpec((3200, HID), lambda b: (b, 0)),
            pl.BlockSpec((3200, HID), lambda b: (b, 0)),
            _full((HID, 1)), _full((1, 1)),
        ],
        out_specs=pl.BlockSpec((3200, 1), lambda b: (b, 0)),
        out_shape=jax.ShapeDtypeStruct((PEPAD, 1), f32),
    )(U, V, W2, b2r)

    return y[:PE]

# --- scband reference (transcript-rebuilt; emitter-appended) ---
"""Pipeline reference for scband-edge-mask-net-34342558499148 (READ-ONLY COPY).

The authoritative reference and input builder live on the scoring server;
editing this copy changes nothing except your own understanding.
"""

import jax, jax.numpy as jnp
import numpy as np

N = 50000
E = 800000
PE = 100000
D = 128
HID = 72
L = 3

def _xavier(k, shape):
    fan_in, fan_out = shape[-2], shape[-1]
    lim = (6.0 / (fan_in + fan_out)) ** 0.5
    return jax.random.uniform(k, shape, jnp.float32, -lim, lim)

def setup_inputs(seed: int = 0):
    key = jax.random.key(seed)
    ks = jax.random.split(key, 16)
    inp = {}
    inp["x"] = jax.random.normal(ks[0], (N, D), dtype=jnp.float32)
    inp["emb"] = jax.random.normal(ks[1], (N, D), dtype=jnp.float32)
    inp["edge_index"] = jax.random.randint(ks[2], (2, E), 0, N, dtype=jnp.int32)
    inp["pedge_index"] = jax.random.randint(ks[3], (2, PE), 0, N, dtype=jnp.int32)
    inp["W_node"] = _xavier(ks[4], (D, HID)); inp["b_node"] = jnp.zeros((HID,), jnp.float32)
    inp["W_emb"] = _xavier(ks[5], (D, HID)); inp["b_emb"] = jnp.zeros((HID,), jnp.float32)
    inp["conv_init_w"] = _xavier(ks[6], (L, HID, HID))
    inp["conv_root_w"] = _xavier(ks[7], (L, HID, HID))
    inp["conv_bias"] = jnp.zeros((L, HID), jnp.float32)
    inp["bn_gamma"] = jnp.ones((L, HID), jnp.float32)
    inp["bn_beta"] = jnp.zeros((L, HID), jnp.float32)
    inp["W1"] = _xavier(ks[8], (12 * HID, HID)); inp["b1"] = jnp.zeros((HID,), jnp.float32)
    inp["W2"] = _xavier(ks[9], (HID, 1)); inp["b2"] = jnp.zeros((1,), jnp.float32)
    return inp

def reference(x, emb, edge_index, pedge_index, W_node, b_node, W_emb, b_emb, conv_init_w, conv_root_w, conv_bias, bn_gamma, bn_beta, W1, b1, W2, b2):
    row, col = edge_index[0], edge_index[1]
    # gcn_norm without self-loops (ARMAConv default)
    deg = jax.ops.segment_sum(jnp.ones(row.shape[0], jnp.float32), col, num_segments=N)
    dinv = jnp.where(deg > 0, jax.lax.rsqrt(jnp.maximum(deg, 1e-12)), 0.0)
    norm = dinv[row] * dinv[col]
    h = jax.nn.relu(x @ W_node + b_node)
    for l in range(L):
        # ARMAConv with num_stacks=1, num_layers=1: relu(L_hat (h W_init) + h W_root + b)
        out = h @ conv_init_w[l]
        agg = jax.ops.segment_sum(norm[:, None] * out[row], col, num_segments=N)
        out = jax.nn.relu(agg + h @ conv_root_w[l] + conv_bias[l])
        out = jax.nn.relu(out)  # outer F.relu in EdgeMaskNet.forward
        mean = out.mean(axis=0)
        var = out.var(axis=0)
        h = (out - mean) / jnp.sqrt(var + 1e-5) * bn_gamma[l] + bn_beta[l]
    e = jax.nn.relu(emb @ W_emb + b_emb)
    z = jnp.concatenate([h, e], axis=-1)
    z = jnp.concatenate([z, z, z], axis=-1)  # assign is None -> cat branch
    pe = jnp.concatenate([z[pedge_index[0]], z[pedge_index[1]]], axis=1)
    return jnp.tanh(pe @ W1 + b1) @ W2 + b2

if __name__ == "__main__":
    import jax
    _d = setup_inputs()
    print(jax.jit(kernel)(*tuple(_d.values())))

</pallas_src>

<mosaic_0001>
#map = affine_map<(d0, d1) -> (0, 0)>
#map1 = affine_map<(d0, d1) -> (0, 0, 0)>
module attributes {stable_mosaic.version = 14 : i64} {
  func.func @_spmm_body(%arg0: i32, %arg1: i32, %arg2: memref<50000x72xf32, #tpu.memory_space<hbm>>, %arg3: memref<6400x128xi32, #tpu.memory_space<hbm>>, %arg4: memref<6400x128xi32, #tpu.memory_space<hbm>>, %arg5: memref<1632x72xf32, #tpu.memory_space<hbm>>, %arg6: memref<2x26112x72xf32, #tpu.memory_space<hbm>>, %arg7: memref<16x128xi32, #tpu.memory_space<vmem>>, %arg8: memref<16x128xi32, #tpu.memory_space<vmem>>, %arg9: memref<128x72xf32, #tpu.memory_space<vmem>>, %arg10: memref<26112x72xf32, #tpu.memory_space<vmem_shared>>, %arg11: memref<!tpu.dma_semaphore, #tpu.memory_space<semaphore_mem>>) attributes {dimension_semantics = [#tpu.dimension_semantics<core_parallel>, #tpu.dimension_semantics<subcore_parallel>], iteration_bounds = array<i64: 2, 16>, scalar_prefetch = 0 : i64, scratch_operands = 5 : i64, tpu.core_type = #tpu.core_type<sc_vector_subcore>, window_params = [{transform_indices = #map}, {transform_indices = #map}, {transform_indices = #map}, {transform_indices = #map}, {transform_indices = #map1}]} {
    %mul3A = arith.constant 25000 : i32
    %mul3A_0 = arith.muli %arg0, %mul3A : i32
    %mul3A_1 = arith.constant 1632 : i32
    %mul3A_2 = arith.muli %arg1, %mul3A_1 : i32
    "tpu.region"() ({
      %run_scoped3A = tpu.sem_alloc : memref<!tpu.dma_semaphore, #tpu.memory_space<semaphore_mem>>
      %dma_start3A = arith.constant 0 : i32
      %dma_start3A_13 = tpu.memref_slice %arg10[%mul3A_2, %dma_start3A] : memref<26112x72xf32, #tpu.memory_space<vmem_shared>> -> memref<1632x72xf32, #tpu.memory_space<vmem_shared>>
      tpu.enqueue_dma source(%arg5 : memref<1632x72xf32, #tpu.memory_space<hbm>>) target(%dma_start3A_13 : memref<1632x72xf32, #tpu.memory_space<vmem_shared>>) target_semaphore(%run_scoped3A : memref<!tpu.dma_semaphore, #tpu.memory_space<semaphore_mem>>)
      %dma_wait3A = arith.constant 0 : i32
      %dma_wait3A_14 = tpu.memref_slice %arg10[%mul3A_2, %dma_wait3A] : memref<26112x72xf32, #tpu.memory_space<vmem_shared>> -> memref<1632x72xf32, #tpu.memory_space<vmem_shared>>
      tpu.wait_dma2 semaphore(%run_scoped3A : memref<!tpu.dma_semaphore, #tpu.memory_space<semaphore_mem>>) src(%arg5 : memref<1632x72xf32, #tpu.memory_space<hbm>>) dst(%dma_wait3A_14 : memref<1632x72xf32, #tpu.memory_space<vmem_shared>>)
      tpu.yield
    }) : () -> ()
    %barrier3A = arith.constant 0 : index
    tpu.barrier barrier_id(%barrier3A)
    %scan3A = arith.constant 0 : i32
    %scan3A_3 = arith.constant 0 : i32
    %scan3A_4 = arith.constant 25 : i32
    %scan3A_5 = arith.addi %scan3A_3, %scan3A_4 : i32
    %scan3A_6 = arith.constant 1 : i32
    scf.for %scan3A_13 = %scan3A_3 to %scan3A_5 step %scan3A_6  : i32 {
      %mul3A_14 = arith.constant 400 : i32
      %mul3A_15 = arith.muli %arg1, %mul3A_14 : i32
      %mul3A_16 = arith.constant 16 : i32
      %mul3A_17 = arith.muli %scan3A_13, %mul3A_16 : i32
      %add3A = arith.addi %mul3A_15, %mul3A_17 : i32
      "tpu.region"() ({
        %run_scoped3A = tpu.sem_alloc : memref<!tpu.dma_semaphore, #tpu.memory_space<semaphore_mem>>
        %dma_start3A = arith.constant 0 : i32
        %dma_start3A_24 = tpu.memref_slice %arg3[%add3A, %dma_start3A] : memref<6400x128xi32, #tpu.memory_space<hbm>> -> memref<16x128xi32, #tpu.memory_space<hbm>>
        %dma_start3A_25 = arith.constant 0 : i32
        %dma_start3A_26 = tpu.memref_slice %arg3[%add3A, %dma_start3A_25] : memref<6400x128xi32, #tpu.memory_space<hbm>> -> memref<16x128xi32, #tpu.memory_space<hbm>>
        tpu.enqueue_dma source(%dma_start3A_26 : memref<16x128xi32, #tpu.memory_space<hbm>>) target(%arg7 : memref<16x128xi32, #tpu.memory_space<vmem>>) target_semaphore(%run_scoped3A : memref<!tpu.dma_semaphore, #tpu.memory_space<semaphore_mem>>)
        %dma_wait3A = arith.constant 0 : i32
        %dma_wait3A_27 = tpu.memref_slice %arg3[%add3A, %dma_wait3A] : memref<6400x128xi32, #tpu.memory_space<hbm>> -> memref<16x128xi32, #tpu.memory_space<hbm>>
        %dma_wait3A_28 = arith.constant 0 : i32
        %dma_wait3A_29 = tpu.memref_slice %arg3[%add3A, %dma_wait3A_28] : memref<6400x128xi32, #tpu.memory_space<hbm>> -> memref<16x128xi32, #tpu.memory_space<hbm>>
        tpu.wait_dma2 semaphore(%run_scoped3A : memref<!tpu.dma_semaphore, #tpu.memory_space<semaphore_mem>>) src(%dma_wait3A_29 : memref<16x128xi32, #tpu.memory_space<hbm>>) dst(%arg7 : memref<16x128xi32, #tpu.memory_space<vmem>>)
        tpu.yield
      }) : () -> ()
      "tpu.region"() ({
        %run_scoped3A = tpu.sem_alloc : memref<!tpu.dma_semaphore, #tpu.memory_space<semaphore_mem>>
        %dma_start3A = arith.constant 0 : i32
        %dma_start3A_24 = tpu.memref_slice %arg4[%add3A, %dma_start3A] : memref<6400x128xi32, #tpu.memory_space<hbm>> -> memref<16x128xi32, #tpu.memory_space<hbm>>
        %dma_start3A_25 = arith.constant 0 : i32
        %dma_start3A_26 = tpu.memref_slice %arg4[%add3A, %dma_start3A_25] : memref<6400x128xi32, #tpu.memory_space<hbm>> -> memref<16x128xi32, #tpu.memory_space<hbm>>
        tpu.enqueue_dma source(%dma_start3A_26 : memref<16x128xi32, #tpu.memory_space<hbm>>) target(%arg8 : memref<16x128xi32, #tpu.memory_space<vmem>>) target_semaphore(%run_scoped3A : memref<!tpu.dma_semaphore, #tpu.memory_space<semaphore_mem>>)
        %dma_wait3A = arith.constant 0 : i32
        %dma_wait3A_27 = tpu.memref_slice %arg4[%add3A, %dma_wait3A] : memref<6400x128xi32, #tpu.memory_space<hbm>> -> memref<16x128xi32, #tpu.memory_space<hbm>>
        %dma_wait3A_28 = arith.constant 0 : i32
        %dma_wait3A_29 = tpu.memref_slice %arg4[%add3A, %dma_wait3A_28] : memref<6400x128xi32, #tpu.memory_space<hbm>> -> memref<16x128xi32, #tpu.memory_space<hbm>>
        tpu.wait_dma2 semaphore(%run_scoped3A : memref<!tpu.dma_semaphore, #tpu.memory_space<semaphore_mem>>) src(%dma_wait3A_29 : memref<16x128xi32, #tpu.memory_space<hbm>>) dst(%arg8 : memref<16x128xi32, #tpu.memory_space<vmem>>)
        tpu.yield
      }) : () -> ()
      %scan3A_18 = arith.constant 0 : i32
      %scan3A_19 = arith.constant 0 : i32
      %scan3A_20 = arith.constant 16 : i32
      %scan3A_21 = arith.addi %scan3A_19, %scan3A_20 : i32
      %scan3A_22 = arith.constant 1 : i32
      scf.for %scan3A_24 = %scan3A_19 to %scan3A_21 step %scan3A_22  : i32 {
        %get3A = arith.index_cast %scan3A_24 : i32 to index
        %get3A_25 = arith.constant 0 : index
        %get3A_26 = tpu.vector_load %arg8[%get3A, %get3A_25] {strides = array<i32>} : memref<16x128xi32, #tpu.memory_space<vmem>>, vector<1x16xi32>,
        %get3A_27 = vector.shape_cast %get3A_26 : vector<1x16xi32> to vector<16xi32>
        %sub3A = vector.broadcast %mul3A_0 : i32 to vector<16xi32>
        %sub3A_28 = arith.subi %get3A_27, %sub3A : vector<16xi32>
        %ge3A = arith.constant 0 : i32
        %ge3A_29 = vector.broadcast %ge3A : i32 to vector<16xi32>
        %ge3A_30 = arith.cmpi sge, %sub3A_28, %ge3A_29 : vector<16xi32>
        %lt3A = arith.constant 25000 : i32
        %lt3A_31 = vector.broadcast %lt3A : i32 to vector<16xi32>
        %lt3A_32 = arith.cmpi slt, %sub3A_28, %lt3A_31 : vector<16xi32>
        %and3A = arith.andi %ge3A_30, %lt3A_32 : vector<16xi1>
        %and3A_33 = arith.constant 1023 : i32
        %and3A_34 = vector.broadcast %and3A_33 : i32 to vector<16xi32>
        %and3A_35 = arith.andi %get3A_27, %and3A_34 : vector<16xi32>
        %add3A_36 = arith.constant 25024 : i32
        %add3A_37 = vector.broadcast %add3A_36 : i32 to vector<16xi32>
        %add3A_38 = arith.addi %add3A_37, %and3A_35 : vector<16xi32>
        %select_n3A = arith.select %and3A, %sub3A_28, %add3A_38 : vector<16xi1>, vector<16xi32>
        %swap3A = arith.index_cast %scan3A_24 : i32 to index
        %swap3A_39 = arith.constant 0 : index
        %swap3A_40 = tpu.vector_load %arg8[%swap3A, %swap3A_39] {strides = array<i32>} : memref<16x128xi32, #tpu.memory_space<vmem>>, vector<1x16xi32>,
        %swap3A_41 = vector.shape_cast %swap3A_40 : vector<1x16xi32> to vector<16xi32>
        %swap3A_42 = vector.shape_cast %select_n3A : vector<16xi32> to vector<1x16xi32>
        tpu.vector_store %arg8[%swap3A, %swap3A_39], %swap3A_42 {strides = array<i32>} : memref<16x128xi32, #tpu.memory_space<vmem>>, vector<1x16xi32>,
        %get3A_43 = arith.index_cast %scan3A_24 : i32 to index
        %get3A_44 = arith.constant 16 : index
        %get3A_45 = tpu.vector_load %arg8[%get3A_43, %get3A_44] {strides = array<i32>} : memref<16x128xi32, #tpu.memory_space<vmem>>, vector<1x16xi32>,
        %get3A_46 = vector.shape_cast %get3A_45 : vector<1x16xi32> to vector<16xi32>
        %sub3A_47 = vector.broadcast %mul3A_0 : i32 to vector<16xi32>
        %sub3A_48 = arith.subi %get3A_46, %sub3A_47 : vector<16xi32>
        %ge3A_49 = arith.constant 0 : i32
        %ge3A_50 = vector.broadcast %ge3A_49 : i32 to vector<16xi32>
        %ge3A_51 = arith.cmpi sge, %sub3A_48, %ge3A_50 : vector<16xi32>
        %lt3A_52 = arith.constant 25000 : i32
        %lt3A_53 = vector.broadcast %lt3A_52 : i32 to vector<16xi32>
        %lt3A_54 = arith.cmpi slt, %sub3A_48, %lt3A_53 : vector<16xi32>
        %and3A_55 = arith.andi %ge3A_51, %lt3A_54 : vector<16xi1>
        %and3A_56 = arith.constant 1023 : i32
        %and3A_57 = vector.broadcast %and3A_56 : i32 to vector<16xi32>
        %and3A_58 = arith.andi %get3A_46, %and3A_57 : vector<16xi32>
        %add3A_59 = arith.constant 25024 : i32
        %add3A_60 = vector.broadcast %add3A_59 : i32 to vector<16xi32>
        %add3A_61 = arith.addi %add3A_60, %and3A_58 : vector<16xi32>
        %select_n3A_62 = arith.select %and3A_55, %sub3A_48, %add3A_61 : vector<16xi1>, vector<16xi32>
        %swap3A_63 = arith.index_cast %scan3A_24 : i32 to index
        %swap3A_64 = arith.constant 16 : index
        %swap3A_65 = tpu.vector_load %arg8[%swap3A_63, %swap3A_64] {strides = array<i32>} : memref<16x128xi32, #tpu.memory_space<vmem>>, vector<1x16xi32>,
        %swap3A_66 = vector.shape_cast %swap3A_65 : vector<1x16xi32> to vector<16xi32>
        %swap3A_67 = vector.shape_cast %select_n3A_62 : vector<16xi32> to vector<1x16xi32>
        tpu.vector_store %arg8[%swap3A_63, %swap3A_64], %swap3A_67 {strides = array<i32>} : memref<16x128xi32, #tpu.memory_space<vmem>>, vector<1x16xi32>,
        %get3A_68 = arith.index_cast %scan3A_24 : i32 to index
        %get3A_69 = arith.constant 32 : index
        %get3A_70 = tpu.vector_load %arg8[%get3A_68, %get3A_69] {strides = array<i32>} : memref<16x128xi32, #tpu.memory_space<vmem>>, vector<1x16xi32>,
        %get3A_71 = vector.shape_cast %get3A_70 : vector<1x16xi32> to vector<16xi32>
        %sub3A_72 = vector.broadcast %mul3A_0 : i32 to vector<16xi32>
        %sub3A_73 = arith.subi %get3A_71, %sub3A_72 : vector<16xi32>
        %ge3A_74 = arith.constant 0 : i32
        %ge3A_75 = vector.broadcast %ge3A_74 : i32 to vector<16xi32>
        %ge3A_76 = arith.cmpi sge, %sub3A_73, %ge3A_75 : vector<16xi32>
        %lt3A_77 = arith.constant 25000 : i32
        %lt3A_78 = vector.broadcast %lt3A_77 : i32 to vector<16xi32>
        %lt3A_79 = arith.cmpi slt, %sub3A_73, %lt3A_78 : vector<16xi32>
        %and3A_80 = arith.andi %ge3A_76, %lt3A_79 : vector<16xi1>
        %and3A_81 = arith.constant 1023 : i32
        %and3A_82 = vector.broadcast %and3A_81 : i32 to vector<16xi32>
        %and3A_83 = arith.andi %get3A_71, %and3A_82 : vector<16xi32>
        %add3A_84 = arith.constant 25024 : i32
        %add3A_85 = vector.broadcast %add3A_84 : i32 to vector<16xi32>
        %add3A_86 = arith.addi %add3A_85, %and3A_83 : vector<16xi32>
        %select_n3A_87 = arith.select %and3A_80, %sub3A_73, %add3A_86 : vector<16xi1>, vector<16xi32>
        %swap3A_88 = arith.index_cast %scan3A_24 : i32 to index
        %swap3A_89 = arith.constant 32 : index
        %swap3A_90 = tpu.vector_load %arg8[%swap3A_88, %swap3A_89] {strides = array<i32>} : memref<16x128xi32, #tpu.memory_space<vmem>>, vector<1x16xi32>,
        %swap3A_91 = vector.shape_cast %swap3A_90 : vector<1x16xi32> to vector<16xi32>
        %swap3A_92 = vector.shape_cast %select_n3A_87 : vector<16xi32> to vector<1x16xi32>
        tpu.vector_store %arg8[%swap3A_88, %swap3A_89], %swap3A_92 {strides = array<i32>} : memref<16x128xi32, #tpu.memory_space<vmem>>, vector<1x16xi32>,
        %get3A_93 = arith.index_cast %scan3A_24 : i32 to index
        %get3A_94 = arith.constant 48 : index
        %get3A_95 = tpu.vector_load %arg8[%get3A_93, %get3A_94] {strides = array<i32>} : memref<16x128xi32, #tpu.memory_space<vmem>>, vector<1x16xi32>,
        %get3A_96 = vector.shape_cast %get3A_95 : vector<1x16xi32> to vector<16xi32>
        %sub3A_97 = vector.broadcast %mul3A_0 : i32 to vector<16xi32>
        %sub3A_98 = arith.subi %get3A_96, %sub3A_97 : vector<16xi32>
        %ge3A_99 = arith.constant 0 : i32
        %ge3A_100 = vector.broadcast %ge3A_99 : i32 to vector<16xi32>
        %ge3A_101 = arith.cmpi sge, %sub3A_98, %ge3A_100 : vector<16xi32>
        %lt3A_102 = arith.constant 25000 : i32
        %lt3A_103 = vector.broadcast %lt3A_102 : i32 to vector<16xi32>
        %lt3A_104 = arith.cmpi slt, %sub3A_98, %lt3A_103 : vector<16xi32>
        %and3A_105 = arith.andi %ge3A_101, %lt3A_104 : vector<16xi1>
        %and3A_106 = arith.constant 1023 : i32
        %and3A_107 = vector.broadcast %and3A_106 : i32 to vector<16xi32>
        %and3A_108 = arith.andi %get3A_96, %and3A_107 : vector<16xi32>
        %add3A_109 = arith.constant 25024 : i32
        %add3A_110 = vector.broadcast %add3A_109 : i32 to vector<16xi32>
        %add3A_111 = arith.addi %add3A_110, %and3A_108 : vector<16xi32>
        %select_n3A_112 = arith.select %and3A_105, %sub3A_98, %add3A_111 : vector<16xi1>, vector<16xi32>
        %swap3A_113 = arith.index_cast %scan3A_24 : i32 to index
        %swap3A_114 = arith.constant 48 : index
        %swap3A_115 = tpu.vector_load %arg8[%swap3A_113, %swap3A_114] {strides = array<i32>} : memref<16x128xi32, #tpu.memory_space<vmem>>, vector<1x16xi32>,
        %swap3A_116 = vector.shape_cast %swap3A_115 : vector<1x16xi32> to vector<16xi32>
        %swap3A_117 = vector.shape_cast %select_n3A_112 : vector<16xi32> to vector<1x16xi32>
        tpu.vector_store %arg8[%swap3A_113, %swap3A_114], %swap3A_117 {strides = array<i32>} : memref<16x128xi32, #tpu.memory_space<vmem>>, vector<1x16xi32>,
        %get3A_118 = arith.index_cast %scan3A_24 : i32 to index
        %get3A_119 = arith.constant 64 : index
        %get3A_120 = tpu.vector_load %arg8[%get3A_118, %get3A_119] {strides = array<i32>} : memref<16x128xi32, #tpu.memory_space<vmem>>, vector<1x16xi32>,
        %get3A_121 = vector.shape_cast %get3A_120 : vector<1x16xi32> to vector<16xi32>
        %sub3A_122 = vector.broadcast %mul3A_0 : i32 to vector<16xi32>
        %sub3A_123 = arith.subi %get3A_121, %sub3A_122 : vector<16xi32>
        %ge3A_124 = arith.constant 0 : i32
        %ge3A_125 = vector.broadcast %ge3A_124 : i32 to vector<16xi32>
        %ge3A_126 = arith.cmpi sge, %sub3A_123, %ge3A_125 : vector<16xi32>
        %lt3A_127 = arith.constant 25000 : i32
        %lt3A_128 = vector.broadcast %lt3A_127 : i32 to vector<16xi32>
        %lt3A_129 = arith.cmpi slt, %sub3A_123, %lt3A_128 : vector<16xi32>
        %and3A_130 = arith.andi %ge3A_126, %lt3A_129 : vector<16xi1>
        %and3A_131 = arith.constant 1023 : i32
        %and3A_132 = vector.broadcast %and3A_131 : i32 to vector<16xi32>
        %and3A_133 = arith.andi %get3A_121, %and3A_132 : vector<16xi32>
        %add3A_134 = arith.constant 25024 : i32
        %add3A_135 = vector.broadcast %add3A_134 : i32 to vector<16xi32>
        %add3A_136 = arith.addi %add3A_135, %and3A_133 : vector<16xi32>
        %select_n3A_137 = arith.select %and3A_130, %sub3A_123, %add3A_136 : vector<16xi1>, vector<16xi32>
        %swap3A_138 = arith.index_cast %scan3A_24 : i32 to index
        %swap3A_139 = arith.constant 64 : index
        %swap3A_140 = tpu.vector_load %arg8[%swap3A_138, %swap3A_139] {strides = array<i32>} : memref<16x128xi32, #tpu.memory_space<vmem>>, vector<1x16xi32>,
        %swap3A_141 = vector.shape_cast %swap3A_140 : vector<1x16xi32> to vector<16xi32>
        %swap3A_142 = vector.shape_cast %select_n3A_137 : vector<16xi32> to vector<1x16xi32>
        tpu.vector_store %arg8[%swap3A_138, %swap3A_139], %swap3A_142 {strides = array<i32>} : memref<16x128xi32, #tpu.memory_space<vmem>>, vector<1x16xi32>,
        %get3A_143 = arith.index_cast %scan3A_24 : i32 to index
        %get3A_144 = arith.constant 80 : index
        %get3A_145 = tpu.vector_load %arg8[%get3A_143, %get3A_144] {strides = array<i32>} : memref<16x128xi32, #tpu.memory_space<vmem>>, vector<1x16xi32>,
        %get3A_146 = vector.shape_cast %get3A_145 : vector<1x16xi32> to vector<16xi32>
        %sub3A_147 = vector.broadcast %mul3A_0 : i32 to vector<16xi32>
        %sub3A_148 = arith.subi %get3A_146, %sub3A_147 : vector<16xi32>
        %ge3A_149 = arith.constant 0 : i32
        %ge3A_150 = vector.broadcast %ge3A_149 : i32 to vector<16xi32>
        %ge3A_151 = arith.cmpi sge, %sub3A_148, %ge3A_150 : vector<16xi32>
        %lt3A_152 = arith.constant 25000 : i32
        %lt3A_153 = vector.broadcast %lt3A_152 : i32 to vector<16xi32>
        %lt3A_154 = arith.cmpi slt, %sub3A_148, %lt3A_153 : vector<16xi32>
        %and3A_155 = arith.andi %ge3A_151, %lt3A_154 : vector<16xi1>
        %and3A_156 = arith.constant 1023 : i32
        %and3A_157 = vector.broadcast %and3A_156 : i32 to vector<16xi32>
        %and3A_158 = arith.andi %get3A_146, %and3A_157 : vector<16xi32>
        %add3A_159 = arith.constant 25024 : i32
        %add3A_160 = vector.broadcast %add3A_159 : i32 to vector<16xi32>
        %add3A_161 = arith.addi %add3A_160, %and3A_158 : vector<16xi32>
        %select_n3A_162 = arith.select %and3A_155, %sub3A_148, %add3A_161 : vector<16xi1>, vector<16xi32>
        %swap3A_163 = arith.index_cast %scan3A_24 : i32 to index
        %swap3A_164 = arith.constant 80 : index
        %swap3A_165 = tpu.vector_load %arg8[%swap3A_163, %swap3A_164] {strides = array<i32>} : memref<16x128xi32, #tpu.memory_space<vmem>>, vector<1x16xi32>,
        %swap3A_166 = vector.shape_cast %swap3A_165 : vector<1x16xi32> to vector<16xi32>
        %swap3A_167 = vector.shape_cast %select_n3A_162 : vector<16xi32> to vector<1x16xi32>
        tpu.vector_store %arg8[%swap3A_163, %swap3A_164], %swap3A_167 {strides = array<i32>} : memref<16x128xi32, #tpu.memory_space<vmem>>, vector<1x16xi32>,
        %get3A_168 = arith.index_cast %scan3A_24 : i32 to index
        %get3A_169 = arith.constant 96 : index
        %get3A_170 = tpu.vector_load %arg8[%get3A_168, %get3A_169] {strides = array<i32>} : memref<16x128xi32, #tpu.memory_space<vmem>>, vector<1x16xi32>,
        %get3A_171 = vector.shape_cast %get3A_170 : vector<1x16xi32> to vector<16xi32>
        %sub3A_172 = vector.broadcast %mul3A_0 : i32 to vector<16xi32>
        %sub3A_173 = arith.subi %get3A_171, %sub3A_172 : vector<16xi32>
        %ge3A_174 = arith.constant 0 : i32
        %ge3A_175 = vector.broadcast %ge3A_174 : i32 to vector<16xi32>
        %ge3A_176 = arith.cmpi sge, %sub3A_173, %ge3A_175 : vector<16xi32>
        %lt3A_177 = arith.constant 25000 : i32
        %lt3A_178 = vector.broadcast %lt3A_177 : i32 to vector<16xi32>
        %lt3A_179 = arith.cmpi slt, %sub3A_173, %lt3A_178 : vector<16xi32>
        %and3A_180 = arith.andi %ge3A_176, %lt3A_179 : vector<16xi1>
        %and3A_181 = arith.constant 1023 : i32
        %and3A_182 = vector.broadcast %and3A_181 : i32 to vector<16xi32>
        %and3A_183 = arith.andi %get3A_171, %and3A_182 : vector<16xi32>
        %add3A_184 = arith.constant 25024 : i32
        %add3A_185 = vector.broadcast %add3A_184 : i32 to vector<16xi32>
        %add3A_186 = arith.addi %add3A_185, %and3A_183 : vector<16xi32>
        %select_n3A_187 = arith.select %and3A_180, %sub3A_173, %add3A_186 : vector<16xi1>, vector<16xi32>
        %swap3A_188 = arith.index_cast %scan3A_24 : i32 to index
        %swap3A_189 = arith.constant 96 : index
        %swap3A_190 = tpu.vector_load %arg8[%swap3A_188, %swap3A_189] {strides = array<i32>} : memref<16x128xi32, #tpu.memory_space<vmem>>, vector<1x16xi32>,
        %swap3A_191 = vector.shape_cast %swap3A_190 : vector<1x16xi32> to vector<16xi32>
        %swap3A_192 = vector.shape_cast %select_n3A_187 : vector<16xi32> to vector<1x16xi32>
        tpu.vector_store %arg8[%swap3A_188, %swap3A_189], %swap3A_192 {strides = array<i32>} : memref<16x128xi32, #tpu.memory_space<vmem>>, vector<1x16xi32>,
        %get3A_193 = arith.index_cast %scan3A_24 : i32 to index
        %get3A_194 = arith.constant 112 : index
        %get3A_195 = tpu.vector_load %arg8[%get3A_193, %get3A_194] {strides = array<i32>} : memref<16x128xi32, #tpu.memory_space<vmem>>, vector<1x16xi32>,
        %get3A_196 = vector.shape_cast %get3A_195 : vector<1x16xi32> to vector<16xi32>
        %sub3A_197 = vector.broadcast %mul3A_0 : i32 to vector<16xi32>
        %sub3A_198 = arith.subi %get3A_196, %sub3A_197 : vector<16xi32>
        %ge3A_199 = arith.constant 0 : i32
        %ge3A_200 = vector.broadcast %ge3A_199 : i32 to vector<16xi32>
        %ge3A_201 = arith.cmpi sge, %sub3A_198, %ge3A_200 : vector<16xi32>
        %lt3A_202 = arith.constant 25000 : i32
        %lt3A_203 = vector.broadcast %lt3A_202 : i32 to vector<16xi32>
        %lt3A_204 = arith.cmpi slt, %sub3A_198, %lt3A_203 : vector<16xi32>
        %and3A_205 = arith.andi %ge3A_201, %lt3A_204 : vector<16xi1>
        %and3A_206 = arith.constant 1023 : i32
        %and3A_207 = vector.broadcast %and3A_206 : i32 to vector<16xi32>
        %and3A_208 = arith.andi %get3A_196, %and3A_207 : vector<16xi32>
        %add3A_209 = arith.constant 25024 : i32
        %add3A_210 = vector.broadcast %add3A_209 : i32 to vector<16xi32>
        %add3A_211 = arith.addi %add3A_210, %and3A_208 : vector<16xi32>
        %select_n3A_212 = arith.select %and3A_205, %sub3A_198, %add3A_211 : vector<16xi1>, vector<16xi32>
        %swap3A_213 = arith.index_cast %scan3A_24 : i32 to index
        %swap3A_214 = arith.constant 112 : index
        %swap3A_215 = tpu.vector_load %arg8[%swap3A_213, %swap3A_214] {strides = array<i32>} : memref<16x128xi32, #tpu.memory_space<vmem>>, vector<1x16xi32>,
        %swap3A_216 = vector.shape_cast %swap3A_215 : vector<1x16xi32> to vector<16xi32>
        %swap3A_217 = vector.shape_cast %select_n3A_212 : vector<16xi32> to vector<1x16xi32>
        tpu.vector_store %arg8[%swap3A_213, %swap3A_214], %swap3A_217 {strides = array<i32>} : memref<16x128xi32, #tpu.memory_space<vmem>>, vector<1x16xi32>,
        %dma_start3A = arith.constant 0 : i32
        %dma_start3A_218 = tpu.memref_slice %arg7[%scan3A_24, %dma_start3A] : memref<16x128xi32, #tpu.memory_space<vmem>> -> memref<1x128xi32, #tpu.memory_space<vmem>>
        %dma_start3A_219 = tpu.memref_squeeze %dma_start3A_218 : memref<1x128xi32, #tpu.memory_space<vmem>> -> memref<128xi32, #tpu.memory_space<vmem>>
        %dma_start3A_220 = arith.constant 0 : i32
        %dma_start3A_221 = arith.constant 0 : i32
        %dma_start3A_222 = tpu.memref_slice %arg2[%dma_start3A_220, %dma_start3A_221] : memref<50000x72xf32, #tpu.memory_space<hbm>> -> memref<50000x72xf32, #tpu.memory_space<hbm>>
        tpu.enqueue_indirect_dma source(%dma_start3A_222 : memref<50000x72xf32, #tpu.memory_space<hbm>>) target(%arg9 : memref<128x72xf32, #tpu.memory_space<vmem>>) offsets(%dma_start3A_219 : memref<128xi32, #tpu.memory_space<vmem>>) semaphore(%arg11 : memref<!tpu.dma_semaphore, #tpu.memory_space<semaphore_mem>>)
        %dma_wait3A = arith.constant 0 : i32
        %dma_wait3A_223 = tpu.memref_slice %arg7[%scan3A_24, %dma_wait3A] : memref<16x128xi32, #tpu.memory_space<vmem>> -> memref<1x128xi32, #tpu.memory_space<vmem>>
        %dma_wait3A_224 = tpu.memref_squeeze %dma_wait3A_223 : memref<1x128xi32, #tpu.memory_space<vmem>> -> memref<128xi32, #tpu.memory_space<vmem>>
        %dma_wait3A_225 = arith.constant 0 : i32
        %dma_wait3A_226 = arith.constant 0 : i32
        %dma_wait3A_227 = tpu.memref_slice %arg2[%dma_wait3A_225, %dma_wait3A_226] : memref<50000x72xf32, #tpu.memory_space<hbm>> -> memref<50000x72xf32, #tpu.memory_space<hbm>>
        tpu.wait_indirect_dma semaphore(%arg11 : memref<!tpu.dma_semaphore, #tpu.memory_space<semaphore_mem>>) src(%dma_wait3A_227 : memref<50000x72xf32, #tpu.memory_space<hbm>>) dst(%arg9 : memref<128x72xf32, #tpu.memory_space<vmem>>)
        "tpu.region"() ({
          %run_scoped3A = tpu.sem_alloc : memref<!tpu.dma_semaphore, #tpu.memory_space<semaphore_mem>>
          %dma_start3A_228 = arith.constant 0 : i32
          %dma_start3A_229 = tpu.memref_slice %arg8[%scan3A_24, %dma_start3A_228] : memref<16x128xi32, #tpu.memory_space<vmem>> -> memref<1x128xi32, #tpu.memory_space<vmem>>
          %dma_start3A_230 = tpu.memref_squeeze %dma_start3A_229 : memref<1x128xi32, #tpu.memory_space<vmem>> -> memref<128xi32, #tpu.memory_space<vmem>>
          %dma_start3A_231 = arith.constant 0 : i32
          %dma_start3A_232 = arith.constant 0 : i32
          %dma_start3A_233 = tpu.memref_slice %arg10[%dma_start3A_231, %dma_start3A_232] : memref<26112x72xf32, #tpu.memory_space<vmem_shared>> -> memref<26112x72xf32, #tpu.memory_space<vmem_shared>>
          tpu.enqueue_indirect_dma source(%arg9 : memref<128x72xf32, #tpu.memory_space<vmem>>) target(%dma_start3A_233 : memref<26112x72xf32, #tpu.memory_space<vmem_shared>>) offsets(%dma_start3A_230 : memref<128xi32, #tpu.memory_space<vmem>>) semaphore(%run_scoped3A : memref<!tpu.dma_semaphore, #tpu.memory_space<semaphore_mem>>) {add = true}
          %dma_wait3A_234 = arith.constant 0 : i32
          %dma_wait3A_235 = tpu.memref_slice %arg8[%scan3A_24, %dma_wait3A_234] : memref<16x128xi32, #tpu.memory_space<vmem>> -> memref<1x128xi32, #tpu.memory_space<vmem>>
          %dma_wait3A_236 = tpu.memref_squeeze %dma_wait3A_235 : memref<1x128xi32, #tpu.memory_space<vmem>> -> memref<128xi32, #tpu.memory_space<vmem>>
          %dma_wait3A_237 = arith.constant 0 : i32
          %dma_wait3A_238 = arith.constant 0 : i32
          %dma_wait3A_239 = tpu.memref_slice %arg10[%dma_wait3A_237, %dma_wait3A_238] : memref<26112x72xf32, #tpu.memory_space<vmem_shared>> -> memref<26112x72xf32, #tpu.memory_space<vmem_shared>>
          tpu.wait_indirect_dma semaphore(%run_scoped3A : memref<!tpu.dma_semaphore, #tpu.memory_space<semaphore_mem>>) src(%arg9 : memref<128x72xf32, #tpu.memory_space<vmem>>) dst(%dma_wait3A_239 : memref<26112x72xf32, #tpu.memory_space<vmem_shared>>)
          tpu.yield
        }) : () -> ()
      }
      %scan3A_23 = arith.constant 16 : i32
    }
    %scan3A_7 = arith.constant 25 : i32
    %barrier3A_8 = arith.constant 0 : index
    tpu.barrier barrier_id(%barrier3A_8)
    %mul3A_9 = arith.constant 1632 : i32
    %mul3A_10 = arith.muli %arg1, %mul3A_9 : i32
    %mul3A_11 = arith.constant 1632 : i32
    %mul3A_12 = arith.muli %arg1, %mul3A_11 : i32
    "tpu.region"() ({
      %run_scoped3A = tpu.sem_alloc : memref<!tpu.dma_semaphore, #tpu.memory_space<semaphore_mem>>
      %dma_start3A = arith.constant 0 : i32
      %dma_start3A_13 = tpu.memref_slice %arg6[%arg0, %mul3A_12, %dma_start3A] : memref<2x26112x72xf32, #tpu.memory_space<hbm>> -> memref<1x1632x72xf32, #tpu.memory_space<hbm>>
      %dma_start3A_14 = tpu.memref_squeeze %dma_start3A_13 : memref<1x1632x72xf32, #tpu.memory_space<hbm>> -> memref<1632x72xf32, #tpu.memory_space<hbm>>
      %dma_start3A_15 = arith.constant 0 : i32
      %dma_start3A_16 = tpu.memref_slice %arg10[%mul3A_10, %dma_start3A_15] : memref<26112x72xf32, #tpu.memory_space<vmem_shared>> -> memref<1632x72xf32, #tpu.memory_space<vmem_shared>>
      tpu.enqueue_dma source(%dma_start3A_16 : memref<1632x72xf32, #tpu.memory_space<vmem_shared>>) target(%dma_start3A_14 : memref<1632x72xf32, #tpu.memory_space<hbm>>) target_semaphore(%run_scoped3A : memref<!tpu.dma_semaphore, #tpu.memory_space<semaphore_mem>>)
      %dma_wait3A = arith.constant 0 : i32
      %dma_wait3A_17 = tpu.memref_slice %arg6[%arg0, %mul3A_12, %dma_wait3A] : memref<2x26112x72xf32, #tpu.memory_space<hbm>> -> memref<1x1632x72xf32, #tpu.memory_space<hbm>>
      %dma_wait3A_18 = tpu.memref_squeeze %dma_wait3A_17 : memref<1x1632x72xf32, #tpu.memory_space<hbm>> -> memref<1632x72xf32, #tpu.memory_space<hbm>>
      %dma_wait3A_19 = arith.constant 0 : i32
      %dma_wait3A_20 = tpu.memref_slice %arg10[%mul3A_10, %dma_wait3A_19] : memref<26112x72xf32, #tpu.memory_space<vmem_shared>> -> memref<1632x72xf32, #tpu.memory_space<vmem_shared>>
      tpu.wait_dma2 semaphore(%run_scoped3A : memref<!tpu.dma_semaphore, #tpu.memory_space<semaphore_mem>>) src(%dma_wait3A_20 : memref<1632x72xf32, #tpu.memory_space<vmem_shared>>) dst(%dma_wait3A_18 : memref<1632x72xf32, #tpu.memory_space<hbm>>)
      tpu.yield
    }) : () -> ()
    return
  }
}

#map = affine_map<(d0, d1) -> (0, 0)>
#map1 = affine_map<(d0, d1) -> (0)>
module attributes {stable_mosaic.version = 14 : i64} {
  func.func @_deg_body(%arg0: i32, %arg1: i32, %arg2: memref<6400x128xi32, #tpu.memory_space<hbm>>, %arg3: memref<3200xf32, #tpu.memory_space<hbm>>, %arg4: memref<2x51200xf32, #tpu.memory_space<hbm>>, %arg5: memref<200x128xi32, #tpu.memory_space<vmem>>, %arg6: memref<128xf32, #tpu.memory_space<vmem>>, %arg7: memref<51200xf32, #tpu.memory_space<vmem_shared>>, %arg8: memref<!tpu.dma_semaphore, #tpu.memory_space<semaphore_mem>>) attributes {dimension_semantics = [#tpu.dimension_semantics<core_parallel>, #tpu.dimension_semantics<subcore_parallel>], iteration_bounds = array<i64: 2, 16>, scalar_prefetch = 0 : i64, scratch_operands = 4 : i64, tpu.core_type = #tpu.core_type<sc_vector_subcore>, window_params = [{transform_indices = #map}, {transform_indices = #map1}, {transform_indices = #map}]} {
    %mul3A = arith.constant 2 : i32
    %mul3A_0 = arith.muli %arg1, %mul3A : i32
    %add3A = arith.addi %mul3A_0, %arg0 : i32
    %mul3A_1 = arith.constant 3200 : i32
    %mul3A_2 = arith.muli %arg1, %mul3A_1 : i32
    "tpu.region"() ({
      %run_scoped3A = tpu.sem_alloc : memref<!tpu.dma_semaphore, #tpu.memory_space<semaphore_mem>>
      %dma_start3A = tpu.memref_slice %arg7[%mul3A_2] : memref<51200xf32, #tpu.memory_space<vmem_shared>> -> memref<3200xf32, #tpu.memory_space<vmem_shared>>
      tpu.enqueue_dma source(%arg3 : memref<3200xf32, #tpu.memory_space<hbm>>) target(%dma_start3A : memref<3200xf32, #tpu.memory_space<vmem_shared>>) target_semaphore(%run_scoped3A : memref<!tpu.dma_semaphore, #tpu.memory_space<semaphore_mem>>)
      %dma_wait3A = tpu.memref_slice %arg7[%mul3A_2] : memref<51200xf32, #tpu.memory_space<vmem_shared>> -> memref<3200xf32, #tpu.memory_space<vmem_shared>>
      tpu.wait_dma2 semaphore(%run_scoped3A : memref<!tpu.dma_semaphore, #tpu.memory_space<semaphore_mem>>) src(%arg3 : memref<3200xf32, #tpu.memory_space<hbm>>) dst(%dma_wait3A : memref<3200xf32, #tpu.memory_space<vmem_shared>>)
      tpu.yield
    }) : () -> ()
    %broadcast_in_dim3A = arith.constant 1.000000e+00 : f32
    %broadcast_in_dim3A_3 = vector.broadcast %broadcast_in_dim3A : f32 to vector<16xf32>
    %swap3A = arith.constant 0 : index
    %swap3A_4 = tpu.vector_load %arg6[%swap3A] {strides = array<i32>} : memref<128xf32, #tpu.memory_space<vmem>>, vector<16xf32>,
    %swap3A_5 = vector.shape_cast %swap3A_4 : vector<16xf32> to vector<16xf32>
    %swap3A_6 = vector.shape_cast %broadcast_in_dim3A_3 : vector<16xf32> to vector<16xf32>
    tpu.vector_store %arg6[%swap3A], %swap3A_6 {strides = array<i32>} : memref<128xf32, #tpu.memory_space<vmem>>, vector<16xf32>,
    %broadcast_in_dim3A_7 = arith.constant 1.000000e+00 : f32
    %broadcast_in_dim3A_8 = vector.broadcast %broadcast_in_dim3A_7 : f32 to vector<16xf32>
    %swap3A_9 = arith.constant 16 : index
    %swap3A_10 = tpu.vector_load %arg6[%swap3A_9] {strides = array<i32>} : memref<128xf32, #tpu.memory_space<vmem>>, vector<16xf32>,
    %swap3A_11 = vector.shape_cast %swap3A_10 : vector<16xf32> to vector<16xf32>
    %swap3A_12 = vector.shape_cast %broadcast_in_dim3A_8 : vector<16xf32> to vector<16xf32>
    tpu.vector_store %arg6[%swap3A_9], %swap3A_12 {strides = array<i32>} : memref<128xf32, #tpu.memory_space<vmem>>, vector<16xf32>,
    %broadcast_in_dim3A_13 = arith.constant 1.000000e+00 : f32
    %broadcast_in_dim3A_14 = vector.broadcast %broadcast_in_dim3A_13 : f32 to vector<16xf32>
    %swap3A_15 = arith.constant 32 : index
    %swap3A_16 = tpu.vector_load %arg6[%swap3A_15] {strides = array<i32>} : memref<128xf32, #tpu.memory_space<vmem>>, vector<16xf32>,
    %swap3A_17 = vector.shape_cast %swap3A_16 : vector<16xf32> to vector<16xf32>
    %swap3A_18 = vector.shape_cast %broadcast_in_dim3A_14 : vector<16xf32> to vector<16xf32>
    tpu.vector_store %arg6[%swap3A_15], %swap3A_18 {strides = array<i32>} : memref<128xf32, #tpu.memory_space<vmem>>, vector<16xf32>,
    %broadcast_in_dim3A_19 = arith.constant 1.000000e+00 : f32
    %broadcast_in_dim3A_20 = vector.broadcast %broadcast_in_dim3A_19 : f32 to vector<16xf32>
    %swap3A_21 = arith.constant 48 : index
    %swap3A_22 = tpu.vector_load %arg6[%swap3A_21] {strides = array<i32>} : memref<128xf32, #tpu.memory_space<vmem>>, vector<16xf32>,
    %swap3A_23 = vector.shape_cast %swap3A_22 : vector<16xf32> to vector<16xf32>
    %swap3A_24 = vector.shape_cast %broadcast_in_dim3A_20 : vector<16xf32> to vector<16xf32>
    tpu.vector_store %arg6[%swap3A_21], %swap3A_24 {strides = array<i32>} : memref<128xf32, #tpu.memory_space<vmem>>, vector<16xf32>,
    %broadcast_in_dim3A_25 = arith.constant 1.000000e+00 : f32
    %broadcast_in_dim3A_26 = vector.broadcast %broadcast_in_dim3A_25 : f32 to vector<16xf32>
    %swap3A_27 = arith.constant 64 : index
    %swap3A_28 = tpu.vector_load %arg6[%swap3A_27] {strides = array<i32>} : memref<128xf32, #tpu.memory_space<vmem>>, vector<16xf32>,
    %swap3A_29 = vector.shape_cast %swap3A_28 : vector<16xf32> to vector<16xf32>
    %swap3A_30 = vector.shape_cast %broadcast_in_dim3A_26 : vector<16xf32> to vector<16xf32>
    tpu.vector_store %arg6[%swap3A_27], %swap3A_30 {strides = array<i32>} : memref<128xf32, #tpu.memory_space<vmem>>, vector<16xf32>,
    %broadcast_in_dim3A_31 = arith.constant 1.000000e+00 : f32
    %broadcast_in_dim3A_32 = vector.broadcast %broadcast_in_dim3A_31 : f32 to vector<16xf32>
    %swap3A_33 = arith.constant 80 : index
    %swap3A_34 = tpu.vector_load %arg6[%swap3A_33] {strides = array<i32>} : memref<128xf32, #tpu.memory_space<vmem>>, vector<16xf32>,
    %swap3A_35 = vector.shape_cast %swap3A_34 : vector<16xf32> to vector<16xf32>
    %swap3A_36 = vector.shape_cast %broadcast_in_dim3A_32 : vector<16xf32> to vector<16xf32>
    tpu.vector_store %arg6[%swap3A_33], %swap3A_36 {strides = array<i32>} : memref<128xf32, #tpu.memory_space<vmem>>, vector<16xf32>,
    %broadcast_in_dim3A_37 = arith.constant 1.000000e+00 : f32
    %broadcast_in_dim3A_38 = vector.broadcast %broadcast_in_dim3A_37 : f32 to vector<16xf32>
    %swap3A_39 = arith.constant 96 : index
    %swap3A_40 = tpu.vector_load %arg6[%swap3A_39] {strides = array<i32>} : memref<128xf32, #tpu.memory_space<vmem>>, vector<16xf32>,
    %swap3A_41 = vector.shape_cast %swap3A_40 : vector<16xf32> to vector<16xf32>
    %swap3A_42 = vector.shape_cast %broadcast_in_dim3A_38 : vector<16xf32> to vector<16xf32>
    tpu.vector_store %arg6[%swap3A_39], %swap3A_42 {strides = array<i32>} : memref<128xf32, #tpu.memory_space<vmem>>, vector<16xf32>,
    %broadcast_in_dim3A_43 = arith.constant 1.000000e+00 : f32
    %broadcast_in_dim3A_44 = vector.broadcast %broadcast_in_dim3A_43 : f32 to vector<16xf32>
    %swap3A_45 = arith.constant 112 : index
    %swap3A_46 = tpu.vector_load %arg6[%swap3A_45] {strides = array<i32>} : memref<128xf32, #tpu.memory_space<vmem>>, vector<16xf32>,
    %swap3A_47 = vector.shape_cast %swap3A_46 : vector<16xf32> to vector<16xf32>
    %swap3A_48 = vector.shape_cast %broadcast_in_dim3A_44 : vector<16xf32> to vector<16xf32>
    tpu.vector_store %arg6[%swap3A_45], %swap3A_48 {strides = array<i32>} : memref<128xf32, #tpu.memory_space<vmem>>, vector<16xf32>,
    %mul3A_49 = arith.constant 200 : i32
    %mul3A_50 = arith.muli %add3A, %mul3A_49 : i32
    "tpu.region"() ({
      %run_scoped3A = tpu.sem_alloc : memref<!tpu.dma_semaphore, #tpu.memory_space<semaphore_mem>>
      %dma_start3A = arith.constant 0 : i32
      %dma_start3A_61 = tpu.memref_slice %arg2[%mul3A_50, %dma_start3A] : memref<6400x128xi32, #tpu.memory_space<hbm>> -> memref<200x128xi32, #tpu.memory_space<hbm>>
      %dma_start3A_62 = arith.constant 0 : i32
      %dma_start3A_63 = tpu.memref_slice %arg2[%mul3A_50, %dma_start3A_62] : memref<6400x128xi32, #tpu.memory_space<hbm>> -> memref<200x128xi32, #tpu.memory_space<hbm>>
      tpu.enqueue_dma source(%dma_start3A_63 : memref<200x128xi32, #tpu.memory_space<hbm>>) target(%arg5 : memref<200x128xi32, #tpu.memory_space<vmem>>) target_semaphore(%run_scoped3A : memref<!tpu.dma_semaphore, #tpu.memory_space<semaphore_mem>>)
      %dma_wait3A = arith.constant 0 : i32
      %dma_wait3A_64 = tpu.memref_slice %arg2[%mul3A_50, %dma_wait3A] : memref<6400x128xi32, #tpu.memory_space<hbm>> -> memref<200x128xi32, #tpu.memory_space<hbm>>
      %dma_wait3A_65 = arith.constant 0 : i32
      %dma_wait3A_66 = tpu.memref_slice %arg2[%mul3A_50, %dma_wait3A_65] : memref<6400x128xi32, #tpu.memory_space<hbm>> -> memref<200x128xi32, #tpu.memory_space<hbm>>
      tpu.wait_dma2 semaphore(%run_scoped3A : memref<!tpu.dma_semaphore, #tpu.memory_space<semaphore_mem>>) src(%dma_wait3A_66 : memref<200x128xi32, #tpu.memory_space<hbm>>) dst(%arg5 : memref<200x128xi32, #tpu.memory_space<vmem>>)
      tpu.yield
    }) : () -> ()
    %barrier3A = arith.constant 0 : index
    tpu.barrier barrier_id(%barrier3A)
    %scan3A = arith.constant 0 : i32
    %scan3A_51 = arith.constant 0 : i32
    %scan3A_52 = arith.constant 200 : i32
    %scan3A_53 = arith.addi %scan3A_51, %scan3A_52 : i32
    %scan3A_54 = arith.constant 1 : i32
    scf.for %scan3A_61 = %scan3A_51 to %scan3A_53 step %scan3A_54  : i32 {
      "tpu.region"() ({
        %run_scoped3A = tpu.sem_alloc : memref<!tpu.dma_semaphore, #tpu.memory_space<semaphore_mem>>
        %dma_start3A = arith.constant 0 : i32
        %dma_start3A_62 = tpu.memref_slice %arg5[%scan3A_61, %dma_start3A] : memref<200x128xi32, #tpu.memory_space<vmem>> -> memref<1x128xi32, #tpu.memory_space<vmem>>
        %dma_start3A_63 = tpu.memref_squeeze %dma_start3A_62 : memref<1x128xi32, #tpu.memory_space<vmem>> -> memref<128xi32, #tpu.memory_space<vmem>>
        %dma_start3A_64 = arith.constant 0 : i32
        %dma_start3A_65 = tpu.memref_slice %arg7[%dma_start3A_64] : memref<51200xf32, #tpu.memory_space<vmem_shared>> -> memref<51200xf32, #tpu.memory_space<vmem_shared>>
        tpu.enqueue_indirect_dma source(%arg6 : memref<128xf32, #tpu.memory_space<vmem>>) target(%dma_start3A_65 : memref<51200xf32, #tpu.memory_space<vmem_shared>>) offsets(%dma_start3A_63 : memref<128xi32, #tpu.memory_space<vmem>>) semaphore(%run_scoped3A : memref<!tpu.dma_semaphore, #tpu.memory_space<semaphore_mem>>) {add = true}
        %dma_wait3A = arith.constant 0 : i32
        %dma_wait3A_66 = tpu.memref_slice %arg5[%scan3A_61, %dma_wait3A] : memref<200x128xi32, #tpu.memory_space<vmem>> -> memref<1x128xi32, #tpu.memory_space<vmem>>
        %dma_wait3A_67 = tpu.memref_squeeze %dma_wait3A_66 : memref<1x128xi32, #tpu.memory_space<vmem>> -> memref<128xi32, #tpu.memory_space<vmem>>
        %dma_wait3A_68 = arith.constant 0 : i32
        %dma_wait3A_69 = tpu.memref_slice %arg7[%dma_wait3A_68] : memref<51200xf32, #tpu.memory_space<vmem_shared>> -> memref<51200xf32, #tpu.memory_space<vmem_shared>>
        tpu.wait_indirect_dma semaphore(%run_scoped3A : memref<!tpu.dma_semaphore, #tpu.memory_space<semaphore_mem>>) src(%arg6 : memref<128xf32, #tpu.memory_space<vmem>>) dst(%dma_wait3A_69 : memref<51200xf32, #tpu.memory_space<vmem_shared>>)
        tpu.yield
      }) : () -> ()
    }
    %scan3A_55 = arith.constant 200 : i32
    %barrier3A_56 = arith.constant 0 : index
    tpu.barrier barrier_id(%barrier3A_56)
    %mul3A_57 = arith.constant 3200 : i32
    %mul3A_58 = arith.muli %arg1, %mul3A_57 : i32
    %mul3A_59 = arith.constant 3200 : i32
    %mul3A_60 = arith.muli %arg1, %mul3A_59 : i32
    "tpu.region"() ({
      %run_scoped3A = tpu.sem_alloc : memref<!tpu.dma_semaphore, #tpu.memory_space<semaphore_mem>>
      %dma_start3A = tpu.memref_slice %arg4[%arg0, %mul3A_60] : memref<2x51200xf32, #tpu.memory_space<hbm>> -> memref<1x3200xf32, #tpu.memory_space<hbm>>
      %dma_start3A_61 = tpu.memref_squeeze %dma_start3A : memref<1x3200xf32, #tpu.memory_space<hbm>> -> memref<3200xf32, #tpu.memory_space<hbm>>
      %dma_start3A_62 = tpu.memref_slice %arg7[%mul3A_58] : memref<51200xf32, #tpu.memory_space<vmem_shared>> -> memref<3200xf32, #tpu.memory_space<vmem_shared>>
      tpu.enqueue_dma source(%dma_start3A_62 : memref<3200xf32, #tpu.memory_space<vmem_shared>>) target(%dma_start3A_61 : memref<3200xf32, #tpu.memory_space<hbm>>) target_semaphore(%run_scoped3A : memref<!tpu.dma_semaphore, #tpu.memory_space<semaphore_mem>>)
      %dma_wait3A = tpu.memref_slice %arg4[%arg0, %mul3A_60] : memref<2x51200xf32, #tpu.memory_space<hbm>> -> memref<1x3200xf32, #tpu.memory_space<hbm>>
      %dma_wait3A_63 = tpu.memref_squeeze %dma_wait3A : memref<1x3200xf32, #tpu.memory_space<hbm>> -> memref<3200xf32, #tpu.memory_space<hbm>>
      %dma_wait3A_64 = tpu.memref_slice %arg7[%mul3A_58] : memref<51200xf32, #tpu.memory_space<vmem_shared>> -> memref<3200xf32, #tpu.memory_space<vmem_shared>>
      tpu.wait_dma2 semaphore(%run_scoped3A : memref<!tpu.dma_semaphore, #tpu.memory_space<semaphore_mem>>) src(%dma_wait3A_64 : memref<3200xf32, #tpu.memory_space<vmem_shared>>) dst(%dma_wait3A_63 : memref<3200xf32, #tpu.memory_space<hbm>>)
      tpu.yield
    }) : () -> ()
    return
  }
}

#map = affine_map<(d0, d1) -> (0, 0)>
#map1 = affine_map<(d0, d1) -> (0, 0, 0)>
module attributes {stable_mosaic.version = 14 : i64} {
  func.func @_spmm_body(%arg0: i32, %arg1: i32, %arg2: memref<50000x72xf32, #tpu.memory_space<hbm>>, %arg3: memref<6400x128xi32, #tpu.memory_space<hbm>>, %arg4: memref<6400x128xi32, #tpu.memory_space<hbm>>, %arg5: memref<1632x72xf32, #tpu.memory_space<hbm>>, %arg6: memref<2x26112x72xf32, #tpu.memory_space<hbm>>, %arg7: memref<16x128xi32, #tpu.memory_space<vmem>>, %arg8: memref<16x128xi32, #tpu.memory_space<vmem>>, %arg9: memref<128x72xf32, #tpu.memory_space<vmem>>, %arg10: memref<26112x72xf32, #tpu.memory_space<vmem_shared>>, %arg11: memref<!tpu.dma_semaphore, #tpu.memory_space<semaphore_mem>>) attributes {dimension_semantics = [#tpu.dimension_semantics<core_parallel>, #tpu.dimension_semantics<subcore_parallel>], iteration_bounds = array<i64: 2, 16>, scalar_prefetch = 0 : i64, scratch_operands = 5 : i64, tpu.core_type = #tpu.core_type<sc_vector_subcore>, window_params = [{transform_indices = #map}, {transform_indices = #map}, {transform_indices = #map}, {transform_indices = #map}, {transform_indices = #map1}]} {
    %mul3A = arith.constant 25000 : i32
    %mul3A_0 = arith.muli %arg0, %mul3A : i32
    %mul3A_1 = arith.constant 1632 : i32
    %mul3A_2 = arith.muli %arg1, %mul3A_1 : i32
    "tpu.region"() ({
      %run_scoped3A = tpu.sem_alloc : memref<!tpu.dma_semaphore, #tpu.memory_space<semaphore_mem>>
      %dma_start3A = arith.constant 0 : i32
      %dma_start3A_13 = tpu.memref_slice %arg10[%mul3A_2, %dma_start3A] : memref<26112x72xf32, #tpu.memory_space<vmem_shared>> -> memref<1632x72xf32, #tpu.memory_space<vmem_shared>>
      tpu.enqueue_dma source(%arg5 : memref<1632x72xf32, #tpu.memory_space<hbm>>) target(%dma_start3A_13 : memref<1632x72xf32, #tpu.memory_space<vmem_shared>>) target_semaphore(%run_scoped3A : memref<!tpu.dma_semaphore, #tpu.memory_space<semaphore_mem>>)
      %dma_wait3A = arith.constant 0 : i32
      %dma_wait3A_14 = tpu.memref_slice %arg10[%mul3A_2, %dma_wait3A] : memref<26112x72xf32, #tpu.memory_space<vmem_shared>> -> memref<1632x72xf32, #tpu.memory_space<vmem_shared>>
      tpu.wait_dma2 semaphore(%run_scoped3A : memref<!tpu.dma_semaphore, #tpu.memory_space<semaphore_mem>>) src(%arg5 : memref<1632x72xf32, #tpu.memory_space<hbm>>) dst(%dma_wait3A_14 : memref<1632x72xf32, #tpu.memory_space<vmem_shared>>)
      tpu.yield
    }) : () -> ()
    %barrier3A = arith.constant 0 : index
    tpu.barrier barrier_id(%barrier3A)
    %scan3A = arith.constant 0 : i32
    %scan3A_3 = arith.constant 0 : i32
    %scan3A_4 = arith.constant 25 : i32
    %scan3A_5 = arith.addi %scan3A_3, %scan3A_4 : i32
    %scan3A_6 = arith.constant 1 : i32
    scf.for %scan3A_13 = %scan3A_3 to %scan3A_5 step %scan3A_6  : i32 {
      %mul3A_14 = arith.constant 400 : i32
      %mul3A_15 = arith.muli %arg1, %mul3A_14 : i32
      %mul3A_16 = arith.constant 16 : i32
      %mul3A_17 = arith.muli %scan3A_13, %mul3A_16 : i32
      %add3A = arith.addi %mul3A_15, %mul3A_17 : i32
      "tpu.region"() ({
        %run_scoped3A = tpu.sem_alloc : memref<!tpu.dma_semaphore, #tpu.memory_space<semaphore_mem>>
        %dma_start3A = arith.constant 0 : i32
        %dma_start3A_24 = tpu.memref_slice %arg3[%add3A, %dma_start3A] : memref<6400x128xi32, #tpu.memory_space<hbm>> -> memref<16x128xi32, #tpu.memory_space<hbm>>
        %dma_start3A_25 = arith.constant 0 : i32
        %dma_start3A_26 = tpu.memref_slice %arg3[%add3A, %dma_start3A_25] : memref<6400x128xi32, #tpu.memory_space<hbm>> -> memref<16x128xi32, #tpu.memory_space<hbm>>
        tpu.enqueue_dma source(%dma_start3A_26 : memref<16x128xi32, #tpu.memory_space<hbm>>) target(%arg7 : memref<16x128xi32, #tpu.memory_space<vmem>>) target_semaphore(%run_scoped3A : memref<!tpu.dma_semaphore, #tpu.memory_space<semaphore_mem>>)
        %dma_wait3A = arith.constant 0 : i32
        %dma_wait3A_27 = tpu.memref_slice %arg3[%add3A, %dma_wait3A] : memref<6400x128xi32, #tpu.memory_space<hbm>> -> memref<16x128xi32, #tpu.memory_space<hbm>>
        %dma_wait3A_28 = arith.constant 0 : i32
        %dma_wait3A_29 = tpu.memref_slice %arg3[%add3A, %dma_wait3A_28] : memref<6400x128xi32, #tpu.memory_space<hbm>> -> memref<16x128xi32, #tpu.memory_space<hbm>>
        tpu.wait_dma2 semaphore(%run_scoped3A : memref<!tpu.dma_semaphore, #tpu.memory_space<semaphore_mem>>) src(%dma_wait3A_29 : memref<16x128xi32, #tpu.memory_space<hbm>>) dst(%arg7 : memref<16x128xi32, #tpu.memory_space<vmem>>)
        tpu.yield
      }) : () -> ()
      "tpu.region"() ({
        %run_scoped3A = tpu.sem_alloc : memref<!tpu.dma_semaphore, #tpu.memory_space<semaphore_mem>>
        %dma_start3A = arith.constant 0 : i32
        %dma_start3A_24 = tpu.memref_slice %arg4[%add3A, %dma_start3A] : memref<6400x128xi32, #tpu.memory_space<hbm>> -> memref<16x128xi32, #tpu.memory_space<hbm>>
        %dma_start3A_25 = arith.constant 0 : i32
        %dma_start3A_26 = tpu.memref_slice %arg4[%add3A, %dma_start3A_25] : memref<6400x128xi32, #tpu.memory_space<hbm>> -> memref<16x128xi32, #tpu.memory_space<hbm>>
        tpu.enqueue_dma source(%dma_start3A_26 : memref<16x128xi32, #tpu.memory_space<hbm>>) target(%arg8 : memref<16x128xi32, #tpu.memory_space<vmem>>) target_semaphore(%run_scoped3A : memref<!tpu.dma_semaphore, #tpu.memory_space<semaphore_mem>>)
        %dma_wait3A = arith.constant 0 : i32
        %dma_wait3A_27 = tpu.memref_slice %arg4[%add3A, %dma_wait3A] : memref<6400x128xi32, #tpu.memory_space<hbm>> -> memref<16x128xi32, #tpu.memory_space<hbm>>
        %dma_wait3A_28 = arith.constant 0 : i32
        %dma_wait3A_29 = tpu.memref_slice %arg4[%add3A, %dma_wait3A_28] : memref<6400x128xi32, #tpu.memory_space<hbm>> -> memref<16x128xi32, #tpu.memory_space<hbm>>
        tpu.wait_dma2 semaphore(%run_scoped3A : memref<!tpu.dma_semaphore, #tpu.memory_space<semaphore_mem>>) src(%dma_wait3A_29 : memref<16x128xi32, #tpu.memory_space<hbm>>) dst(%arg8 : memref<16x128xi32, #tpu.memory_space<vmem>>)
        tpu.yield
      }) : () -> ()
      %scan3A_18 = arith.constant 0 : i32
      %scan3A_19 = arith.constant 0 : i32
      %scan3A_20 = arith.constant 16 : i32
      %scan3A_21 = arith.addi %scan3A_19, %scan3A_20 : i32
      %scan3A_22 = arith.constant 1 : i32
      scf.for %scan3A_24 = %scan3A_19 to %scan3A_21 step %scan3A_22  : i32 {
        %get3A = arith.index_cast %scan3A_24 : i32 to index
        %get3A_25 = arith.constant 0 : index
        %get3A_26 = tpu.vector_load %arg8[%get3A, %get3A_25] {strides = array<i32>} : memref<16x128xi32, #tpu.memory_space<vmem>>, vector<1x16xi32>,
        %get3A_27 = vector.shape_cast %get3A_26 : vector<1x16xi32> to vector<16xi32>
        %sub3A = vector.broadcast %mul3A_0 : i32 to vector<16xi32>
        %sub3A_28 = arith.subi %get3A_27, %sub3A : vector<16xi32>
        %ge3A = arith.constant 0 : i32
        %ge3A_29 = vector.broadcast %ge3A : i32 to vector<16xi32>
        %ge3A_30 = arith.cmpi sge, %sub3A_28, %ge3A_29 : vector<16xi32>
        %lt3A = arith.constant 25000 : i32
        %lt3A_31 = vector.broadcast %lt3A : i32 to vector<16xi32>
        %lt3A_32 = arith.cmpi slt, %sub3A_28, %lt3A_31 : vector<16xi32>
        %and3A = arith.andi %ge3A_30, %lt3A_32 : vector<16xi1>
        %and3A_33 = arith.constant 1023 : i32
        %and3A_34 = vector.broadcast %and3A_33 : i32 to vector<16xi32>
        %and3A_35 = arith.andi %get3A_27, %and3A_34 : vector<16xi32>
        %add3A_36 = arith.constant 25024 : i32
        %add3A_37 = vector.broadcast %add3A_36 : i32 to vector<16xi32>
        %add3A_38 = arith.addi %add3A_37, %and3A_35 : vector<16xi32>
        %select_n3A = arith.select %and3A, %sub3A_28, %add3A_38 : vector<16xi1>, vector<16xi32>
        %swap3A = arith.index_cast %scan3A_24 : i32 to index
        %swap3A_39 = arith.constant 0 : index
        %swap3A_40 = tpu.vector_load %arg8[%swap3A, %swap3A_39] {strides = array<i32>} : memref<16x128xi32, #tpu.memory_space<vmem>>, vector<1x16xi32>,
        %swap3A_41 = vector.shape_cast %swap3A_40 : vector<1x16xi32> to vector<16xi32>
        %swap3A_42 = vector.shape_cast %select_n3A : vector<16xi32> to vector<1x16xi32>
        tpu.vector_store %arg8[%swap3A, %swap3A_39], %swap3A_42 {strides = array<i32>} : memref<16x128xi32, #tpu.memory_space<vmem>>, vector<1x16xi32>,
        %get3A_43 = arith.index_cast %scan3A_24 : i32 to index
        %get3A_44 = arith.constant 16 : index
        %get3A_45 = tpu.vector_load %arg8[%get3A_43, %get3A_44] {strides = array<i32>} : memref<16x128xi32, #tpu.memory_space<vmem>>, vector<1x16xi32>,
        %get3A_46 = vector.shape_cast %get3A_45 : vector<1x16xi32> to vector<16xi32>
        %sub3A_47 = vector.broadcast %mul3A_0 : i32 to vector<16xi32>
        %sub3A_48 = arith.subi %get3A_46, %sub3A_47 : vector<16xi32>
        %ge3A_49 = arith.constant 0 : i32
        %ge3A_50 = vector.broadcast %ge3A_49 : i32 to vector<16xi32>
        %ge3A_51 = arith.cmpi sge, %sub3A_48, %ge3A_50 : vector<16xi32>
        %lt3A_52 = arith.constant 25000 : i32
        %lt3A_53 = vector.broadcast %lt3A_52 : i32 to vector<16xi32>
        %lt3A_54 = arith.cmpi slt, %sub3A_48, %lt3A_53 : vector<16xi32>
        %and3A_55 = arith.andi %ge3A_51, %lt3A_54 : vector<16xi1>
        %and3A_56 = arith.constant 1023 : i32
        %and3A_57 = vector.broadcast %and3A_56 : i32 to vector<16xi32>
        %and3A_58 = arith.andi %get3A_46, %and3A_57 : vector<16xi32>
        %add3A_59 = arith.constant 25024 : i32
        %add3A_60 = vector.broadcast %add3A_59 : i32 to vector<16xi32>
        %add3A_61 = arith.addi %add3A_60, %and3A_58 : vector<16xi32>
        %select_n3A_62 = arith.select %and3A_55, %sub3A_48, %add3A_61 : vector<16xi1>, vector<16xi32>
        %swap3A_63 = arith.index_cast %scan3A_24 : i32 to index
        %swap3A_64 = arith.constant 16 : index
        %swap3A_65 = tpu.vector_load %arg8[%swap3A_63, %swap3A_64] {strides = array<i32>} : memref<16x128xi32, #tpu.memory_space<vmem>>, vector<1x16xi32>,
        %swap3A_66 = vector.shape_cast %swap3A_65 : vector<1x16xi32> to vector<16xi32>
        %swap3A_67 = vector.shape_cast %select_n3A_62 : vector<16xi32> to vector<1x16xi32>
        tpu.vector_store %arg8[%swap3A_63, %swap3A_64], %swap3A_67 {strides = array<i32>} : memref<16x128xi32, #tpu.memory_space<vmem>>, vector<1x16xi32>,
        %get3A_68 = arith.index_cast %scan3A_24 : i32 to index
        %get3A_69 = arith.constant 32 : index
        %get3A_70 = tpu.vector_load %arg8[%get3A_68, %get3A_69] {strides = array<i32>} : memref<16x128xi32, #tpu.memory_space<vmem>>, vector<1x16xi32>,
        %get3A_71 = vector.shape_cast %get3A_70 : vector<1x16xi32> to vector<16xi32>
        %sub3A_72 = vector.broadcast %mul3A_0 : i32 to vector<16xi32>
        %sub3A_73 = arith.subi %get3A_71, %sub3A_72 : vector<16xi32>
        %ge3A_74 = arith.constant 0 : i32
        %ge3A_75 = vector.broadcast %ge3A_74 : i32 to vector<16xi32>
        %ge3A_76 = arith.cmpi sge, %sub3A_73, %ge3A_75 : vector<16xi32>
        %lt3A_77 = arith.constant 25000 : i32
        %lt3A_78 = vector.broadcast %lt3A_77 : i32 to vector<16xi32>
        %lt3A_79 = arith.cmpi slt, %sub3A_73, %lt3A_78 : vector<16xi32>
        %and3A_80 = arith.andi %ge3A_76, %lt3A_79 : vector<16xi1>
        %and3A_81 = arith.constant 1023 : i32
        %and3A_82 = vector.broadcast %and3A_81 : i32 to vector<16xi32>
        %and3A_83 = arith.andi %get3A_71, %and3A_82 : vector<16xi32>
        %add3A_84 = arith.constant 25024 : i32
        %add3A_85 = vector.broadcast %add3A_84 : i32 to vector<16xi32>
        %add3A_86 = arith.addi %add3A_85, %and3A_83 : vector<16xi32>
        %select_n3A_87 = arith.select %and3A_80, %sub3A_73, %add3A_86 : vector<16xi1>, vector<16xi32>
        %swap3A_88 = arith.index_cast %scan3A_24 : i32 to index
        %swap3A_89 = arith.constant 32 : index
        %swap3A_90 = tpu.vector_load %arg8[%swap3A_88, %swap3A_89] {strides = array<i32>} : memref<16x128xi32, #tpu.memory_space<vmem>>, vector<1x16xi32>,
        %swap3A_91 = vector.shape_cast %swap3A_90 : vector<1x16xi32> to vector<16xi32>
        %swap3A_92 = vector.shape_cast %select_n3A_87 : vector<16xi32> to vector<1x16xi32>
        tpu.vector_store %arg8[%swap3A_88, %swap3A_89], %swap3A_92 {strides = array<i32>} : memref<16x128xi32, #tpu.memory_space<vmem>>, vector<1x16xi32>,
        %get3A_93 = arith.index_cast %scan3A_24 : i32 to index
        %get3A_94 = arith.constant 48 : index
        %get3A_95 = tpu.vector_load %arg8[%get3A_93, %get3A_94] {strides = array<i32>} : memref<16x128xi32, #tpu.memory_space<vmem>>, vector<1x16xi32>,
        %get3A_96 = vector.shape_cast %get3A_95 : vector<1x16xi32> to vector<16xi32>
        %sub3A_97 = vector.broadcast %mul3A_0 : i32 to vector<16xi32>
        %sub3A_98 = arith.subi %get3A_96, %sub3A_97 : vector<16xi32>
        %ge3A_99 = arith.constant 0 : i32
        %ge3A_100 = vector.broadcast %ge3A_99 : i32 to vector<16xi32>
        %ge3A_101 = arith.cmpi sge, %sub3A_98, %ge3A_100 : vector<16xi32>
        %lt3A_102 = arith.constant 25000 : i32
        %lt3A_103 = vector.broadcast %lt3A_102 : i32 to vector<16xi32>
        %lt3A_104 = arith.cmpi slt, %sub3A_98, %lt3A_103 : vector<16xi32>
        %and3A_105 = arith.andi %ge3A_101, %lt3A_104 : vector<16xi1>
        %and3A_106 = arith.constant 1023 : i32
        %and3A_107 = vector.broadcast %and3A_106 : i32 to vector<16xi32>
        %and3A_108 = arith.andi %get3A_96, %and3A_107 : vector<16xi32>
        %add3A_109 = arith.constant 25024 : i32
        %add3A_110 = vector.broadcast %add3A_109 : i32 to vector<16xi32>
        %add3A_111 = arith.addi %add3A_110, %and3A_108 : vector<16xi32>
        %select_n3A_112 = arith.select %and3A_105, %sub3A_98, %add3A_111 : vector<16xi1>, vector<16xi32>
        %swap3A_113 = arith.index_cast %scan3A_24 : i32 to index
        %swap3A_114 = arith.constant 48 : index
        %swap3A_115 = tpu.vector_load %arg8[%swap3A_113, %swap3A_114] {strides = array<i32>} : memref<16x128xi32, #tpu.memory_space<vmem>>, vector<1x16xi32>,
        %swap3A_116 = vector.shape_cast %swap3A_115 : vector<1x16xi32> to vector<16xi32>
        %swap3A_117 = vector.shape_cast %select_n3A_112 : vector<16xi32> to vector<1x16xi32>
        tpu.vector_store %arg8[%swap3A_113, %swap3A_114], %swap3A_117 {strides = array<i32>} : memref<16x128xi32, #tpu.memory_space<vmem>>, vector<1x16xi32>,
        %get3A_118 = arith.index_cast %scan3A_24 : i32 to index
        %get3A_119 = arith.constant 64 : index
        %get3A_120 = tpu.vector_load %arg8[%get3A_118, %get3A_119] {strides = array<i32>} : memref<16x128xi32, #tpu.memory_space<vmem>>, vector<1x16xi32>,
        %get3A_121 = vector.shape_cast %get3A_120 : vector<1x16xi32> to vector<16xi32>
        %sub3A_122 = vector.broadcast %mul3A_0 : i32 to vector<16xi32>
        %sub3A_123 = arith.subi %get3A_121, %sub3A_122 : vector<16xi32>
        %ge3A_124 = arith.constant 0 : i32
        %ge3A_125 = vector.broadcast %ge3A_124 : i32 to vector<16xi32>
        %ge3A_126 = arith.cmpi sge, %sub3A_123, %ge3A_125 : vector<16xi32>
        %lt3A_127 = arith.constant 25000 : i32
        %lt3A_128 = vector.broadcast %lt3A_127 : i32 to vector<16xi32>
        %lt3A_129 = arith.cmpi slt, %sub3A_123, %lt3A_128 : vector<16xi32>
        %and3A_130 = arith.andi %ge3A_126, %lt3A_129 : vector<16xi1>
        %and3A_131 = arith.constant 1023 : i32
        %and3A_132 = vector.broadcast %and3A_131 : i32 to vector<16xi32>
        %and3A_133 = arith.andi %get3A_121, %and3A_132 : vector<16xi32>
        %add3A_134 = arith.constant 25024 : i32
        %add3A_135 = vector.broadcast %add3A_134 : i32 to vector<16xi32>
        %add3A_136 = arith.addi %add3A_135, %and3A_133 : vector<16xi32>
        %select_n3A_137 = arith.select %and3A_130, %sub3A_123, %add3A_136 : vector<16xi1>, vector<16xi32>
        %swap3A_138 = arith.index_cast %scan3A_24 : i32 to index
        %swap3A_139 = arith.constant 64 : index
        %swap3A_140 = tpu.vector_load %arg8[%swap3A_138, %swap3A_139] {strides = array<i32>} : memref<16x128xi32, #tpu.memory_space<vmem>>, vector<1x16xi32>,
        %swap3A_141 = vector.shape_cast %swap3A_140 : vector<1x16xi32> to vector<16xi32>
        %swap3A_142 = vector.shape_cast %select_n3A_137 : vector<16xi32> to vector<1x16xi32>
        tpu.vector_store %arg8[%swap3A_138, %swap3A_139], %swap3A_142 {strides = array<i32>} : memref<16x128xi32, #tpu.memory_space<vmem>>, vector<1x16xi32>,
        %get3A_143 = arith.index_cast %scan3A_24 : i32 to index
        %get3A_144 = arith.constant 80 : index
        %get3A_145 = tpu.vector_load %arg8[%get3A_143, %get3A_144] {strides = array<i32>} : memref<16x128xi32, #tpu.memory_space<vmem>>, vector<1x16xi32>,
        %get3A_146 = vector.shape_cast %get3A_145 : vector<1x16xi32> to vector<16xi32>
        %sub3A_147 = vector.broadcast %mul3A_0 : i32 to vector<16xi32>
        %sub3A_148 = arith.subi %get3A_146, %sub3A_147 : vector<16xi32>
        %ge3A_149 = arith.constant 0 : i32
        %ge3A_150 = vector.broadcast %ge3A_149 : i32 to vector<16xi32>
        %ge3A_151 = arith.cmpi sge, %sub3A_148, %ge3A_150 : vector<16xi32>
        %lt3A_152 = arith.constant 25000 : i32
        %lt3A_153 = vector.broadcast %lt3A_152 : i32 to vector<16xi32>
        %lt3A_154 = arith.cmpi slt, %sub3A_148, %lt3A_153 : vector<16xi32>
        %and3A_155 = arith.andi %ge3A_151, %lt3A_154 : vector<16xi1>
        %and3A_156 = arith.constant 1023 : i32
        %and3A_157 = vector.broadcast %and3A_156 : i32 to vector<16xi32>
        %and3A_158 = arith.andi %get3A_146, %and3A_157 : vector<16xi32>
        %add3A_159 = arith.constant 25024 : i32
        %add3A_160 = vector.broadcast %add3A_159 : i32 to vector<16xi32>
        %add3A_161 = arith.addi %add3A_160, %and3A_158 : vector<16xi32>
        %select_n3A_162 = arith.select %and3A_155, %sub3A_148, %add3A_161 : vector<16xi1>, vector<16xi32>
        %swap3A_163 = arith.index_cast %scan3A_24 : i32 to index
        %swap3A_164 = arith.constant 80 : index
        %swap3A_165 = tpu.vector_load %arg8[%swap3A_163, %swap3A_164] {strides = array<i32>} : memref<16x128xi32, #tpu.memory_space<vmem>>, vector<1x16xi32>,
        %swap3A_166 = vector.shape_cast %swap3A_165 : vector<1x16xi32> to vector<16xi32>
        %swap3A_167 = vector.shape_cast %select_n3A_162 : vector<16xi32> to vector<1x16xi32>
        tpu.vector_store %arg8[%swap3A_163, %swap3A_164], %swap3A_167 {strides = array<i32>} : memref<16x128xi32, #tpu.memory_space<vmem>>, vector<1x16xi32>,
        %get3A_168 = arith.index_cast %scan3A_24 : i32 to index
        %get3A_169 = arith.constant 96 : index
        %get3A_170 = tpu.vector_load %arg8[%get3A_168, %get3A_169] {strides = array<i32>} : memref<16x128xi32, #tpu.memory_space<vmem>>, vector<1x16xi32>,
        %get3A_171 = vector.shape_cast %get3A_170 : vector<1x16xi32> to vector<16xi32>
        %sub3A_172 = vector.broadcast %mul3A_0 : i32 to vector<16xi32>
        %sub3A_173 = arith.subi %get3A_171, %sub3A_172 : vector<16xi32>
        %ge3A_174 = arith.constant 0 : i32
        %ge3A_175 = vector.broadcast %ge3A_174 : i32 to vector<16xi32>
        %ge3A_176 = arith.cmpi sge, %sub3A_173, %ge3A_175 : vector<16xi32>
        %lt3A_177 = arith.constant 25000 : i32
        %lt3A_178 = vector.broadcast %lt3A_177 : i32 to vector<16xi32>
        %lt3A_179 = arith.cmpi slt, %sub3A_173, %lt3A_178 : vector<16xi32>
        %and3A_180 = arith.andi %ge3A_176, %lt3A_179 : vector<16xi1>
        %and3A_181 = arith.constant 1023 : i32
        %and3A_182 = vector.broadcast %and3A_181 : i32 to vector<16xi32>
        %and3A_183 = arith.andi %get3A_171, %and3A_182 : vector<16xi32>
        %add3A_184 = arith.constant 25024 : i32
        %add3A_185 = vector.broadcast %add3A_184 : i32 to vector<16xi32>
        %add3A_186 = arith.addi %add3A_185, %and3A_183 : vector<16xi32>
        %select_n3A_187 = arith.select %and3A_180, %sub3A_173, %add3A_186 : vector<16xi1>, vector<16xi32>
        %swap3A_188 = arith.index_cast %scan3A_24 : i32 to index
        %swap3A_189 = arith.constant 96 : index
        %swap3A_190 = tpu.vector_load %arg8[%swap3A_188, %swap3A_189] {strides = array<i32>} : memref<16x128xi32, #tpu.memory_space<vmem>>, vector<1x16xi32>,
        %swap3A_191 = vector.shape_cast %swap3A_190 : vector<1x16xi32> to vector<16xi32>
        %swap3A_192 = vector.shape_cast %select_n3A_187 : vector<16xi32> to vector<1x16xi32>
        tpu.vector_store %arg8[%swap3A_188, %swap3A_189], %swap3A_192 {strides = array<i32>} : memref<16x128xi32, #tpu.memory_space<vmem>>, vector<1x16xi32>,
        %get3A_193 = arith.index_cast %scan3A_24 : i32 to index
        %get3A_194 = arith.constant 112 : index
        %get3A_195 = tpu.vector_load %arg8[%get3A_193, %get3A_194] {strides = array<i32>} : memref<16x128xi32, #tpu.memory_space<vmem>>, vector<1x16xi32>,
        %get3A_196 = vector.shape_cast %get3A_195 : vector<1x16xi32> to vector<16xi32>
        %sub3A_197 = vector.broadcast %mul3A_0 : i32 to vector<16xi32>
        %sub3A_198 = arith.subi %get3A_196, %sub3A_197 : vector<16xi32>
        %ge3A_199 = arith.constant 0 : i32
        %ge3A_200 = vector.broadcast %ge3A_199 : i32 to vector<16xi32>
        %ge3A_201 = arith.cmpi sge, %sub3A_198, %ge3A_200 : vector<16xi32>
        %lt3A_202 = arith.constant 25000 : i32
        %lt3A_203 = vector.broadcast %lt3A_202 : i32 to vector<16xi32>
        %lt3A_204 = arith.cmpi slt, %sub3A_198, %lt3A_203 : vector<16xi32>
        %and3A_205 = arith.andi %ge3A_201, %lt3A_204 : vector<16xi1>
        %and3A_206 = arith.constant 1023 : i32
        %and3A_207 = vector.broadcast %and3A_206 : i32 to vector<16xi32>
        %and3A_208 = arith.andi %get3A_196, %and3A_207 : vector<16xi32>
        %add3A_209 = arith.constant 25024 : i32
        %add3A_210 = vector.broadcast %add3A_209 : i32 to vector<16xi32>
        %add3A_211 = arith.addi %add3A_210, %and3A_208 : vector<16xi32>
        %select_n3A_212 = arith.select %and3A_205, %sub3A_198, %add3A_211 : vector<16xi1>, vector<16xi32>
        %swap3A_213 = arith.index_cast %scan3A_24 : i32 to index
        %swap3A_214 = arith.constant 112 : index
        %swap3A_215 = tpu.vector_load %arg8[%swap3A_213, %swap3A_214] {strides = array<i32>} : memref<16x128xi32, #tpu.memory_space<vmem>>, vector<1x16xi32>,
        %swap3A_216 = vector.shape_cast %swap3A_215 : vector<1x16xi32> to vector<16xi32>
        %swap3A_217 = vector.shape_cast %select_n3A_212 : vector<16xi32> to vector<1x16xi32>
        tpu.vector_store %arg8[%swap3A_213, %swap3A_214], %swap3A_217 {strides = array<i32>} : memref<16x128xi32, #tpu.memory_space<vmem>>, vector<1x16xi32>,
        %dma_start3A = arith.constant 0 : i32
        %dma_start3A_218 = tpu.memref_slice %arg7[%scan3A_24, %dma_start3A] : memref<16x128xi32, #tpu.memory_space<vmem>> -> memref<1x128xi32, #tpu.memory_space<vmem>>
        %dma_start3A_219 = tpu.memref_squeeze %dma_start3A_218 : memref<1x128xi32, #tpu.memory_space<vmem>> -> memref<128xi32, #tpu.memory_space<vmem>>
        %dma_start3A_220 = arith.constant 0 : i32
        %dma_start3A_221 = arith.constant 0 : i32
        %dma_start3A_222 = tpu.memref_slice %arg2[%dma_start3A_220, %dma_start3A_221] : memref<50000x72xf32, #tpu.memory_space<hbm>> -> memref<50000x72xf32, #tpu.memory_space<hbm>>
        tpu.enqueue_indirect_dma source(%dma_start3A_222 : memref<50000x72xf32, #tpu.memory_space<hbm>>) target(%arg9 : memref<128x72xf32, #tpu.memory_space<vmem>>) offsets(%dma_start3A_219 : memref<128xi32, #tpu.memory_space<vmem>>) semaphore(%arg11 : memref<!tpu.dma_semaphore, #tpu.memory_space<semaphore_mem>>)
        %dma_wait3A = arith.constant 0 : i32
        %dma_wait3A_223 = tpu.memref_slice %arg7[%scan3A_24, %dma_wait3A] : memref<16x128xi32, #tpu.memory_space<vmem>> -> memref<1x128xi32, #tpu.memory_space<vmem>>
        %dma_wait3A_224 = tpu.memref_squeeze %dma_wait3A_223 : memref<1x128xi32, #tpu.memory_space<vmem>> -> memref<128xi32, #tpu.memory_space<vmem>>
        %dma_wait3A_225 = arith.constant 0 : i32
        %dma_wait3A_226 = arith.constant 0 : i32
        %dma_wait3A_227 = tpu.memref_slice %arg2[%dma_wait3A_225, %dma_wait3A_226] : memref<50000x72xf32, #tpu.memory_space<hbm>> -> memref<50000x72xf32, #tpu.memory_space<hbm>>
        tpu.wait_indirect_dma semaphore(%arg11 : memref<!tpu.dma_semaphore, #tpu.memory_space<semaphore_mem>>) src(%dma_wait3A_227 : memref<50000x72xf32, #tpu.memory_space<hbm>>) dst(%arg9 : memref<128x72xf32, #tpu.memory_space<vmem>>)
        "tpu.region"() ({
          %run_scoped3A = tpu.sem_alloc : memref<!tpu.dma_semaphore, #tpu.memory_space<semaphore_mem>>
          %dma_start3A_228 = arith.constant 0 : i32
          %dma_start3A_229 = tpu.memref_slice %arg8[%scan3A_24, %dma_start3A_228] : memref<16x128xi32, #tpu.memory_space<vmem>> -> memref<1x128xi32, #tpu.memory_space<vmem>>
          %dma_start3A_230 = tpu.memref_squeeze %dma_start3A_229 : memref<1x128xi32, #tpu.memory_space<vmem>> -> memref<128xi32, #tpu.memory_space<vmem>>
          %dma_start3A_231 = arith.constant 0 : i32
          %dma_start3A_232 = arith.constant 0 : i32
          %dma_start3A_233 = tpu.memref_slice %arg10[%dma_start3A_231, %dma_start3A_232] : memref<26112x72xf32, #tpu.memory_space<vmem_shared>> -> memref<26112x72xf32, #tpu.memory_space<vmem_shared>>
          tpu.enqueue_indirect_dma source(%arg9 : memref<128x72xf32, #tpu.memory_space<vmem>>) target(%dma_start3A_233 : memref<26112x72xf32, #tpu.memory_space<vmem_shared>>) offsets(%dma_start3A_230 : memref<128xi32, #tpu.memory_space<vmem>>) semaphore(%run_scoped3A : memref<!tpu.dma_semaphore, #tpu.memory_space<semaphore_mem>>) {add = true}
          %dma_wait3A_234 = arith.constant 0 : i32
          %dma_wait3A_235 = tpu.memref_slice %arg8[%scan3A_24, %dma_wait3A_234] : memref<16x128xi32, #tpu.memory_space<vmem>> -> memref<1x128xi32, #tpu.memory_space<vmem>>
          %dma_wait3A_236 = tpu.memref_squeeze %dma_wait3A_235 : memref<1x128xi32, #tpu.memory_space<vmem>> -> memref<128xi32, #tpu.memory_space<vmem>>
          %dma_wait3A_237 = arith.constant 0 : i32
          %dma_wait3A_238 = arith.constant 0 : i32
          %dma_wait3A_239 = tpu.memref_slice %arg10[%dma_wait3A_237, %dma_wait3A_238] : memref<26112x72xf32, #tpu.memory_space<vmem_shared>> -> memref<26112x72xf32, #tpu.memory_space<vmem_shared>>
          tpu.wait_indirect_dma semaphore(%run_scoped3A : memref<!tpu.dma_semaphore, #tpu.memory_space<semaphore_mem>>) src(%arg9 : memref<128x72xf32, #tpu.memory_space<vmem>>) dst(%dma_wait3A_239 : memref<26112x72xf32, #tpu.memory_space<vmem_shared>>)
          tpu.yield
        }) : () -> ()
      }
      %scan3A_23 = arith.constant 16 : i32
    }
    %scan3A_7 = arith.constant 25 : i32
    %barrier3A_8 = arith.constant 0 : index
    tpu.barrier barrier_id(%barrier3A_8)
    %mul3A_9 = arith.constant 1632 : i32
    %mul3A_10 = arith.muli %arg1, %mul3A_9 : i32
    %mul3A_11 = arith.constant 1632 : i32
    %mul3A_12 = arith.muli %arg1, %mul3A_11 : i32
    "tpu.region"() ({
      %run_scoped3A = tpu.sem_alloc : memref<!tpu.dma_semaphore, #tpu.memory_space<semaphore_mem>>
      %dma_start3A = arith.constant 0 : i32
      %dma_start3A_13 = tpu.memref_slice %arg6[%arg0, %mul3A_12, %dma_start3A] : memref<2x26112x72xf32, #tpu.memory_space<hbm>> -> memref<1x1632x72xf32, #tpu.memory_space<hbm>>
      %dma_start3A_14 = tpu.memref_squeeze %dma_start3A_13 : memref<1x1632x72xf32, #tpu.memory_space<hbm>> -> memref<1632x72xf32, #tpu.memory_space<hbm>>
      %dma_start3A_15 = arith.constant 0 : i32
      %dma_start3A_16 = tpu.memref_slice %arg10[%mul3A_10, %dma_start3A_15] : memref<26112x72xf32, #tpu.memory_space<vmem_shared>> -> memref<1632x72xf32, #tpu.memory_space<vmem_shared>>
      tpu.enqueue_dma source(%dma_start3A_16 : memref<1632x72xf32, #tpu.memory_space<vmem_shared>>) target(%dma_start3A_14 : memref<1632x72xf32, #tpu.memory_space<hbm>>) target_semaphore(%run_scoped3A : memref<!tpu.dma_semaphore, #tpu.memory_space<semaphore_mem>>)
      %dma_wait3A = arith.constant 0 : i32
      %dma_wait3A_17 = tpu.memref_slice %arg6[%arg0, %mul3A_12, %dma_wait3A] : memref<2x26112x72xf32, #tpu.memory_space<hbm>> -> memref<1x1632x72xf32, #tpu.memory_space<hbm>>
      %dma_wait3A_18 = tpu.memref_squeeze %dma_wait3A_17 : memref<1x1632x72xf32, #tpu.memory_space<hbm>> -> memref<1632x72xf32, #tpu.memory_space<hbm>>
      %dma_wait3A_19 = arith.constant 0 : i32
      %dma_wait3A_20 = tpu.memref_slice %arg10[%mul3A_10, %dma_wait3A_19] : memref<26112x72xf32, #tpu.memory_space<vmem_shared>> -> memref<1632x72xf32, #tpu.memory_space<vmem_shared>>
      tpu.wait_dma2 semaphore(%run_scoped3A : memref<!tpu.dma_semaphore, #tpu.memory_space<semaphore_mem>>) src(%dma_wait3A_20 : memref<1632x72xf32, #tpu.memory_space<vmem_shared>>) dst(%dma_wait3A_18 : memref<1632x72xf32, #tpu.memory_space<hbm>>)
      tpu.yield
    }) : () -> ()
    return
  }
}

#map = affine_map<(d0, d1) -> (0, 0)>
#map1 = affine_map<(d0, d1) -> (0, 0, 0)>
module attributes {stable_mosaic.version = 14 : i64} {
  func.func @_spmm_body(%arg0: i32, %arg1: i32, %arg2: memref<50000x72xf32, #tpu.memory_space<hbm>>, %arg3: memref<6400x128xi32, #tpu.memory_space<hbm>>, %arg4: memref<6400x128xi32, #tpu.memory_space<hbm>>, %arg5: memref<1632x72xf32, #tpu.memory_space<hbm>>, %arg6: memref<2x26112x72xf32, #tpu.memory_space<hbm>>, %arg7: memref<16x128xi32, #tpu.memory_space<vmem>>, %arg8: memref<16x128xi32, #tpu.memory_space<vmem>>, %arg9: memref<128x72xf32, #tpu.memory_space<vmem>>, %arg10: memref<26112x72xf32, #tpu.memory_space<vmem_shared>>, %arg11: memref<!tpu.dma_semaphore, #tpu.memory_space<semaphore_mem>>) attributes {dimension_semantics = [#tpu.dimension_semantics<core_parallel>, #tpu.dimension_semantics<subcore_parallel>], iteration_bounds = array<i64: 2, 16>, scalar_prefetch = 0 : i64, scratch_operands = 5 : i64, tpu.core_type = #tpu.core_type<sc_vector_subcore>, window_params = [{transform_indices = #map}, {transform_indices = #map}, {transform_indices = #map}, {transform_indices = #map}, {transform_indices = #map1}]} {
    %mul3A = arith.constant 25000 : i32
    %mul3A_0 = arith.muli %arg0, %mul3A : i32
    %mul3A_1 = arith.constant 1632 : i32
    %mul3A_2 = arith.muli %arg1, %mul3A_1 : i32
    "tpu.region"() ({
      %run_scoped3A = tpu.sem_alloc : memref<!tpu.dma_semaphore, #tpu.memory_space<semaphore_mem>>
      %dma_start3A = arith.constant 0 : i32
      %dma_start3A_13 = tpu.memref_slice %arg10[%mul3A_2, %dma_start3A] : memref<26112x72xf32, #tpu.memory_space<vmem_shared>> -> memref<1632x72xf32, #tpu.memory_space<vmem_shared>>
      tpu.enqueue_dma source(%arg5 : memref<1632x72xf32, #tpu.memory_space<hbm>>) target(%dma_start3A_13 : memref<1632x72xf32, #tpu.memory_space<vmem_shared>>) target_semaphore(%run_scoped3A : memref<!tpu.dma_semaphore, #tpu.memory_space<semaphore_mem>>)
      %dma_wait3A = arith.constant 0 : i32
      %dma_wait3A_14 = tpu.memref_slice %arg10[%mul3A_2, %dma_wait3A] : memref<26112x72xf32, #tpu.memory_space<vmem_shared>> -> memref<1632x72xf32, #tpu.memory_space<vmem_shared>>
      tpu.wait_dma2 semaphore(%run_scoped3A : memref<!tpu.dma_semaphore, #tpu.memory_space<semaphore_mem>>) src(%arg5 : memref<1632x72xf32, #tpu.memory_space<hbm>>) dst(%dma_wait3A_14 : memref<1632x72xf32, #tpu.memory_space<vmem_shared>>)
      tpu.yield
    }) : () -> ()
    %barrier3A = arith.constant 0 : index
    tpu.barrier barrier_id(%barrier3A)
    %scan3A = arith.constant 0 : i32
    %scan3A_3 = arith.constant 0 : i32
    %scan3A_4 = arith.constant 25 : i32
    %scan3A_5 = arith.addi %scan3A_3, %scan3A_4 : i32
    %scan3A_6 = arith.constant 1 : i32
    scf.for %scan3A_13 = %scan3A_3 to %scan3A_5 step %scan3A_6  : i32 {
      %mul3A_14 = arith.constant 400 : i32
      %mul3A_15 = arith.muli %arg1, %mul3A_14 : i32
      %mul3A_16 = arith.constant 16 : i32
      %mul3A_17 = arith.muli %scan3A_13, %mul3A_16 : i32
      %add3A = arith.addi %mul3A_15, %mul3A_17 : i32
      "tpu.region"() ({
        %run_scoped3A = tpu.sem_alloc : memref<!tpu.dma_semaphore, #tpu.memory_space<semaphore_mem>>
        %dma_start3A = arith.constant 0 : i32
        %dma_start3A_24 = tpu.memref_slice %arg3[%add3A, %dma_start3A] : memref<6400x128xi32, #tpu.memory_space<hbm>> -> memref<16x128xi32, #tpu.memory_space<hbm>>
        %dma_start3A_25 = arith.constant 0 : i32
        %dma_start3A_26 = tpu.memref_slice %arg3[%add3A, %dma_start3A_25] : memref<6400x128xi32, #tpu.memory_space<hbm>> -> memref<16x128xi32, #tpu.memory_space<hbm>>
        tpu.enqueue_dma source(%dma_start3A_26 : memref<16x128xi32, #tpu.memory_space<hbm>>) target(%arg7 : memref<16x128xi32, #tpu.memory_space<vmem>>) target_semaphore(%run_scoped3A : memref<!tpu.dma_semaphore, #tpu.memory_space<semaphore_mem>>)
        %dma_wait3A = arith.constant 0 : i32
        %dma_wait3A_27 = tpu.memref_slice %arg3[%add3A, %dma_wait3A] : memref<6400x128xi32, #tpu.memory_space<hbm>> -> memref<16x128xi32, #tpu.memory_space<hbm>>
        %dma_wait3A_28 = arith.constant 0 : i32
        %dma_wait3A_29 = tpu.memref_slice %arg3[%add3A, %dma_wait3A_28] : memref<6400x128xi32, #tpu.memory_space<hbm>> -> memref<16x128xi32, #tpu.memory_space<hbm>>
        tpu.wait_dma2 semaphore(%run_scoped3A : memref<!tpu.dma_semaphore, #tpu.memory_space<semaphore_mem>>) src(%dma_wait3A_29 : memref<16x128xi32, #tpu.memory_space<hbm>>) dst(%arg7 : memref<16x128xi32, #tpu.memory_space<vmem>>)
        tpu.yield
      }) : () -> ()
      "tpu.region"() ({
        %run_scoped3A = tpu.sem_alloc : memref<!tpu.dma_semaphore, #tpu.memory_space<semaphore_mem>>
        %dma_start3A = arith.constant 0 : i32
        %dma_start3A_24 = tpu.memref_slice %arg4[%add3A, %dma_start3A] : memref<6400x128xi32, #tpu.memory_space<hbm>> -> memref<16x128xi32, #tpu.memory_space<hbm>>
        %dma_start3A_25 = arith.constant 0 : i32
        %dma_start3A_26 = tpu.memref_slice %arg4[%add3A, %dma_start3A_25] : memref<6400x128xi32, #tpu.memory_space<hbm>> -> memref<16x128xi32, #tpu.memory_space<hbm>>
        tpu.enqueue_dma source(%dma_start3A_26 : memref<16x128xi32, #tpu.memory_space<hbm>>) target(%arg8 : memref<16x128xi32, #tpu.memory_space<vmem>>) target_semaphore(%run_scoped3A : memref<!tpu.dma_semaphore, #tpu.memory_space<semaphore_mem>>)
        %dma_wait3A = arith.constant 0 : i32
        %dma_wait3A_27 = tpu.memref_slice %arg4[%add3A, %dma_wait3A] : memref<6400x128xi32, #tpu.memory_space<hbm>> -> memref<16x128xi32, #tpu.memory_space<hbm>>
        %dma_wait3A_28 = arith.constant 0 : i32
        %dma_wait3A_29 = tpu.memref_slice %arg4[%add3A, %dma_wait3A_28] : memref<6400x128xi32, #tpu.memory_space<hbm>> -> memref<16x128xi32, #tpu.memory_space<hbm>>
        tpu.wait_dma2 semaphore(%run_scoped3A : memref<!tpu.dma_semaphore, #tpu.memory_space<semaphore_mem>>) src(%dma_wait3A_29 : memref<16x128xi32, #tpu.memory_space<hbm>>) dst(%arg8 : memref<16x128xi32, #tpu.memory_space<vmem>>)
        tpu.yield
      }) : () -> ()
      %scan3A_18 = arith.constant 0 : i32
      %scan3A_19 = arith.constant 0 : i32
      %scan3A_20 = arith.constant 16 : i32
      %scan3A_21 = arith.addi %scan3A_19, %scan3A_20 : i32
      %scan3A_22 = arith.constant 1 : i32
      scf.for %scan3A_24 = %scan3A_19 to %scan3A_21 step %scan3A_22  : i32 {
        %get3A = arith.index_cast %scan3A_24 : i32 to index
        %get3A_25 = arith.constant 0 : index
        %get3A_26 = tpu.vector_load %arg8[%get3A, %get3A_25] {strides = array<i32>} : memref<16x128xi32, #tpu.memory_space<vmem>>, vector<1x16xi32>,
        %get3A_27 = vector.shape_cast %get3A_26 : vector<1x16xi32> to vector<16xi32>
        %sub3A = vector.broadcast %mul3A_0 : i32 to vector<16xi32>
        %sub3A_28 = arith.subi %get3A_27, %sub3A : vector<16xi32>
        %ge3A = arith.constant 0 : i32
        %ge3A_29 = vector.broadcast %ge3A : i32 to vector<16xi32>
        %ge3A_30 = arith.cmpi sge, %sub3A_28, %ge3A_29 : vector<16xi32>
        %lt3A = arith.constant 25000 : i32
        %lt3A_31 = vector.broadcast %lt3A : i32 to vector<16xi32>
        %lt3A_32 = arith.cmpi slt, %sub3A_28, %lt3A_31 : vector<16xi32>
        %and3A = arith.andi %ge3A_30, %lt3A_32 : vector<16xi1>
        %and3A_33 = arith.constant 1023 : i32
        %and3A_34 = vector.broadcast %and3A_33 : i32 to vector<16xi32>
        %and3A_35 = arith.andi %get3A_27, %and3A_34 : vector<16xi32>
        %add3A_36 = arith.constant 25024 : i32
        %add3A_37 = vector.broadcast %add3A_36 : i32 to vector<16xi32>
        %add3A_38 = arith.addi %add3A_37, %and3A_35 : vector<16xi32>
        %select_n3A = arith.select %and3A, %sub3A_28, %add3A_38 : vector<16xi1>, vector<16xi32>
        %swap3A = arith.index_cast %scan3A_24 : i32 to index
        %swap3A_39 = arith.constant 0 : index
        %swap3A_40 = tpu.vector_load %arg8[%swap3A, %swap3A_39] {strides = array<i32>} : memref<16x128xi32, #tpu.memory_space<vmem>>, vector<1x16xi32>,
        %swap3A_41 = vector.shape_cast %swap3A_40 : vector<1x16xi32> to vector<16xi32>
        %swap3A_42 = vector.shape_cast %select_n3A : vector<16xi32> to vector<1x16xi32>
        tpu.vector_store %arg8[%swap3A, %swap3A_39], %swap3A_42 {strides = array<i32>} : memref<16x128xi32, #tpu.memory_space<vmem>>, vector<1x16xi32>,
        %get3A_43 = arith.index_cast %scan3A_24 : i32 to index
        %get3A_44 = arith.constant 16 : index
        %get3A_45 = tpu.vector_load %arg8[%get3A_43, %get3A_44] {strides = array<i32>} : memref<16x128xi32, #tpu.memory_space<vmem>>, vector<1x16xi32>,
        %get3A_46 = vector.shape_cast %get3A_45 : vector<1x16xi32> to vector<16xi32>
        %sub3A_47 = vector.broadcast %mul3A_0 : i32 to vector<16xi32>
        %sub3A_48 = arith.subi %get3A_46, %sub3A_47 : vector<16xi32>
        %ge3A_49 = arith.constant 0 : i32
        %ge3A_50 = vector.broadcast %ge3A_49 : i32 to vector<16xi32>
        %ge3A_51 = arith.cmpi sge, %sub3A_48, %ge3A_50 : vector<16xi32>
        %lt3A_52 = arith.constant 25000 : i32
        %lt3A_53 = vector.broadcast %lt3A_52 : i32 to vector<16xi32>
        %lt3A_54 = arith.cmpi slt, %sub3A_48, %lt3A_53 : vector<16xi32>
        %and3A_55 = arith.andi %ge3A_51, %lt3A_54 : vector<16xi1>
        %and3A_56 = arith.constant 1023 : i32
        %and3A_57 = vector.broadcast %and3A_56 : i32 to vector<16xi32>
        %and3A_58 = arith.andi %get3A_46, %and3A_57 : vector<16xi32>
        %add3A_59 = arith.constant 25024 : i32
        %add3A_60 = vector.broadcast %add3A_59 : i32 to vector<16xi32>
        %add3A_61 = arith.addi %add3A_60, %and3A_58 : vector<16xi32>
        %select_n3A_62 = arith.select %and3A_55, %sub3A_48, %add3A_61 : vector<16xi1>, vector<16xi32>
        %swap3A_63 = arith.index_cast %scan3A_24 : i32 to index
        %swap3A_64 = arith.constant 16 : index
        %swap3A_65 = tpu.vector_load %arg8[%swap3A_63, %swap3A_64] {strides = array<i32>} : memref<16x128xi32, #tpu.memory_space<vmem>>, vector<1x16xi32>,
        %swap3A_66 = vector.shape_cast %swap3A_65 : vector<1x16xi32> to vector<16xi32>
        %swap3A_67 = vector.shape_cast %select_n3A_62 : vector<16xi32> to vector<1x16xi32>
        tpu.vector_store %arg8[%swap3A_63, %swap3A_64], %swap3A_67 {strides = array<i32>} : memref<16x128xi32, #tpu.memory_space<vmem>>, vector<1x16xi32>,
        %get3A_68 = arith.index_cast %scan3A_24 : i32 to index
        %get3A_69 = arith.constant 32 : index
        %get3A_70 = tpu.vector_load %arg8[%get3A_68, %get3A_69] {strides = array<i32>} : memref<16x128xi32, #tpu.memory_space<vmem>>, vector<1x16xi32>,
        %get3A_71 = vector.shape_cast %get3A_70 : vector<1x16xi32> to vector<16xi32>
        %sub3A_72 = vector.broadcast %mul3A_0 : i32 to vector<16xi32>
        %sub3A_73 = arith.subi %get3A_71, %sub3A_72 : vector<16xi32>
        %ge3A_74 = arith.constant 0 : i32
        %ge3A_75 = vector.broadcast %ge3A_74 : i32 to vector<16xi32>
        %ge3A_76 = arith.cmpi sge, %sub3A_73, %ge3A_75 : vector<16xi32>
        %lt3A_77 = arith.constant 25000 : i32
        %lt3A_78 = vector.broadcast %lt3A_77 : i32 to vector<16xi32>
        %lt3A_79 = arith.cmpi slt, %sub3A_73, %lt3A_78 : vector<16xi32>
        %and3A_80 = arith.andi %ge3A_76, %lt3A_79 : vector<16xi1>
        %and3A_81 = arith.constant 1023 : i32
        %and3A_82 = vector.broadcast %and3A_81 : i32 to vector<16xi32>
        %and3A_83 = arith.andi %get3A_71, %and3A_82 : vector<16xi32>
        %add3A_84 = arith.constant 25024 : i32
        %add3A_85 = vector.broadcast %add3A_84 : i32 to vector<16xi32>
        %add3A_86 = arith.addi %add3A_85, %and3A_83 : vector<16xi32>
        %select_n3A_87 = arith.select %and3A_80, %sub3A_73, %add3A_86 : vector<16xi1>, vector<16xi32>
        %swap3A_88 = arith.index_cast %scan3A_24 : i32 to index
        %swap3A_89 = arith.constant 32 : index
        %swap3A_90 = tpu.vector_load %arg8[%swap3A_88, %swap3A_89] {strides = array<i32>} : memref<16x128xi32, #tpu.memory_space<vmem>>, vector<1x16xi32>,
        %swap3A_91 = vector.shape_cast %swap3A_90 : vector<1x16xi32> to vector<16xi32>
        %swap3A_92 = vector.shape_cast %select_n3A_87 : vector<16xi32> to vector<1x16xi32>
        tpu.vector_store %arg8[%swap3A_88, %swap3A_89], %swap3A_92 {strides = array<i32>} : memref<16x128xi32, #tpu.memory_space<vmem>>, vector<1x16xi32>,
        %get3A_93 = arith.index_cast %scan3A_24 : i32 to index
        %get3A_94 = arith.constant 48 : index
        %get3A_95 = tpu.vector_load %arg8[%get3A_93, %get3A_94] {strides = array<i32>} : memref<16x128xi32, #tpu.memory_space<vmem>>, vector<1x16xi32>,
        %get3A_96 = vector.shape_cast %get3A_95 : vector<1x16xi32> to vector<16xi32>
        %sub3A_97 = vector.broadcast %mul3A_0 : i32 to vector<16xi32>
        %sub3A_98 = arith.subi %get3A_96, %sub3A_97 : vector<16xi32>
        %ge3A_99 = arith.constant 0 : i32
        %ge3A_100 = vector.broadcast %ge3A_99 : i32 to vector<16xi32>
        %ge3A_101 = arith.cmpi sge, %sub3A_98, %ge3A_100 : vector<16xi32>
        %lt3A_102 = arith.constant 25000 : i32
        %lt3A_103 = vector.broadcast %lt3A_102 : i32 to vector<16xi32>
        %lt3A_104 = arith.cmpi slt, %sub3A_98, %lt3A_103 : vector<16xi32>
        %and3A_105 = arith.andi %ge3A_101, %lt3A_104 : vector<16xi1>
        %and3A_106 = arith.constant 1023 : i32
        %and3A_107 = vector.broadcast %and3A_106 : i32 to vector<16xi32>
        %and3A_108 = arith.andi %get3A_96, %and3A_107 : vector<16xi32>
        %add3A_109 = arith.constant 25024 : i32
        %add3A_110 = vector.broadcast %add3A_109 : i32 to vector<16xi32>
        %add3A_111 = arith.addi %add3A_110, %and3A_108 : vector<16xi32>
        %select_n3A_112 = arith.select %and3A_105, %sub3A_98, %add3A_111 : vector<16xi1>, vector<16xi32>
        %swap3A_113 = arith.index_cast %scan3A_24 : i32 to index
        %swap3A_114 = arith.constant 48 : index
        %swap3A_115 = tpu.vector_load %arg8[%swap3A_113, %swap3A_114] {strides = array<i32>} : memref<16x128xi32, #tpu.memory_space<vmem>>, vector<1x16xi32>,
        %swap3A_116 = vector.shape_cast %swap3A_115 : vector<1x16xi32> to vector<16xi32>
        %swap3A_117 = vector.shape_cast %select_n3A_112 : vector<16xi32> to vector<1x16xi32>
        tpu.vector_store %arg8[%swap3A_113, %swap3A_114], %swap3A_117 {strides = array<i32>} : memref<16x128xi32, #tpu.memory_space<vmem>>, vector<1x16xi32>,
        %get3A_118 = arith.index_cast %scan3A_24 : i32 to index
        %get3A_119 = arith.constant 64 : index
        %get3A_120 = tpu.vector_load %arg8[%get3A_118, %get3A_119] {strides = array<i32>} : memref<16x128xi32, #tpu.memory_space<vmem>>, vector<1x16xi32>,
        %get3A_121 = vector.shape_cast %get3A_120 : vector<1x16xi32> to vector<16xi32>
        %sub3A_122 = vector.broadcast %mul3A_0 : i32 to vector<16xi32>
        %sub3A_123 = arith.subi %get3A_121, %sub3A_122 : vector<16xi32>
        %ge3A_124 = arith.constant 0 : i32
        %ge3A_125 = vector.broadcast %ge3A_124 : i32 to vector<16xi32>
        %ge3A_126 = arith.cmpi sge, %sub3A_123, %ge3A_125 : vector<16xi32>
        %lt3A_127 = arith.constant 25000 : i32
        %lt3A_128 = vector.broadcast %lt3A_127 : i32 to vector<16xi32>
        %lt3A_129 = arith.cmpi slt, %sub3A_123, %lt3A_128 : vector<16xi32>
        %and3A_130 = arith.andi %ge3A_126, %lt3A_129 : vector<16xi1>
        %and3A_131 = arith.constant 1023 : i32
        %and3A_132 = vector.broadcast %and3A_131 : i32 to vector<16xi32>
        %and3A_133 = arith.andi %get3A_121, %and3A_132 : vector<16xi32>
        %add3A_134 = arith.constant 25024 : i32
        %add3A_135 = vector.broadcast %add3A_134 : i32 to vector<16xi32>
        %add3A_136 = arith.addi %add3A_135, %and3A_133 : vector<16xi32>
        %select_n3A_137 = arith.select %and3A_130, %sub3A_123, %add3A_136 : vector<16xi1>, vector<16xi32>
        %swap3A_138 = arith.index_cast %scan3A_24 : i32 to index
        %swap3A_139 = arith.constant 64 : index
        %swap3A_140 = tpu.vector_load %arg8[%swap3A_138, %swap3A_139] {strides = array<i32>} : memref<16x128xi32, #tpu.memory_space<vmem>>, vector<1x16xi32>,
        %swap3A_141 = vector.shape_cast %swap3A_140 : vector<1x16xi32> to vector<16xi32>
        %swap3A_142 = vector.shape_cast %select_n3A_137 : vector<16xi32> to vector<1x16xi32>
        tpu.vector_store %arg8[%swap3A_138, %swap3A_139], %swap3A_142 {strides = array<i32>} : memref<16x128xi32, #tpu.memory_space<vmem>>, vector<1x16xi32>,
        %get3A_143 = arith.index_cast %scan3A_24 : i32 to index
        %get3A_144 = arith.constant 80 : index
        %get3A_145 = tpu.vector_load %arg8[%get3A_143, %get3A_144] {strides = array<i32>} : memref<16x128xi32, #tpu.memory_space<vmem>>, vector<1x16xi32>,
        %get3A_146 = vector.shape_cast %get3A_145 : vector<1x16xi32> to vector<16xi32>
        %sub3A_147 = vector.broadcast %mul3A_0 : i32 to vector<16xi32>
        %sub3A_148 = arith.subi %get3A_146, %sub3A_147 : vector<16xi32>
        %ge3A_149 = arith.constant 0 : i32
        %ge3A_150 = vector.broadcast %ge3A_149 : i32 to vector<16xi32>
        %ge3A_151 = arith.cmpi sge, %sub3A_148, %ge3A_150 : vector<16xi32>
        %lt3A_152 = arith.constant 25000 : i32
        %lt3A_153 = vector.broadcast %lt3A_152 : i32 to vector<16xi32>
        %lt3A_154 = arith.cmpi slt, %sub3A_148, %lt3A_153 : vector<16xi32>
        %and3A_155 = arith.andi %ge3A_151, %lt3A_154 : vector<16xi1>
        %and3A_156 = arith.constant 1023 : i32
        %and3A_157 = vector.broadcast %and3A_156 : i32 to vector<16xi32>
        %and3A_158 = arith.andi %get3A_146, %and3A_157 : vector<16xi32>
        %add3A_159 = arith.constant 25024 : i32
        %add3A_160 = vector.broadcast %add3A_159 : i32 to vector<16xi32>
        %add3A_161 = arith.addi %add3A_160, %and3A_158 : vector<16xi32>
        %select_n3A_162 = arith.select %and3A_155, %sub3A_148, %add3A_161 : vector<16xi1>, vector<16xi32>
        %swap3A_163 = arith.index_cast %scan3A_24 : i32 to index
        %swap3A_164 = arith.constant 80 : index
        %swap3A_165 = tpu.vector_load %arg8[%swap3A_163, %swap3A_164] {strides = array<i32>} : memref<16x128xi32, #tpu.memory_space<vmem>>, vector<1x16xi32>,
        %swap3A_166 = vector.shape_cast %swap3A_165 : vector<1x16xi32> to vector<16xi32>
        %swap3A_167 = vector.shape_cast %select_n3A_162 : vector<16xi32> to vector<1x16xi32>
        tpu.vector_store %arg8[%swap3A_163, %swap3A_164], %swap3A_167 {strides = array<i32>} : memref<16x128xi32, #tpu.memory_space<vmem>>, vector<1x16xi32>,
        %get3A_168 = arith.index_cast %scan3A_24 : i32 to index
        %get3A_169 = arith.constant 96 : index
        %get3A_170 = tpu.vector_load %arg8[%get3A_168, %get3A_169] {strides = array<i32>} : memref<16x128xi32, #tpu.memory_space<vmem>>, vector<1x16xi32>,
        %get3A_171 = vector.shape_cast %get3A_170 : vector<1x16xi32> to vector<16xi32>
        %sub3A_172 = vector.broadcast %mul3A_0 : i32 to vector<16xi32>
        %sub3A_173 = arith.subi %get3A_171, %sub3A_172 : vector<16xi32>
        %ge3A_174 = arith.constant 0 : i32
        %ge3A_175 = vector.broadcast %ge3A_174 : i32 to vector<16xi32>
        %ge3A_176 = arith.cmpi sge, %sub3A_173, %ge3A_175 : vector<16xi32>
        %lt3A_177 = arith.constant 25000 : i32
        %lt3A_178 = vector.broadcast %lt3A_177 : i32 to vector<16xi32>
        %lt3A_179 = arith.cmpi slt, %sub3A_173, %lt3A_178 : vector<16xi32>
        %and3A_180 = arith.andi %ge3A_176, %lt3A_179 : vector<16xi1>
        %and3A_181 = arith.constant 1023 : i32
        %and3A_182 = vector.broadcast %and3A_181 : i32 to vector<16xi32>
        %and3A_183 = arith.andi %get3A_171, %and3A_182 : vector<16xi32>
        %add3A_184 = arith.constant 25024 : i32
        %add3A_185 = vector.broadcast %add3A_184 : i32 to vector<16xi32>
        %add3A_186 = arith.addi %add3A_185, %and3A_183 : vector<16xi32>
        %select_n3A_187 = arith.select %and3A_180, %sub3A_173, %add3A_186 : vector<16xi1>, vector<16xi32>
        %swap3A_188 = arith.index_cast %scan3A_24 : i32 to index
        %swap3A_189 = arith.constant 96 : index
        %swap3A_190 = tpu.vector_load %arg8[%swap3A_188, %swap3A_189] {strides = array<i32>} : memref<16x128xi32, #tpu.memory_space<vmem>>, vector<1x16xi32>,
        %swap3A_191 = vector.shape_cast %swap3A_190 : vector<1x16xi32> to vector<16xi32>
        %swap3A_192 = vector.shape_cast %select_n3A_187 : vector<16xi32> to vector<1x16xi32>
        tpu.vector_store %arg8[%swap3A_188, %swap3A_189], %swap3A_192 {strides = array<i32>} : memref<16x128xi32, #tpu.memory_space<vmem>>, vector<1x16xi32>,
        %get3A_193 = arith.index_cast %scan3A_24 : i32 to index
        %get3A_194 = arith.constant 112 : index
        %get3A_195 = tpu.vector_load %arg8[%get3A_193, %get3A_194] {strides = array<i32>} : memref<16x128xi32, #tpu.memory_space<vmem>>, vector<1x16xi32>,
        %get3A_196 = vector.shape_cast %get3A_195 : vector<1x16xi32> to vector<16xi32>
        %sub3A_197 = vector.broadcast %mul3A_0 : i32 to vector<16xi32>
        %sub3A_198 = arith.subi %get3A_196, %sub3A_197 : vector<16xi32>
        %ge3A_199 = arith.constant 0 : i32
        %ge3A_200 = vector.broadcast %ge3A_199 : i32 to vector<16xi32>
        %ge3A_201 = arith.cmpi sge, %sub3A_198, %ge3A_200 : vector<16xi32>
        %lt3A_202 = arith.constant 25000 : i32
        %lt3A_203 = vector.broadcast %lt3A_202 : i32 to vector<16xi32>
        %lt3A_204 = arith.cmpi slt, %sub3A_198, %lt3A_203 : vector<16xi32>
        %and3A_205 = arith.andi %ge3A_201, %lt3A_204 : vector<16xi1>
        %and3A_206 = arith.constant 1023 : i32
        %and3A_207 = vector.broadcast %and3A_206 : i32 to vector<16xi32>
        %and3A_208 = arith.andi %get3A_196, %and3A_207 : vector<16xi32>
        %add3A_209 = arith.constant 25024 : i32
        %add3A_210 = vector.broadcast %add3A_209 : i32 to vector<16xi32>
        %add3A_211 = arith.addi %add3A_210, %and3A_208 : vector<16xi32>
        %select_n3A_212 = arith.select %and3A_205, %sub3A_198, %add3A_211 : vector<16xi1>, vector<16xi32>
        %swap3A_213 = arith.index_cast %scan3A_24 : i32 to index
        %swap3A_214 = arith.constant 112 : index
        %swap3A_215 = tpu.vector_load %arg8[%swap3A_213, %swap3A_214] {strides = array<i32>} : memref<16x128xi32, #tpu.memory_space<vmem>>, vector<1x16xi32>,
        %swap3A_216 = vector.shape_cast %swap3A_215 : vector<1x16xi32> to vector<16xi32>
        %swap3A_217 = vector.shape_cast %select_n3A_212 : vector<16xi32> to vector<1x16xi32>
        tpu.vector_store %arg8[%swap3A_213, %swap3A_214], %swap3A_217 {strides = array<i32>} : memref<16x128xi32, #tpu.memory_space<vmem>>, vector<1x16xi32>,
        %dma_start3A = arith.constant 0 : i32
        %dma_start3A_218 = tpu.memref_slice %arg7[%scan3A_24, %dma_start3A] : memref<16x128xi32, #tpu.memory_space<vmem>> -> memref<1x128xi32, #tpu.memory_space<vmem>>
        %dma_start3A_219 = tpu.memref_squeeze %dma_start3A_218 : memref<1x128xi32, #tpu.memory_space<vmem>> -> memref<128xi32, #tpu.memory_space<vmem>>
        %dma_start3A_220 = arith.constant 0 : i32
        %dma_start3A_221 = arith.constant 0 : i32
        %dma_start3A_222 = tpu.memref_slice %arg2[%dma_start3A_220, %dma_start3A_221] : memref<50000x72xf32, #tpu.memory_space<hbm>> -> memref<50000x72xf32, #tpu.memory_space<hbm>>
        tpu.enqueue_indirect_dma source(%dma_start3A_222 : memref<50000x72xf32, #tpu.memory_space<hbm>>) target(%arg9 : memref<128x72xf32, #tpu.memory_space<vmem>>) offsets(%dma_start3A_219 : memref<128xi32, #tpu.memory_space<vmem>>) semaphore(%arg11 : memref<!tpu.dma_semaphore, #tpu.memory_space<semaphore_mem>>)
        %dma_wait3A = arith.constant 0 : i32
        %dma_wait3A_223 = tpu.memref_slice %arg7[%scan3A_24, %dma_wait3A] : memref<16x128xi32, #tpu.memory_space<vmem>> -> memref<1x128xi32, #tpu.memory_space<vmem>>
        %dma_wait3A_224 = tpu.memref_squeeze %dma_wait3A_223 : memref<1x128xi32, #tpu.memory_space<vmem>> -> memref<128xi32, #tpu.memory_space<vmem>>
        %dma_wait3A_225 = arith.constant 0 : i32
        %dma_wait3A_226 = arith.constant 0 : i32
        %dma_wait3A_227 = tpu.memref_slice %arg2[%dma_wait3A_225, %dma_wait3A_226] : memref<50000x72xf32, #tpu.memory_space<hbm>> -> memref<50000x72xf32, #tpu.memory_space<hbm>>
        tpu.wait_indirect_dma semaphore(%arg11 : memref<!tpu.dma_semaphore, #tpu.memory_space<semaphore_mem>>) src(%dma_wait3A_227 : memref<50000x72xf32, #tpu.memory_space<hbm>>) dst(%arg9 : memref<128x72xf32, #tpu.memory_space<vmem>>)
        "tpu.region"() ({
          %run_scoped3A = tpu.sem_alloc : memref<!tpu.dma_semaphore, #tpu.memory_space<semaphore_mem>>
          %dma_start3A_228 = arith.constant 0 : i32
          %dma_start3A_229 = tpu.memref_slice %arg8[%scan3A_24, %dma_start3A_228] : memref<16x128xi32, #tpu.memory_space<vmem>> -> memref<1x128xi32, #tpu.memory_space<vmem>>
          %dma_start3A_230 = tpu.memref_squeeze %dma_start3A_229 : memref<1x128xi32, #tpu.memory_space<vmem>> -> memref<128xi32, #tpu.memory_space<vmem>>
          %dma_start3A_231 = arith.constant 0 : i32
          %dma_start3A_232 = arith.constant 0 : i32
          %dma_start3A_233 = tpu.memref_slice %arg10[%dma_start3A_231, %dma_start3A_232] : memref<26112x72xf32, #tpu.memory_space<vmem_shared>> -> memref<26112x72xf32, #tpu.memory_space<vmem_shared>>
          tpu.enqueue_indirect_dma source(%arg9 : memref<128x72xf32, #tpu.memory_space<vmem>>) target(%dma_start3A_233 : memref<26112x72xf32, #tpu.memory_space<vmem_shared>>) offsets(%dma_start3A_230 : memref<128xi32, #tpu.memory_space<vmem>>) semaphore(%run_scoped3A : memref<!tpu.dma_semaphore, #tpu.memory_space<semaphore_mem>>) {add = true}
          %dma_wait3A_234 = arith.constant 0 : i32
          %dma_wait3A_235 = tpu.memref_slice %arg8[%scan3A_24, %dma_wait3A_234] : memref<16x128xi32, #tpu.memory_space<vmem>> -> memref<1x128xi32, #tpu.memory_space<vmem>>
          %dma_wait3A_236 = tpu.memref_squeeze %dma_wait3A_235 : memref<1x128xi32, #tpu.memory_space<vmem>> -> memref<128xi32, #tpu.memory_space<vmem>>
          %dma_wait3A_237 = arith.constant 0 : i32
          %dma_wait3A_238 = arith.constant 0 : i32
          %dma_wait3A_239 = tpu.memref_slice %arg10[%dma_wait3A_237, %dma_wait3A_238] : memref<26112x72xf32, #tpu.memory_space<vmem_shared>> -> memref<26112x72xf32, #tpu.memory_space<vmem_shared>>
          tpu.wait_indirect_dma semaphore(%run_scoped3A : memref<!tpu.dma_semaphore, #tpu.memory_space<semaphore_mem>>) src(%arg9 : memref<128x72xf32, #tpu.memory_space<vmem>>) dst(%dma_wait3A_239 : memref<26112x72xf32, #tpu.memory_space<vmem_shared>>)
          tpu.yield
        }) : () -> ()
      }
      %scan3A_23 = arith.constant 16 : i32
    }
    %scan3A_7 = arith.constant 25 : i32
    %barrier3A_8 = arith.constant 0 : index
    tpu.barrier barrier_id(%barrier3A_8)
    %mul3A_9 = arith.constant 1632 : i32
    %mul3A_10 = arith.muli %arg1, %mul3A_9 : i32
    %mul3A_11 = arith.constant 1632 : i32
    %mul3A_12 = arith.muli %arg1, %mul3A_11 : i32
    "tpu.region"() ({
      %run_scoped3A = tpu.sem_alloc : memref<!tpu.dma_semaphore, #tpu.memory_space<semaphore_mem>>
      %dma_start3A = arith.constant 0 : i32
      %dma_start3A_13 = tpu.memref_slice %arg6[%arg0, %mul3A_12, %dma_start3A] : memref<2x26112x72xf32, #tpu.memory_space<hbm>> -> memref<1x1632x72xf32, #tpu.memory_space<hbm>>
      %dma_start3A_14 = tpu.memref_squeeze %dma_start3A_13 : memref<1x1632x72xf32, #tpu.memory_space<hbm>> -> memref<1632x72xf32, #tpu.memory_space<hbm>>
      %dma_start3A_15 = arith.constant 0 : i32
      %dma_start3A_16 = tpu.memref_slice %arg10[%mul3A_10, %dma_start3A_15] : memref<26112x72xf32, #tpu.memory_space<vmem_shared>> -> memref<1632x72xf32, #tpu.memory_space<vmem_shared>>
      tpu.enqueue_dma source(%dma_start3A_16 : memref<1632x72xf32, #tpu.memory_space<vmem_shared>>) target(%dma_start3A_14 : memref<1632x72xf32, #tpu.memory_space<hbm>>) target_semaphore(%run_scoped3A : memref<!tpu.dma_semaphore, #tpu.memory_space<semaphore_mem>>)
      %dma_wait3A = arith.constant 0 : i32
      %dma_wait3A_17 = tpu.memref_slice %arg6[%arg0, %mul3A_12, %dma_wait3A] : memref<2x26112x72xf32, #tpu.memory_space<hbm>> -> memref<1x1632x72xf32, #tpu.memory_space<hbm>>
      %dma_wait3A_18 = tpu.memref_squeeze %dma_wait3A_17 : memref<1x1632x72xf32, #tpu.memory_space<hbm>> -> memref<1632x72xf32, #tpu.memory_space<hbm>>
      %dma_wait3A_19 = arith.constant 0 : i32
      %dma_wait3A_20 = tpu.memref_slice %arg10[%mul3A_10, %dma_wait3A_19] : memref<26112x72xf32, #tpu.memory_space<vmem_shared>> -> memref<1632x72xf32, #tpu.memory_space<vmem_shared>>
      tpu.wait_dma2 semaphore(%run_scoped3A : memref<!tpu.dma_semaphore, #tpu.memory_space<semaphore_mem>>) src(%dma_wait3A_20 : memref<1632x72xf32, #tpu.memory_space<vmem_shared>>) dst(%dma_wait3A_18 : memref<1632x72xf32, #tpu.memory_space<hbm>>)
      tpu.yield
    }) : () -> ()
    return
  }
}

#map = affine_map<(d0, d1) -> (0, 0)>
module attributes {stable_mosaic.version = 14 : i64} {
  func.func @_pedge_body(%arg0: i32, %arg1: i32, %arg2: memref<50000x72xf32, #tpu.memory_space<hbm>>, %arg3: memref<50000x72xf32, #tpu.memory_space<hbm>>, %arg4: memref<800x128xi32, #tpu.memory_space<hbm>>, %arg5: memref<800x128xi32, #tpu.memory_space<hbm>>, %arg6: memref<102400x72xf32, #tpu.memory_space<hbm>>, %arg7: memref<102400x72xf32, #tpu.memory_space<hbm>>, %arg8: memref<32x128xi32, #tpu.memory_space<vmem>>, %arg9: memref<32x128xi32, #tpu.memory_space<vmem>>, %arg10: memref<128x72xf32, #tpu.memory_space<vmem>>, %arg11: memref<128x72xf32, #tpu.memory_space<vmem>>, %arg12: memref<!tpu.dma_semaphore, #tpu.memory_space<semaphore_mem>>, %arg13: memref<!tpu.dma_semaphore, #tpu.memory_space<semaphore_mem>>) attributes {dimension_semantics = [#tpu.dimension_semantics<core_parallel>, #tpu.dimension_semantics<subcore_parallel>], iteration_bounds = array<i64: 2, 16>, scalar_prefetch = 0 : i64, scratch_operands = 6 : i64, tpu.core_type = #tpu.core_type<sc_vector_subcore>, window_params = [{transform_indices = #map}, {transform_indices = #map}, {transform_indices = #map}, {transform_indices = #map}, {transform_indices = #map}, {transform_indices = #map}]} {
    %mul3A = arith.constant 2 : i32
    %mul3A_0 = arith.muli %arg1, %mul3A : i32
    %add3A = arith.addi %mul3A_0, %arg0 : i32
    %lt3A = arith.constant 25 : i32
    %lt3A_1 = arith.cmpi slt, %add3A, %lt3A : i32
    %convert_element_type3A = arith.extui %lt3A_1 : i1 to i32
    %cond3A = arith.constant 0 : i32
    %cond3A_2 = arith.cmpi ne, %convert_element_type3A, %cond3A : i32
    scf.if %cond3A_2 {
      %mul3A_3 = arith.constant 32 : i32
      %mul3A_4 = arith.muli %add3A, %mul3A_3 : i32
      "tpu.region"() ({
        %run_scoped3A = tpu.sem_alloc : memref<!tpu.dma_semaphore, #tpu.memory_space<semaphore_mem>>
        %dma_start3A = arith.constant 0 : i32
        %dma_start3A_12 = tpu.memref_slice %arg4[%mul3A_4, %dma_start3A] : memref<800x128xi32, #tpu.memory_space<hbm>> -> memref<32x128xi32, #tpu.memory_space<hbm>>
        %dma_start3A_13 = arith.constant 0 : i32
        %dma_start3A_14 = tpu.memref_slice %arg4[%mul3A_4, %dma_start3A_13] : memref<800x128xi32, #tpu.memory_space<hbm>> -> memref<32x128xi32, #tpu.memory_space<hbm>>
        tpu.enqueue_dma source(%dma_start3A_14 : memref<32x128xi32, #tpu.memory_space<hbm>>) target(%arg8 : memref<32x128xi32, #tpu.memory_space<vmem>>) target_semaphore(%run_scoped3A : memref<!tpu.dma_semaphore, #tpu.memory_space<semaphore_mem>>)
        %dma_wait3A = arith.constant 0 : i32
        %dma_wait3A_15 = tpu.memref_slice %arg4[%mul3A_4, %dma_wait3A] : memref<800x128xi32, #tpu.memory_space<hbm>> -> memref<32x128xi32, #tpu.memory_space<hbm>>
        %dma_wait3A_16 = arith.constant 0 : i32
        %dma_wait3A_17 = tpu.memref_slice %arg4[%mul3A_4, %dma_wait3A_16] : memref<800x128xi32, #tpu.memory_space<hbm>> -> memref<32x128xi32, #tpu.memory_space<hbm>>
        tpu.wait_dma2 semaphore(%run_scoped3A : memref<!tpu.dma_semaphore, #tpu.memory_space<semaphore_mem>>) src(%dma_wait3A_17 : memref<32x128xi32, #tpu.memory_space<hbm>>) dst(%arg8 : memref<32x128xi32, #tpu.memory_space<vmem>>)
        tpu.yield
      }) : () -> ()
      %mul3A_5 = arith.constant 32 : i32
      %mul3A_6 = arith.muli %add3A, %mul3A_5 : i32
      "tpu.region"() ({
        %run_scoped3A = tpu.sem_alloc : memref<!tpu.dma_semaphore, #tpu.memory_space<semaphore_mem>>
        %dma_start3A = arith.constant 0 : i32
        %dma_start3A_12 = tpu.memref_slice %arg5[%mul3A_6, %dma_start3A] : memref<800x128xi32, #tpu.memory_space<hbm>> -> memref<32x128xi32, #tpu.memory_space<hbm>>
        %dma_start3A_13 = arith.constant 0 : i32
        %dma_start3A_14 = tpu.memref_slice %arg5[%mul3A_6, %dma_start3A_13] : memref<800x128xi32, #tpu.memory_space<hbm>> -> memref<32x128xi32, #tpu.memory_space<hbm>>
        tpu.enqueue_dma source(%dma_start3A_14 : memref<32x128xi32, #tpu.memory_space<hbm>>) target(%arg9 : memref<32x128xi32, #tpu.memory_space<vmem>>) target_semaphore(%run_scoped3A : memref<!tpu.dma_semaphore, #tpu.memory_space<semaphore_mem>>)
        %dma_wait3A = arith.constant 0 : i32
        %dma_wait3A_15 = tpu.memref_slice %arg5[%mul3A_6, %dma_wait3A] : memref<800x128xi32, #tpu.memory_space<hbm>> -> memref<32x128xi32, #tpu.memory_space<hbm>>
        %dma_wait3A_16 = arith.constant 0 : i32
        %dma_wait3A_17 = tpu.memref_slice %arg5[%mul3A_6, %dma_wait3A_16] : memref<800x128xi32, #tpu.memory_space<hbm>> -> memref<32x128xi32, #tpu.memory_space<hbm>>
        tpu.wait_dma2 semaphore(%run_scoped3A : memref<!tpu.dma_semaphore, #tpu.memory_space<semaphore_mem>>) src(%dma_wait3A_17 : memref<32x128xi32, #tpu.memory_space<hbm>>) dst(%arg9 : memref<32x128xi32, #tpu.memory_space<vmem>>)
        tpu.yield
      }) : () -> ()
      %scan3A = arith.constant 0 : i32
      %scan3A_7 = arith.constant 0 : i32
      %scan3A_8 = arith.constant 32 : i32
      %scan3A_9 = arith.addi %scan3A_7, %scan3A_8 : i32
      %scan3A_10 = arith.constant 1 : i32
      scf.for %scan3A_12 = %scan3A_7 to %scan3A_9 step %scan3A_10  : i32 {
        %dma_start3A = arith.constant 0 : i32
        %dma_start3A_13 = tpu.memref_slice %arg8[%scan3A_12, %dma_start3A] : memref<32x128xi32, #tpu.memory_space<vmem>> -> memref<1x128xi32, #tpu.memory_space<vmem>>
        %dma_start3A_14 = tpu.memref_squeeze %dma_start3A_13 : memref<1x128xi32, #tpu.memory_space<vmem>> -> memref<128xi32, #tpu.memory_space<vmem>>
        %dma_start3A_15 = arith.constant 0 : i32
        %dma_start3A_16 = arith.constant 0 : i32
        %dma_start3A_17 = tpu.memref_slice %arg2[%dma_start3A_15, %dma_start3A_16] : memref<50000x72xf32, #tpu.memory_space<hbm>> -> memref<50000x72xf32, #tpu.memory_space<hbm>>
        tpu.enqueue_indirect_dma source(%dma_start3A_17 : memref<50000x72xf32, #tpu.memory_space<hbm>>) target(%arg10 : memref<128x72xf32, #tpu.memory_space<vmem>>) offsets(%dma_start3A_14 : memref<128xi32, #tpu.memory_space<vmem>>) semaphore(%arg12 : memref<!tpu.dma_semaphore, #tpu.memory_space<semaphore_mem>>)
        %dma_wait3A = arith.constant 0 : i32
        %dma_wait3A_18 = tpu.memref_slice %arg8[%scan3A_12, %dma_wait3A] : memref<32x128xi32, #tpu.memory_space<vmem>> -> memref<1x128xi32, #tpu.memory_space<vmem>>
        %dma_wait3A_19 = tpu.memref_squeeze %dma_wait3A_18 : memref<1x128xi32, #tpu.memory_space<vmem>> -> memref<128xi32, #tpu.memory_space<vmem>>
        %dma_wait3A_20 = arith.constant 0 : i32
        %dma_wait3A_21 = arith.constant 0 : i32
        %dma_wait3A_22 = tpu.memref_slice %arg2[%dma_wait3A_20, %dma_wait3A_21] : memref<50000x72xf32, #tpu.memory_space<hbm>> -> memref<50000x72xf32, #tpu.memory_space<hbm>>
        tpu.wait_indirect_dma semaphore(%arg12 : memref<!tpu.dma_semaphore, #tpu.memory_space<semaphore_mem>>) src(%dma_wait3A_22 : memref<50000x72xf32, #tpu.memory_space<hbm>>) dst(%arg10 : memref<128x72xf32, #tpu.memory_space<vmem>>)
        %mul3A_23 = arith.constant 4096 : i32
        %mul3A_24 = arith.muli %add3A, %mul3A_23 : i32
        %mul3A_25 = arith.constant 128 : i32
        %mul3A_26 = arith.muli %scan3A_12, %mul3A_25 : i32
        %add3A_27 = arith.addi %mul3A_24, %mul3A_26 : i32
        "tpu.region"() ({
          %run_scoped3A = tpu.sem_alloc : memref<!tpu.dma_semaphore, #tpu.memory_space<semaphore_mem>>
          %dma_start3A_45 = arith.constant 0 : i32
          %dma_start3A_46 = tpu.memref_slice %arg6[%add3A_27, %dma_start3A_45] : memref<102400x72xf32, #tpu.memory_space<hbm>> -> memref<128x72xf32, #tpu.memory_space<hbm>>
          %dma_start3A_47 = arith.constant 0 : i32
          %dma_start3A_48 = tpu.memref_slice %arg6[%add3A_27, %dma_start3A_47] : memref<102400x72xf32, #tpu.memory_space<hbm>> -> memref<128x72xf32, #tpu.memory_space<hbm>>
          tpu.enqueue_dma source(%arg10 : memref<128x72xf32, #tpu.memory_space<vmem>>) target(%dma_start3A_48 : memref<128x72xf32, #tpu.memory_space<hbm>>) target_semaphore(%run_scoped3A : memref<!tpu.dma_semaphore, #tpu.memory_space<semaphore_mem>>)
          %dma_wait3A_49 = arith.constant 0 : i32
          %dma_wait3A_50 = tpu.memref_slice %arg6[%add3A_27, %dma_wait3A_49] : memref<102400x72xf32, #tpu.memory_space<hbm>> -> memref<128x72xf32, #tpu.memory_space<hbm>>
          %dma_wait3A_51 = arith.constant 0 : i32
          %dma_wait3A_52 = tpu.memref_slice %arg6[%add3A_27, %dma_wait3A_51] : memref<102400x72xf32, #tpu.memory_space<hbm>> -> memref<128x72xf32, #tpu.memory_space<hbm>>
          tpu.wait_dma2 semaphore(%run_scoped3A : memref<!tpu.dma_semaphore, #tpu.memory_space<semaphore_mem>>) src(%arg10 : memref<128x72xf32, #tpu.memory_space<vmem>>) dst(%dma_wait3A_52 : memref<128x72xf32, #tpu.memory_space<hbm>>)
          tpu.yield
        }) : () -> ()
        %dma_start3A_28 = arith.constant 0 : i32
        %dma_start3A_29 = tpu.memref_slice %arg9[%scan3A_12, %dma_start3A_28] : memref<32x128xi32, #tpu.memory_space<vmem>> -> memref<1x128xi32, #tpu.memory_space<vmem>>
        %dma_start3A_30 = tpu.memref_squeeze %dma_start3A_29 : memref<1x128xi32, #tpu.memory_space<vmem>> -> memref<128xi32, #tpu.memory_space<vmem>>
        %dma_start3A_31 = arith.constant 0 : i32
        %dma_start3A_32 = arith.constant 0 : i32
        %dma_start3A_33 = tpu.memref_slice %arg3[%dma_start3A_31, %dma_start3A_32] : memref<50000x72xf32, #tpu.memory_space<hbm>> -> memref<50000x72xf32, #tpu.memory_space<hbm>>
        tpu.enqueue_indirect_dma source(%dma_start3A_33 : memref<50000x72xf32, #tpu.memory_space<hbm>>) target(%arg11 : memref<128x72xf32, #tpu.memory_space<vmem>>) offsets(%dma_start3A_30 : memref<128xi32, #tpu.memory_space<vmem>>) semaphore(%arg13 : memref<!tpu.dma_semaphore, #tpu.memory_space<semaphore_mem>>)
        %dma_wait3A_34 = arith.constant 0 : i32
        %dma_wait3A_35 = tpu.memref_slice %arg9[%scan3A_12, %dma_wait3A_34] : memref<32x128xi32, #tpu.memory_space<vmem>> -> memref<1x128xi32, #tpu.memory_space<vmem>>
        %dma_wait3A_36 = tpu.memref_squeeze %dma_wait3A_35 : memref<1x128xi32, #tpu.memory_space<vmem>> -> memref<128xi32, #tpu.memory_space<vmem>>
        %dma_wait3A_37 = arith.constant 0 : i32
        %dma_wait3A_38 = arith.constant 0 : i32
        %dma_wait3A_39 = tpu.memref_slice %arg3[%dma_wait3A_37, %dma_wait3A_38] : memref<50000x72xf32, #tpu.memory_space<hbm>> -> memref<50000x72xf32, #tpu.memory_space<hbm>>
        tpu.wait_indirect_dma semaphore(%arg13 : memref<!tpu.dma_semaphore, #tpu.memory_space<semaphore_mem>>) src(%dma_wait3A_39 : memref<50000x72xf32, #tpu.memory_space<hbm>>) dst(%arg11 : memref<128x72xf32, #tpu.memory_space<vmem>>)
        %mul3A_40 = arith.constant 4096 : i32
        %mul3A_41 = arith.muli %add3A, %mul3A_40 : i32
        %mul3A_42 = arith.constant 128 : i32
        %mul3A_43 = arith.muli %scan3A_12, %mul3A_42 : i32
        %add3A_44 = arith.addi %mul3A_41, %mul3A_43 : i32
        "tpu.region"() ({
          %run_scoped3A = tpu.sem_alloc : memref<!tpu.dma_semaphore, #tpu.memory_space<semaphore_mem>>
          %dma_start3A_45 = arith.constant 0 : i32
          %dma_start3A_46 = tpu.memref_slice %arg7[%add3A_44, %dma_start3A_45] : memref<102400x72xf32, #tpu.memory_space<hbm>> -> memref<128x72xf32, #tpu.memory_space<hbm>>
          %dma_start3A_47 = arith.constant 0 : i32
          %dma_start3A_48 = tpu.memref_slice %arg7[%add3A_44, %dma_start3A_47] : memref<102400x72xf32, #tpu.memory_space<hbm>> -> memref<128x72xf32, #tpu.memory_space<hbm>>
          tpu.enqueue_dma source(%arg11 : memref<128x72xf32, #tpu.memory_space<vmem>>) target(%dma_start3A_48 : memref<128x72xf32, #tpu.memory_space<hbm>>) target_semaphore(%run_scoped3A : memref<!tpu.dma_semaphore, #tpu.memory_space<semaphore_mem>>)
          %dma_wait3A_49 = arith.constant 0 : i32
          %dma_wait3A_50 = tpu.memref_slice %arg7[%add3A_44, %dma_wait3A_49] : memref<102400x72xf32, #tpu.memory_space<hbm>> -> memref<128x72xf32, #tpu.memory_space<hbm>>
          %dma_wait3A_51 = arith.constant 0 : i32
          %dma_wait3A_52 = tpu.memref_slice %arg7[%add3A_44, %dma_wait3A_51] : memref<102400x72xf32, #tpu.memory_space<hbm>> -> memref<128x72xf32, #tpu.memory_space<hbm>>
          tpu.wait_dma2 semaphore(%run_scoped3A : memref<!tpu.dma_semaphore, #tpu.memory_space<semaphore_mem>>) src(%arg11 : memref<128x72xf32, #tpu.memory_space<vmem>>) dst(%dma_wait3A_52 : memref<128x72xf32, #tpu.memory_space<hbm>>)
          tpu.yield
        }) : () -> ()
      }
      %scan3A_11 = arith.constant 32 : i32
    } else {
    }
    return
  }
}

module attributes {stable_mosaic.version = 14 : i64} {
  func.func @_enc_kernel(%arg0: i32, %arg1: memref<2000x128xf32, #tpu.memory_space<vmem>>, %arg2: memref<2000x128xf32, #tpu.memory_space<vmem>>, %arg3: memref<128x72xf32, #tpu.memory_space<vmem>>, %arg4: memref<1x72xf32, #tpu.memory_space<vmem>>, %arg5: memref<128x72xf32, #tpu.memory_space<vmem>>, %arg6: memref<1x72xf32, #tpu.memory_space<vmem>>, %arg7: memref<2000x72xf32, #tpu.memory_space<vmem>>, %arg8: memref<2000x72xf32, #tpu.memory_space<vmem>>) attributes {dimension_semantics = [#tpu.dimension_semantics<arbitrary>], iteration_bounds = array<i64: 25>, scalar_prefetch = 0 : i64, scratch_operands = 0 : i64, tpu.core_type = #tpu.core_type<tc>, window_params = [{transform_indices = @transform_0, window_bounds = array<i64: 2000, 128>}, {transform_indices = @transform_1, window_bounds = array<i64: 2000, 128>}, {pipeline_mode = #tpu.pipeline_mode<synchronous>, transform_indices = @transform_2, window_bounds = array<i64: 128, 72>}, {pipeline_mode = #tpu.pipeline_mode<synchronous>, transform_indices = @transform_3, window_bounds = array<i64: 1, 72>}, {pipeline_mode = #tpu.pipeline_mode<synchronous>, transform_indices = @transform_4, window_bounds = array<i64: 128, 72>}, {pipeline_mode = #tpu.pipeline_mode<synchronous>, transform_indices = @transform_5, window_bounds = array<i64: 1, 72>}, {transform_indices = @transform_6, window_bounds = array<i64: 2000, 72>}, {transform_indices = @transform_7, window_bounds = array<i64: 2000, 72>}]} {
    %get3A = arith.constant 0 : index
    %get3A_0 = arith.constant 0 : index
    %get3A_1 = vector.load %arg1[%get3A, %get3A_0] : memref<2000x128xf32, #tpu.memory_space<vmem>>, vector<2000x128xf32>
    %get3A_2 = arith.constant 0 : index
    %get3A_3 = arith.constant 0 : index
    %get3A_4 = vector.load %arg3[%get3A_2, %get3A_3] : memref<128x72xf32, #tpu.memory_space<vmem>>, vector<128x72xf32>
    %dot_general3A = arith.constant dense<0.000000e+00> : vector<2000x72xf32>
    %dot_general3A_5 = tpu.matmul %get3A_1, %get3A_4, %dot_general3A {dimension_numbers = #tpu.dot_dimension_numbers<[1], [0], [0], [1], [0, 0, 1, 1], [], []>, transpose_lhs_hint = false} : vector<2000x128xf32>, vector<128x72xf32>, vector<2000x72xf32> -> vector<2000x72xf32>
    %get3A_6 = arith.constant 0 : index
    %get3A_7 = arith.constant 0 : index
    %get3A_8 = vector.load %arg4[%get3A_6, %get3A_7] : memref<1x72xf32, #tpu.memory_space<vmem>>, vector<1x72xf32>
    %add3A = vector.broadcast %get3A_8 : vector<1x72xf32> to vector<2000x72xf32>
    %add3A_9 = arith.addf %dot_general3A_5, %add3A : vector<2000x72xf32>
    %max3A = arith.constant 0.000000e+00 : f32
    %max3A_10 = vector.broadcast %max3A : f32 to vector<2000x72xf32>
    %max3A_11 = arith.maximumf %add3A_9, %max3A_10 : vector<2000x72xf32>
    %swap3A = arith.constant 0 : index
    %swap3A_12 = arith.constant 0 : index
    %swap3A_13 = vector.load %arg7[%swap3A, %swap3A_12] : memref<2000x72xf32, #tpu.memory_space<vmem>>, vector<2000x72xf32>
    tpu.vector_store %arg7[%swap3A, %swap3A_12], %max3A_11 {strides = array<i32>} : memref<2000x72xf32, #tpu.memory_space<vmem>>, vector<2000x72xf32>,
    %get3A_14 = arith.constant 0 : index
    %get3A_15 = arith.constant 0 : index
    %get3A_16 = vector.load %arg2[%get3A_14, %get3A_15] : memref<2000x128xf32, #tpu.memory_space<vmem>>, vector<2000x128xf32>
    %get3A_17 = arith.constant 0 : index
    %get3A_18 = arith.constant 0 : index
    %get3A_19 = vector.load %arg5[%get3A_17, %get3A_18] : memref<128x72xf32, #tpu.memory_space<vmem>>, vector<128x72xf32>
    %dot_general3A_20 = arith.constant dense<0.000000e+00> : vector<2000x72xf32>
    %dot_general3A_21 = tpu.matmul %get3A_16, %get3A_19, %dot_general3A_20 {dimension_numbers = #tpu.dot_dimension_numbers<[1], [0], [0], [1], [0, 0, 1, 1], [], []>, transpose_lhs_hint = false} : vector<2000x128xf32>, vector<128x72xf32>, vector<2000x72xf32> -> vector<2000x72xf32>
    %get3A_22 = arith.constant 0 : index
    %get3A_23 = arith.constant 0 : index
    %get3A_24 = vector.load %arg6[%get3A_22, %get3A_23] : memref<1x72xf32, #tpu.memory_space<vmem>>, vector<1x72xf32>
    %add3A_25 = vector.broadcast %get3A_24 : vector<1x72xf32> to vector<2000x72xf32>
    %add3A_26 = arith.addf %dot_general3A_21, %add3A_25 : vector<2000x72xf32>
    %max3A_27 = arith.constant 0.000000e+00 : f32
    %max3A_28 = vector.broadcast %max3A_27 : f32 to vector<2000x72xf32>
    %max3A_29 = arith.maximumf %add3A_26, %max3A_28 : vector<2000x72xf32>
    %swap3A_30 = arith.constant 0 : index
    %swap3A_31 = arith.constant 0 : index
    %swap3A_32 = vector.load %arg8[%swap3A_30, %swap3A_31] : memref<2000x72xf32, #tpu.memory_space<vmem>>, vector<2000x72xf32>
    tpu.vector_store %arg8[%swap3A_30, %swap3A_31], %max3A_29 {strides = array<i32>} : memref<2000x72xf32, #tpu.memory_space<vmem>>, vector<2000x72xf32>,
    return
  }
  func.func @transform_0(%arg0: i32) -> (i32, i32) {
    %c0_i32 = arith.constant 0 : i32
    %c0_i32_0 = arith.constant 0 : i32
    return %arg0, %c0_i32 : i32, i32
  }
  func.func @transform_1(%arg0: i32) -> (i32, i32) {
    %c0_i32 = arith.constant 0 : i32
    %c0_i32_0 = arith.constant 0 : i32
    return %arg0, %c0_i32 : i32, i32
  }
  func.func @transform_2(%arg0: i32) -> (i32, i32) {
    %c0_i32 = arith.constant 0 : i32
    %c0_i32_0 = arith.constant 0 : i32
    %c0_i32_1 = arith.constant 0 : i32
    return %c0_i32, %c0_i32_0 : i32, i32
  }
  func.func @transform_3(%arg0: i32) -> (i32, i32) {
    %c0_i32 = arith.constant 0 : i32
    %c0_i32_0 = arith.constant 0 : i32
    %c0_i32_1 = arith.constant 0 : i32
    return %c0_i32, %c0_i32_0 : i32, i32
  }
  func.func @transform_4(%arg0: i32) -> (i32, i32) {
    %c0_i32 = arith.constant 0 : i32
    %c0_i32_0 = arith.constant 0 : i32
    %c0_i32_1 = arith.constant 0 : i32
    return %c0_i32, %c0_i32_0 : i32, i32
  }
  func.func @transform_5(%arg0: i32) -> (i32, i32) {
    %c0_i32 = arith.constant 0 : i32
    %c0_i32_0 = arith.constant 0 : i32
    %c0_i32_1 = arith.constant 0 : i32
    return %c0_i32, %c0_i32_0 : i32, i32
  }
  func.func @transform_6(%arg0: i32) -> (i32, i32) {
    %c0_i32 = arith.constant 0 : i32
    %c0_i32_0 = arith.constant 0 : i32
    return %arg0, %c0_i32 : i32, i32
  }
  func.func @transform_7(%arg0: i32) -> (i32, i32) {
    %c0_i32 = arith.constant 0 : i32
    %c0_i32_0 = arith.constant 0 : i32
    return %arg0, %c0_i32 : i32, i32
  }
}

module attributes {stable_mosaic.version = 14 : i64} {
  func.func @_dinv_kernel(%arg0: memref<2x400x128xf32, #tpu.memory_space<vmem>>, %arg1: memref<400x128xf32, #tpu.memory_space<vmem>>) attributes {dimension_semantics = [], scalar_prefetch = 0 : i64, scratch_operands = 0 : i64, tpu.core_type = #tpu.core_type<tc>} {
    %get3A = arith.constant 0 : index
    %get3A_0 = arith.constant 0 : index
    %get3A_1 = arith.constant 0 : index
    %get3A_2 = vector.load %arg0[%get3A, %get3A_0, %get3A_1] : memref<2x400x128xf32, #tpu.memory_space<vmem>>, vector<1x400x128xf32>
    %get3A_3 = vector.shape_cast %get3A_2 : vector<1x400x128xf32> to vector<400x128xf32>
    %get3A_4 = arith.constant 1 : index
    %get3A_5 = arith.constant 0 : index
    %get3A_6 = arith.constant 0 : index
    %get3A_7 = vector.load %arg0[%get3A_4, %get3A_5, %get3A_6] : memref<2x400x128xf32, #tpu.memory_space<vmem>>, vector<1x400x128xf32>
    %get3A_8 = vector.shape_cast %get3A_7 : vector<1x400x128xf32> to vector<400x128xf32>
    %add3A = arith.addf %get3A_3, %get3A_8 : vector<400x128xf32>
    %gt3A = arith.constant 0.000000e+00 : f32
    %gt3A_9 = vector.broadcast %gt3A : f32 to vector<400x128xf32>
    %gt3A_10 = arith.cmpf ogt, %add3A, %gt3A_9 : vector<400x128xf32>
    %max3A = arith.constant 9.99999996E-13 : f32
    %max3A_11 = vector.broadcast %max3A : f32 to vector<400x128xf32>
    %max3A_12 = arith.maximumf %add3A, %max3A_11 : vector<400x128xf32>
    %rsqrt3A = math.rsqrt %max3A_12 : vector<400x128xf32>
    %jit3A = arith.constant 0.000000e+00 : f32
    %broadcast_in_dim3A = vector.broadcast %jit3A : f32 to vector<400x128xf32>
    %select_n3A = arith.select %gt3A_10, %rsqrt3A, %broadcast_in_dim3A : vector<400x128xi1>, vector<400x128xf32>
    %swap3A = arith.constant 0 : index
    %swap3A_13 = arith.constant 0 : index
    %swap3A_14 = vector.load %arg1[%swap3A, %swap3A_13] : memref<400x128xf32, #tpu.memory_space<vmem>>, vector<400x128xf32>
    tpu.vector_store %arg1[%swap3A, %swap3A_13], %select_n3A {strides = array<i32>} : memref<400x128xf32, #tpu.memory_space<vmem>>, vector<400x128xf32>,
    return
  }
}

module attributes {stable_mosaic.version = 14 : i64} {
  func.func @_pre_kernel(%arg0: i32, %arg1: memref<2000x72xf32, #tpu.memory_space<vmem>>, %arg2: memref<2000x1xf32, #tpu.memory_space<vmem>>, %arg3: memref<72x72xf32, #tpu.memory_space<vmem>>, %arg4: memref<72x72xf32, #tpu.memory_space<vmem>>, %arg5: memref<2000x72xf32, #tpu.memory_space<vmem>>, %arg6: memref<2000x72xf32, #tpu.memory_space<vmem>>) attributes {dimension_semantics = [#tpu.dimension_semantics<arbitrary>], iteration_bounds = array<i64: 25>, scalar_prefetch = 0 : i64, scratch_operands = 0 : i64, tpu.core_type = #tpu.core_type<tc>, window_params = [{transform_indices = @transform_0, window_bounds = array<i64: 2000, 72>}, {transform_indices = @transform_1, window_bounds = array<i64: 2000, 1>}, {pipeline_mode = #tpu.pipeline_mode<synchronous>, transform_indices = @transform_2, window_bounds = array<i64: 72, 72>}, {pipeline_mode = #tpu.pipeline_mode<synchronous>, transform_indices = @transform_3, window_bounds = array<i64: 72, 72>}, {transform_indices = @transform_4, window_bounds = array<i64: 2000, 72>}, {transform_indices = @transform_5, window_bounds = array<i64: 2000, 72>}]} {
    %get3A = arith.constant 0 : index
    %get3A_0 = arith.constant 0 : index
    %get3A_1 = vector.load %arg1[%get3A, %get3A_0] : memref<2000x72xf32, #tpu.memory_space<vmem>>, vector<2000x72xf32>
    %get3A_2 = arith.constant 0 : index
    %get3A_3 = arith.constant 0 : index
    %get3A_4 = vector.load %arg2[%get3A_2, %get3A_3] : memref<2000x1xf32, #tpu.memory_space<vmem>>, vector<2000x1xf32>
    %mul3A = vector.broadcast %get3A_4 : vector<2000x1xf32> to vector<2000x72xf32>
    %mul3A_5 = arith.mulf %get3A_1, %mul3A : vector<2000x72xf32>
    %get3A_6 = arith.constant 0 : index
    %get3A_7 = arith.constant 0 : index
    %get3A_8 = vector.load %arg3[%get3A_6, %get3A_7] : memref<72x72xf32, #tpu.memory_space<vmem>>, vector<72x72xf32>
    %dot_general3A = arith.constant dense<0.000000e+00> : vector<2000x72xf32>
    %dot_general3A_9 = tpu.matmul %mul3A_5, %get3A_8, %dot_general3A {dimension_numbers = #tpu.dot_dimension_numbers<[1], [0], [0], [1], [0, 0, 1, 1], [], []>, transpose_lhs_hint = false} : vector<2000x72xf32>, vector<72x72xf32>, vector<2000x72xf32> -> vector<2000x72xf32>
    %swap3A = arith.constant 0 : index
    %swap3A_10 = arith.constant 0 : index
    %swap3A_11 = vector.load %arg5[%swap3A, %swap3A_10] : memref<2000x72xf32, #tpu.memory_space<vmem>>, vector<2000x72xf32>
    tpu.vector_store %arg5[%swap3A, %swap3A_10], %dot_general3A_9 {strides = array<i32>} : memref<2000x72xf32, #tpu.memory_space<vmem>>, vector<2000x72xf32>,
    %get3A_12 = arith.constant 0 : index
    %get3A_13 = arith.constant 0 : index
    %get3A_14 = vector.load %arg1[%get3A_12, %get3A_13] : memref<2000x72xf32, #tpu.memory_space<vmem>>, vector<2000x72xf32>
    %get3A_15 = arith.constant 0 : index
    %get3A_16 = arith.constant 0 : index
    %get3A_17 = vector.load %arg4[%get3A_15, %get3A_16] : memref<72x72xf32, #tpu.memory_space<vmem>>, vector<72x72xf32>
    %dot_general3A_18 = arith.constant dense<0.000000e+00> : vector<2000x72xf32>
    %dot_general3A_19 = tpu.matmul %get3A_14, %get3A_17, %dot_general3A_18 {dimension_numbers = #tpu.dot_dimension_numbers<[1], [0], [0], [1], [0, 0, 1, 1], [], []>, transpose_lhs_hint = false} : vector<2000x72xf32>, vector<72x72xf32>, vector<2000x72xf32> -> vector<2000x72xf32>
    %swap3A_20 = arith.constant 0 : index
    %swap3A_21 = arith.constant 0 : index
    %swap3A_22 = vector.load %arg6[%swap3A_20, %swap3A_21] : memref<2000x72xf32, #tpu.memory_space<vmem>>, vector<2000x72xf32>
    tpu.vector_store %arg6[%swap3A_20, %swap3A_21], %dot_general3A_19 {strides = array<i32>} : memref<2000x72xf32, #tpu.memory_space<vmem>>, vector<2000x72xf32>,
    return
  }
  func.func @transform_0(%arg0: i32) -> (i32, i32) {
    %c0_i32 = arith.constant 0 : i32
    %c0_i32_0 = arith.constant 0 : i32
    return %arg0, %c0_i32 : i32, i32
  }
  func.func @transform_1(%arg0: i32) -> (i32, i32) {
    %c0_i32 = arith.constant 0 : i32
    %c0_i32_0 = arith.constant 0 : i32
    return %arg0, %c0_i32 : i32, i32
  }
  func.func @transform_2(%arg0: i32) -> (i32, i32) {
    %c0_i32 = arith.constant 0 : i32
    %c0_i32_0 = arith.constant 0 : i32
    %c0_i32_1 = arith.constant 0 : i32
    return %c0_i32, %c0_i32_0 : i32, i32
  }
  func.func @transform_3(%arg0: i32) -> (i32, i32) {
    %c0_i32 = arith.constant 0 : i32
    %c0_i32_0 = arith.constant 0 : i32
    %c0_i32_1 = arith.constant 0 : i32
    return %c0_i32, %c0_i32_0 : i32, i32
  }
  func.func @transform_4(%arg0: i32) -> (i32, i32) {
    %c0_i32 = arith.constant 0 : i32
    %c0_i32_0 = arith.constant 0 : i32
    return %arg0, %c0_i32 : i32, i32
  }
  func.func @transform_5(%arg0: i32) -> (i32, i32) {
    %c0_i32 = arith.constant 0 : i32
    %c0_i32_0 = arith.constant 0 : i32
    return %arg0, %c0_i32 : i32, i32
  }
}

module attributes {stable_mosaic.version = 14 : i64} {
  func.func @_post_kernel(%arg0: i32, %arg1: memref<1x1000x72xf32, #tpu.memory_space<vmem>>, %arg2: memref<1000x1xf32, #tpu.memory_space<vmem>>, %arg3: memref<1000x72xf32, #tpu.memory_space<vmem>>, %arg4: memref<1x72xf32, #tpu.memory_space<vmem>>, %arg5: memref<1000x72xf32, #tpu.memory_space<vmem>>, %arg6: memref<2x72xf32, #tpu.memory_space<vmem>>) attributes {dimension_semantics = [#tpu.dimension_semantics<arbitrary>], iteration_bounds = array<i64: 50>, scalar_prefetch = 0 : i64, scratch_operands = 0 : i64, tpu.core_type = #tpu.core_type<tc>, window_params = [{transform_indices = @transform_0, window_bounds = array<i64: 1, 1000, 72>}, {transform_indices = @transform_1, window_bounds = array<i64: 1000, 1>}, {transform_indices = @transform_2, window_bounds = array<i64: 1000, 72>}, {pipeline_mode = #tpu.pipeline_mode<synchronous>, transform_indices = @transform_3, window_bounds = array<i64: 1, 72>}, {transform_indices = @transform_4, window_bounds = array<i64: 1000, 72>}, {pipeline_mode = #tpu.pipeline_mode<synchronous>, transform_indices = @transform_5, window_bounds = array<i64: 2, 72>}]} {
    %get3A = arith.constant 0 : index
    %get3A_0 = arith.constant 0 : index
    %get3A_1 = arith.constant 0 : index
    %get3A_2 = vector.load %arg1[%get3A, %get3A_0, %get3A_1] : memref<1x1000x72xf32, #tpu.memory_space<vmem>>, vector<1x1000x72xf32>
    %get3A_3 = vector.shape_cast %get3A_2 : vector<1x1000x72xf32> to vector<1000x72xf32>
    %get3A_4 = arith.constant 0 : index
    %get3A_5 = arith.constant 0 : index
    %get3A_6 = vector.load %arg2[%get3A_4, %get3A_5] : memref<1000x1xf32, #tpu.memory_space<vmem>>, vector<1000x1xf32>
    %mul3A = vector.broadcast %get3A_6 : vector<1000x1xf32> to vector<1000x72xf32>
    %mul3A_7 = arith.mulf %get3A_3, %mul3A : vector<1000x72xf32>
    %get3A_8 = arith.constant 0 : index
    %get3A_9 = arith.constant 0 : index
    %get3A_10 = vector.load %arg3[%get3A_8, %get3A_9] : memref<1000x72xf32, #tpu.memory_space<vmem>>, vector<1000x72xf32>
    %add3A = arith.addf %mul3A_7, %get3A_10 : vector<1000x72xf32>
    %get3A_11 = arith.constant 0 : index
    %get3A_12 = arith.constant 0 : index
    %get3A_13 = vector.load %arg4[%get3A_11, %get3A_12] : memref<1x72xf32, #tpu.memory_space<vmem>>, vector<1x72xf32>
    %add3A_14 = vector.broadcast %get3A_13 : vector<1x72xf32> to vector<1000x72xf32>
    %add3A_15 = arith.addf %add3A, %add3A_14 : vector<1000x72xf32>
    %max3A = arith.constant 0.000000e+00 : f32
    %max3A_16 = vector.broadcast %max3A : f32 to vector<1000x72xf32>
    %max3A_17 = arith.maximumf %add3A_15, %max3A_16 : vector<1000x72xf32>
    %swap3A = arith.constant 0 : index
    %swap3A_18 = arith.constant 0 : index
    %swap3A_19 = vector.load %arg5[%swap3A, %swap3A_18] : memref<1000x72xf32, #tpu.memory_space<vmem>>, vector<1000x72xf32>
    tpu.vector_store %arg5[%swap3A, %swap3A_18], %max3A_17 {strides = array<i32>} : memref<1000x72xf32, #tpu.memory_space<vmem>>, vector<1000x72xf32>,
    %reduce_sum3A = arith.constant dense<0.000000e+00> : vector<72xf32>
    %reduce_sum3A_20 = vector.multi_reduction <add>, %max3A_17, %reduce_sum3A [0] : vector<1000x72xf32> to vector<72xf32>
    %mul3A_21 = arith.mulf %max3A_17, %max3A_17 : vector<1000x72xf32>
    %reduce_sum3A_22 = arith.constant dense<0.000000e+00> : vector<72xf32>
    %reduce_sum3A_23 = vector.multi_reduction <add>, %mul3A_21, %reduce_sum3A_22 [0] : vector<1000x72xf32> to vector<72xf32>
    %stack3A = vector.shape_cast %reduce_sum3A_20 : vector<72xf32> to vector<1x72xf32>
    %stack3A_24 = vector.shape_cast %reduce_sum3A_23 : vector<72xf32> to vector<1x72xf32>
    %stack3A_25 = tpu.concatenate %stack3A, %stack3A_24 in 0 : vector<1x72xf32>, vector<1x72xf32> -> vector<2x72xf32>
    %eq3A = arith.constant 0 : i32
    %eq3A_26 = arith.cmpi eq, %arg0, %eq3A : i32
    %convert_element_type3A = arith.extui %eq3A_26 : i1 to i32
    %cond3A = arith.constant 0 : i32
    %cond3A_27 = arith.cmpi ne, %convert_element_type3A, %cond3A : i32
    scf.if %cond3A_27 {
      %swap3A_32 = arith.constant 0 : index
      %swap3A_33 = arith.constant 0 : index
      %swap3A_34 = vector.load %arg6[%swap3A_32, %swap3A_33] : memref<2x72xf32, #tpu.memory_space<vmem>>, vector<2x72xf32>
      tpu.vector_store %arg6[%swap3A_32, %swap3A_33], %stack3A_25 {strides = array<i32>} : memref<2x72xf32, #tpu.memory_space<vmem>>, vector<2x72xf32>,
    } else {
    }
    %gt3A = arith.constant 0 : i32
    %gt3A_28 = arith.cmpi sgt, %arg0, %gt3A : i32
    %convert_element_type3A_29 = arith.extui %gt3A_28 : i1 to i32
    %cond3A_30 = arith.constant 0 : i32
    %cond3A_31 = arith.cmpi ne, %convert_element_type3A_29, %cond3A_30 : i32
    scf.if %cond3A_31 {
      %get3A_32 = arith.constant 0 : index
      %get3A_33 = arith.constant 0 : index
      %get3A_34 = vector.load %arg6[%get3A_32, %get3A_33] : memref<2x72xf32, #tpu.memory_space<vmem>>, vector<2x72xf32>
      %add3A_35 = arith.addf %get3A_34, %stack3A_25 : vector<2x72xf32>
      %swap3A_36 = arith.constant 0 : index
      %swap3A_37 = arith.constant 0 : index
      %swap3A_38 = vector.load %arg6[%swap3A_36, %swap3A_37] : memref<2x72xf32, #tpu.memory_space<vmem>>, vector<2x72xf32>
      tpu.vector_store %arg6[%swap3A_36, %swap3A_37], %add3A_35 {strides = array<i32>} : memref<2x72xf32, #tpu.memory_space<vmem>>, vector<2x72xf32>,
    } else {
    }
    return
  }
  func.func @transform_0(%arg0: i32) -> (i32, i32, i32) {
    %jit3A = arith.constant 25 : i32
    %div3A = arith.divsi %arg0, %jit3A : i32
    %sign3A = arith.constant 0 : i32
    %sign3A_0 = arith.cmpi sgt, %arg0, %sign3A : i32
    %sign3A_1 = arith.extui %sign3A_0 : i1 to i32
    %sign3A_2 = arith.constant 0 : i32
    %sign3A_3 = arith.cmpi slt, %arg0, %sign3A_2 : i32
    %sign3A_4 = arith.extui %sign3A_3 : i1 to i32
    %sign3A_5 = arith.subi %sign3A_1, %sign3A_4 : i32
    %sign3A_6 = arith.constant 0 : i32
    %sign3A_7 = arith.cmpi sgt, %jit3A, %sign3A_6 : i32
    %sign3A_8 = arith.extui %sign3A_7 : i1 to i32
    %sign3A_9 = arith.constant 0 : i32
    %sign3A_10 = arith.cmpi slt, %jit3A, %sign3A_9 : i32
    %sign3A_11 = arith.extui %sign3A_10 : i1 to i32
    %sign3A_12 = arith.subi %sign3A_8, %sign3A_11 : i32
    %ne3A = arith.cmpi ne, %sign3A_5, %sign3A_12 : i32
    %rem3A = arith.remsi %arg0, %jit3A : i32
    %ne3A_13 = arith.constant 0 : i32
    %ne3A_14 = arith.cmpi ne, %rem3A, %ne3A_13 : i32
    %and3A = arith.andi %ne3A, %ne3A_14 : i1
    %sub3A = arith.constant 1 : i32
    %sub3A_15 = arith.subi %div3A, %sub3A : i32
    %select_n3A = arith.select %and3A, %sub3A_15, %div3A : i32
    %jit3A_16 = arith.constant 25 : i32
    %eq3A = arith.constant 0 : i32
    %eq3A_17 = arith.cmpi eq, %jit3A_16, %eq3A : i32
    %jit3A_18 = arith.constant 1 : i32
    %select_n3A_19 = arith.select %eq3A_17, %jit3A_18, %jit3A_16 : i32
    %rem3A_20 = arith.remsi %arg0, %select_n3A_19 : i32
    %ne3A_21 = arith.constant 0 : i32
    %ne3A_22 = arith.cmpi ne, %rem3A_20, %ne3A_21 : i32
    %lt3A = arith.constant 0 : i32
    %lt3A_23 = arith.cmpi slt, %rem3A_20, %lt3A : i32
    %lt3A_24 = arith.constant 0 : i32
    %lt3A_25 = arith.cmpi slt, %select_n3A_19, %lt3A_24 : i32
    %ne3A_26 = arith.xori %lt3A_23, %lt3A_25 : i1
    %and3A_27 = arith.andi %ne3A_26, %ne3A_22 : i1
    %add3A = arith.addi %rem3A_20, %select_n3A_19 : i32
    %select_n3A_28 = arith.select %and3A_27, %add3A, %rem3A_20 : i32
    %c0_i32 = arith.constant 0 : i32
    %c0_i32_29 = arith.constant 0 : i32
    return %select_n3A, %select_n3A_28, %c0_i32 : i32, i32, i32
  }
  func.func @transform_1(%arg0: i32) -> (i32, i32) {
    %c0_i32 = arith.constant 0 : i32
    %c0_i32_0 = arith.constant 0 : i32
    return %arg0, %c0_i32 : i32, i32
  }
  func.func @transform_2(%arg0: i32) -> (i32, i32) {
    %c0_i32 = arith.constant 0 : i32
    %c0_i32_0 = arith.constant 0 : i32
    return %arg0, %c0_i32 : i32, i32
  }
  func.func @transform_3(%arg0: i32) -> (i32, i32) {
    %c0_i32 = arith.constant 0 : i32
    %c0_i32_0 = arith.constant 0 : i32
    %c0_i32_1 = arith.constant 0 : i32
    return %c0_i32, %c0_i32_0 : i32, i32
  }
  func.func @transform_4(%arg0: i32) -> (i32, i32) {
    %c0_i32 = arith.constant 0 : i32
    %c0_i32_0 = arith.constant 0 : i32
    return %arg0, %c0_i32 : i32, i32
  }
  func.func @transform_5(%arg0: i32) -> (i32, i32) {
    %c0_i32 = arith.constant 0 : i32
    %c0_i32_0 = arith.constant 0 : i32
    %c0_i32_1 = arith.constant 0 : i32
    return %c0_i32, %c0_i32_0 : i32, i32
  }
}

module attributes {stable_mosaic.version = 14 : i64} {
  func.func @_bn_kernel(%arg0: i32, %arg1: memref<2000x72xf32, #tpu.memory_space<vmem>>, %arg2: memref<2x72xf32, #tpu.memory_space<vmem>>, %arg3: memref<1x72xf32, #tpu.memory_space<vmem>>, %arg4: memref<1x72xf32, #tpu.memory_space<vmem>>, %arg5: memref<2000x72xf32, #tpu.memory_space<vmem>>) attributes {dimension_semantics = [#tpu.dimension_semantics<arbitrary>], iteration_bounds = array<i64: 25>, scalar_prefetch = 0 : i64, scratch_operands = 0 : i64, tpu.core_type = #tpu.core_type<tc>, window_params = [{transform_indices = @transform_0, window_bounds = array<i64: 2000, 72>}, {pipeline_mode = #tpu.pipeline_mode<synchronous>, transform_indices = @transform_1, window_bounds = array<i64: 2, 72>}, {pipeline_mode = #tpu.pipeline_mode<synchronous>, transform_indices = @transform_2, window_bounds = array<i64: 1, 72>}, {pipeline_mode = #tpu.pipeline_mode<synchronous>, transform_indices = @transform_3, window_bounds = array<i64: 1, 72>}, {transform_indices = @transform_4, window_bounds = array<i64: 2000, 72>}]} {
    %get3A = arith.constant 0 : index
    %get3A_0 = arith.constant 0 : index
    %get3A_1 = vector.load %arg2[%get3A, %get3A_0] : memref<2x72xf32, #tpu.memory_space<vmem>>, vector<1x72xf32>
    %get3A_2 = vector.shape_cast %get3A_1 : vector<1x72xf32> to vector<72xf32>
    %mul3A = arith.constant 2.000000e-05 : f32
    %mul3A_3 = vector.broadcast %mul3A : f32 to vector<72xf32>
    %mul3A_4 = arith.mulf %get3A_2, %mul3A_3 : vector<72xf32>
    %get3A_5 = arith.constant 1 : index
    %get3A_6 = arith.constant 0 : index
    %get3A_7 = vector.load %arg2[%get3A_5, %get3A_6] : memref<2x72xf32, #tpu.memory_space<vmem>>, vector<1x72xf32>
    %get3A_8 = vector.shape_cast %get3A_7 : vector<1x72xf32> to vector<72xf32>
    %mul3A_9 = arith.constant 2.000000e-05 : f32
    %mul3A_10 = vector.broadcast %mul3A_9 : f32 to vector<72xf32>
    %mul3A_11 = arith.mulf %get3A_8, %mul3A_10 : vector<72xf32>
    %mul3A_12 = arith.mulf %mul3A_4, %mul3A_4 : vector<72xf32>
    %sub3A = arith.subf %mul3A_11, %mul3A_12 : vector<72xf32>
    %add3A = arith.constant 9.99999974E-6 : f32
    %add3A_13 = vector.broadcast %add3A : f32 to vector<72xf32>
    %add3A_14 = arith.addf %sub3A, %add3A_13 : vector<72xf32>
    %rsqrt3A = math.rsqrt %add3A_14 : vector<72xf32>
    %get3A_15 = arith.constant 0 : index
    %get3A_16 = arith.constant 0 : index
    %get3A_17 = vector.load %arg3[%get3A_15, %get3A_16] : memref<1x72xf32, #tpu.memory_space<vmem>>, vector<1x72xf32>
    %get3A_18 = vector.shape_cast %get3A_17 : vector<1x72xf32> to vector<72xf32>
    %mul3A_19 = arith.mulf %rsqrt3A, %get3A_18 : vector<72xf32>
    %get3A_20 = arith.constant 0 : index
    %get3A_21 = arith.constant 0 : index
    %get3A_22 = vector.load %arg1[%get3A_20, %get3A_21] : memref<2000x72xf32, #tpu.memory_space<vmem>>, vector<2000x72xf32>
    %broadcast_in_dim3A = vector.shape_cast %mul3A_4 : vector<72xf32> to vector<1x72xf32>
    %sub3A_23 = vector.broadcast %broadcast_in_dim3A : vector<1x72xf32> to vector<2000x72xf32>
    %sub3A_24 = arith.subf %get3A_22, %sub3A_23 : vector<2000x72xf32>
    %broadcast_in_dim3A_25 = vector.shape_cast %mul3A_19 : vector<72xf32> to vector<1x72xf32>
    %mul3A_26 = vector.broadcast %broadcast_in_dim3A_25 : vector<1x72xf32> to vector<2000x72xf32>
    %mul3A_27 = arith.mulf %sub3A_24, %mul3A_26 : vector<2000x72xf32>
    %get3A_28 = arith.constant 0 : index
    %get3A_29 = arith.constant 0 : index
    %get3A_30 = vector.load %arg4[%get3A_28, %get3A_29] : memref<1x72xf32, #tpu.memory_space<vmem>>, vector<1x72xf32>
    %get3A_31 = vector.shape_cast %get3A_30 : vector<1x72xf32> to vector<72xf32>
    %broadcast_in_dim3A_32 = vector.shape_cast %get3A_31 : vector<72xf32> to vector<1x72xf32>
    %add3A_33 = vector.broadcast %broadcast_in_dim3A_32 : vector<1x72xf32> to vector<2000x72xf32>
    %add3A_34 = arith.addf %mul3A_27, %add3A_33 : vector<2000x72xf32>
    %swap3A = arith.constant 0 : index
    %swap3A_35 = arith.constant 0 : index
    %swap3A_36 = vector.load %arg5[%swap3A, %swap3A_35] : memref<2000x72xf32, #tpu.memory_space<vmem>>, vector<2000x72xf32>
    tpu.vector_store %arg5[%swap3A, %swap3A_35], %add3A_34 {strides = array<i32>} : memref<2000x72xf32, #tpu.memory_space<vmem>>, vector<2000x72xf32>,
    return
  }
  func.func @transform_0(%arg0: i32) -> (i32, i32) {
    %c0_i32 = arith.constant 0 : i32
    %c0_i32_0 = arith.constant 0 : i32
    return %arg0, %c0_i32 : i32, i32
  }
  func.func @transform_1(%arg0: i32) -> (i32, i32) {
    %c0_i32 = arith.constant 0 : i32
    %c0_i32_0 = arith.constant 0 : i32
    %c0_i32_1 = arith.constant 0 : i32
    return %c0_i32, %c0_i32_0 : i32, i32
  }
  func.func @transform_2(%arg0: i32) -> (i32, i32) {
    %c0_i32 = arith.constant 0 : i32
    %c0_i32_0 = arith.constant 0 : i32
    %c0_i32_1 = arith.constant 0 : i32
    return %c0_i32, %c0_i32_0 : i32, i32
  }
  func.func @transform_3(%arg0: i32) -> (i32, i32) {
    %c0_i32 = arith.constant 0 : i32
    %c0_i32_0 = arith.constant 0 : i32
    %c0_i32_1 = arith.constant 0 : i32
    return %c0_i32, %c0_i32_0 : i32, i32
  }
  func.func @transform_4(%arg0: i32) -> (i32, i32) {
    %c0_i32 = arith.constant 0 : i32
    %c0_i32_0 = arith.constant 0 : i32
    return %arg0, %c0_i32 : i32, i32
  }
}

module attributes {stable_mosaic.version = 14 : i64} {
  func.func @_uv_kernel(%arg0: i32, %arg1: memref<2000x72xf32, #tpu.memory_space<vmem>>, %arg2: memref<2000x72xf32, #tpu.memory_space<vmem>>, %arg3: memref<72x72xf32, #tpu.memory_space<vmem>>, %arg4: memref<72x72xf32, #tpu.memory_space<vmem>>, %arg5: memref<72x72xf32, #tpu.memory_space<vmem>>, %arg6: memref<72x72xf32, #tpu.memory_space<vmem>>, %arg7: memref<1x72xf32, #tpu.memory_space<vmem>>, %arg8: memref<2000x72xf32, #tpu.memory_space<vmem>>, %arg9: memref<2000x72xf32, #tpu.memory_space<vmem>>) attributes {dimension_semantics = [#tpu.dimension_semantics<arbitrary>], iteration_bounds = array<i64: 25>, scalar_prefetch = 0 : i64, scratch_operands = 0 : i64, tpu.core_type = #tpu.core_type<tc>, window_params = [{transform_indices = @transform_0, window_bounds = array<i64: 2000, 72>}, {transform_indices = @transform_1, window_bounds = array<i64: 2000, 72>}, {pipeline_mode = #tpu.pipeline_mode<synchronous>, transform_indices = @transform_2, window_bounds = array<i64: 72, 72>}, {pipeline_mode = #tpu.pipeline_mode<synchronous>, transform_indices = @transform_3, window_bounds = array<i64: 72, 72>}, {pipeline_mode = #tpu.pipeline_mode<synchronous>, transform_indices = @transform_4, window_bounds = array<i64: 72, 72>}, {pipeline_mode = #tpu.pipeline_mode<synchronous>, transform_indices = @transform_5, window_bounds = array<i64: 72, 72>}, {pipeline_mode = #tpu.pipeline_mode<synchronous>, transform_indices = @transform_6, window_bounds = array<i64: 1, 72>}, {transform_indices = @transform_7, window_bounds = array<i64: 2000, 72>}, {transform_indices = @transform_8, window_bounds = array<i64: 2000, 72>}]} {
    %get3A = arith.constant 0 : index
    %get3A_0 = arith.constant 0 : index
    %get3A_1 = vector.load %arg1[%get3A, %get3A_0] : memref<2000x72xf32, #tpu.memory_space<vmem>>, vector<2000x72xf32>
    %get3A_2 = arith.constant 0 : index
    %get3A_3 = arith.constant 0 : index
    %get3A_4 = vector.load %arg3[%get3A_2, %get3A_3] : memref<72x72xf32, #tpu.memory_space<vmem>>, vector<72x72xf32>
    %dot_general3A = arith.constant dense<0.000000e+00> : vector<2000x72xf32>
    %dot_general3A_5 = tpu.matmul %get3A_1, %get3A_4, %dot_general3A {dimension_numbers = #tpu.dot_dimension_numbers<[1], [0], [0], [1], [0, 0, 1, 1], [], []>, transpose_lhs_hint = false} : vector<2000x72xf32>, vector<72x72xf32>, vector<2000x72xf32> -> vector<2000x72xf32>
    %get3A_6 = arith.constant 0 : index
    %get3A_7 = arith.constant 0 : index
    %get3A_8 = vector.load %arg2[%get3A_6, %get3A_7] : memref<2000x72xf32, #tpu.memory_space<vmem>>, vector<2000x72xf32>
    %get3A_9 = arith.constant 0 : index
    %get3A_10 = arith.constant 0 : index
    %get3A_11 = vector.load %arg4[%get3A_9, %get3A_10] : memref<72x72xf32, #tpu.memory_space<vmem>>, vector<72x72xf32>
    %dot_general3A_12 = arith.constant dense<0.000000e+00> : vector<2000x72xf32>
    %dot_general3A_13 = tpu.matmul %get3A_8, %get3A_11, %dot_general3A_12 {dimension_numbers = #tpu.dot_dimension_numbers<[1], [0], [0], [1], [0, 0, 1, 1], [], []>, transpose_lhs_hint = false} : vector<2000x72xf32>, vector<72x72xf32>, vector<2000x72xf32> -> vector<2000x72xf32>
    %add3A = arith.addf %dot_general3A_5, %dot_general3A_13 : vector<2000x72xf32>
    %get3A_14 = arith.constant 0 : index
    %get3A_15 = arith.constant 0 : index
    %get3A_16 = vector.load %arg7[%get3A_14, %get3A_15] : memref<1x72xf32, #tpu.memory_space<vmem>>, vector<1x72xf32>
    %add3A_17 = vector.broadcast %get3A_16 : vector<1x72xf32> to vector<2000x72xf32>
    %add3A_18 = arith.addf %add3A, %add3A_17 : vector<2000x72xf32>
    %swap3A = arith.constant 0 : index
    %swap3A_19 = arith.constant 0 : index
    %swap3A_20 = vector.load %arg8[%swap3A, %swap3A_19] : memref<2000x72xf32, #tpu.memory_space<vmem>>, vector<2000x72xf32>
    tpu.vector_store %arg8[%swap3A, %swap3A_19], %add3A_18 {strides = array<i32>} : memref<2000x72xf32, #tpu.memory_space<vmem>>, vector<2000x72xf32>,
    %get3A_21 = arith.constant 0 : index
    %get3A_22 = arith.constant 0 : index
    %get3A_23 = vector.load %arg1[%get3A_21, %get3A_22] : memref<2000x72xf32, #tpu.memory_space<vmem>>, vector<2000x72xf32>
    %get3A_24 = arith.constant 0 : index
    %get3A_25 = arith.constant 0 : index
    %get3A_26 = vector.load %arg5[%get3A_24, %get3A_25] : memref<72x72xf32, #tpu.memory_space<vmem>>, vector<72x72xf32>
    %dot_general3A_27 = arith.constant dense<0.000000e+00> : vector<2000x72xf32>
    %dot_general3A_28 = tpu.matmul %get3A_23, %get3A_26, %dot_general3A_27 {dimension_numbers = #tpu.dot_dimension_numbers<[1], [0], [0], [1], [0, 0, 1, 1], [], []>, transpose_lhs_hint = false} : vector<2000x72xf32>, vector<72x72xf32>, vector<2000x72xf32> -> vector<2000x72xf32>
    %get3A_29 = arith.constant 0 : index
    %get3A_30 = arith.constant 0 : index
    %get3A_31 = vector.load %arg2[%get3A_29, %get3A_30] : memref<2000x72xf32, #tpu.memory_space<vmem>>, vector<2000x72xf32>
    %get3A_32 = arith.constant 0 : index
    %get3A_33 = arith.constant 0 : index
    %get3A_34 = vector.load %arg6[%get3A_32, %get3A_33] : memref<72x72xf32, #tpu.memory_space<vmem>>, vector<72x72xf32>
    %dot_general3A_35 = arith.constant dense<0.000000e+00> : vector<2000x72xf32>
    %dot_general3A_36 = tpu.matmul %get3A_31, %get3A_34, %dot_general3A_35 {dimension_numbers = #tpu.dot_dimension_numbers<[1], [0], [0], [1], [0, 0, 1, 1], [], []>, transpose_lhs_hint = false} : vector<2000x72xf32>, vector<72x72xf32>, vector<2000x72xf32> -> vector<2000x72xf32>
    %add3A_37 = arith.addf %dot_general3A_28, %dot_general3A_36 : vector<2000x72xf32>
    %swap3A_38 = arith.constant 0 : index
    %swap3A_39 = arith.constant 0 : index
    %swap3A_40 = vector.load %arg9[%swap3A_38, %swap3A_39] : memref<2000x72xf32, #tpu.memory_space<vmem>>, vector<2000x72xf32>
    tpu.vector_store %arg9[%swap3A_38, %swap3A_39], %add3A_37 {strides = array<i32>} : memref<2000x72xf32, #tpu.memory_space<vmem>>, vector<2000x72xf32>,
    return
  }
  func.func @transform_0(%arg0: i32) -> (i32, i32) {
    %c0_i32 = arith.constant 0 : i32
    %c0_i32_0 = arith.constant 0 : i32
    return %arg0, %c0_i32 : i32, i32
  }
  func.func @transform_1(%arg0: i32) -> (i32, i32) {
    %c0_i32 = arith.constant 0 : i32
    %c0_i32_0 = arith.constant 0 : i32
    return %arg0, %c0_i32 : i32, i32
  }
  func.func @transform_2(%arg0: i32) -> (i32, i32) {
    %c0_i32 = arith.constant 0 : i32
    %c0_i32_0 = arith.constant 0 : i32
    %c0_i32_1 = arith.constant 0 : i32
    return %c0_i32, %c0_i32_0 : i32, i32
  }
  func.func @transform_3(%arg0: i32) -> (i32, i32) {
    %c0_i32 = arith.constant 0 : i32
    %c0_i32_0 = arith.constant 0 : i32
    %c0_i32_1 = arith.constant 0 : i32
    return %c0_i32, %c0_i32_0 : i32, i32
  }
  func.func @transform_4(%arg0: i32) -> (i32, i32) {
    %c0_i32 = arith.constant 0 : i32
    %c0_i32_0 = arith.constant 0 : i32
    %c0_i32_1 = arith.constant 0 : i32
    return %c0_i32, %c0_i32_0 : i32, i32
  }
  func.func @transform_5(%arg0: i32) -> (i32, i32) {
    %c0_i32 = arith.constant 0 : i32
    %c0_i32_0 = arith.constant 0 : i32
    %c0_i32_1 = arith.constant 0 : i32
    return %c0_i32, %c0_i32_0 : i32, i32
  }
  func.func @transform_6(%arg0: i32) -> (i32, i32) {
    %c0_i32 = arith.constant 0 : i32
    %c0_i32_0 = arith.constant 0 : i32
    %c0_i32_1 = arith.constant 0 : i32
    return %c0_i32, %c0_i32_0 : i32, i32
  }
  func.func @transform_7(%arg0: i32) -> (i32, i32) {
    %c0_i32 = arith.constant 0 : i32
    %c0_i32_0 = arith.constant 0 : i32
    return %arg0, %c0_i32 : i32, i32
  }
  func.func @transform_8(%arg0: i32) -> (i32, i32) {
    %c0_i32 = arith.constant 0 : i32
    %c0_i32_0 = arith.constant 0 : i32
    return %arg0, %c0_i32 : i32, i32
  }
}

module attributes {stable_mosaic.version = 14 : i64} {
  func.func @_fin_kernel(%arg0: i32, %arg1: memref<3200x72xf32, #tpu.memory_space<vmem>>, %arg2: memref<3200x72xf32, #tpu.memory_space<vmem>>, %arg3: memref<72x1xf32, #tpu.memory_space<vmem>>, %arg4: memref<1x1xf32, #tpu.memory_space<vmem>>, %arg5: memref<3200x1xf32, #tpu.memory_space<vmem>>) attributes {dimension_semantics = [#tpu.dimension_semantics<arbitrary>], iteration_bounds = array<i64: 32>, scalar_prefetch = 0 : i64, scratch_operands = 0 : i64, tpu.core_type = #tpu.core_type<tc>, window_params = [{transform_indices = @transform_0, window_bounds = array<i64: 3200, 72>}, {transform_indices = @transform_1, window_bounds = array<i64: 3200, 72>}, {pipeline_mode = #tpu.pipeline_mode<synchronous>, transform_indices = @transform_2, window_bounds = array<i64: 72, 1>}, {pipeline_mode = #tpu.pipeline_mode<synchronous>, transform_indices = @transform_3, window_bounds = array<i64: 1, 1>}, {transform_indices = @transform_4, window_bounds = array<i64: 3200, 1>}]} {
    %get3A = arith.constant 0 : index
    %get3A_0 = arith.constant 0 : index
    %get3A_1 = vector.load %arg1[%get3A, %get3A_0] : memref<3200x72xf32, #tpu.memory_space<vmem>>, vector<3200x72xf32>
    %get3A_2 = arith.constant 0 : index
    %get3A_3 = arith.constant 0 : index
    %get3A_4 = vector.load %arg2[%get3A_2, %get3A_3] : memref<3200x72xf32, #tpu.memory_space<vmem>>, vector<3200x72xf32>
    %add3A = arith.addf %get3A_1, %get3A_4 : vector<3200x72xf32>
    %tanh3A = math.tanh %add3A : vector<3200x72xf32>
    %get3A_5 = arith.constant 0 : index
    %get3A_6 = arith.constant 0 : index
    %get3A_7 = vector.load %arg3[%get3A_5, %get3A_6] : memref<72x1xf32, #tpu.memory_space<vmem>>, vector<72x1xf32>
    %dot_general3A = arith.constant dense<0.000000e+00> : vector<3200x1xf32>
    %dot_general3A_8 = tpu.matmul %tanh3A, %get3A_7, %dot_general3A {dimension_numbers = #tpu.dot_dimension_numbers<[1], [0], [0], [1], [0, 0, 1, 1], [], []>, transpose_lhs_hint = false} : vector<3200x72xf32>, vector<72x1xf32>, vector<3200x1xf32> -> vector<3200x1xf32>
    %get3A_9 = arith.constant 0 : index
    %get3A_10 = arith.constant 0 : index
    %get3A_11 = vector.load %arg4[%get3A_9, %get3A_10] : memref<1x1xf32, #tpu.memory_space<vmem>>, vector<1x1xf32>
    %get3A_12 = vector.shape_cast %get3A_11 : vector<1x1xf32> to vector<1xf32>
    %broadcast_in_dim3A = vector.shape_cast %get3A_12 : vector<1xf32> to vector<1x1xf32>
    %add3A_13 = vector.broadcast %broadcast_in_dim3A : vector<1x1xf32> to vector<3200x1xf32>
    %add3A_14 = arith.addf %dot_general3A_8, %add3A_13 : vector<3200x1xf32>
    %swap3A = arith.constant 0 : index
    %swap3A_15 = arith.constant 0 : index
    %swap3A_16 = vector.load %arg5[%swap3A, %swap3A_15] : memref<3200x1xf32, #tpu.memory_space<vmem>>, vector<3200x1xf32>
    tpu.vector_store %arg5[%swap3A, %swap3A_15], %add3A_14 {strides = array<i32>} : memref<3200x1xf32, #tpu.memory_space<vmem>>, vector<3200x1xf32>,
    return
  }
  func.func @transform_0(%arg0: i32) -> (i32, i32) {
    %c0_i32 = arith.constant 0 : i32
    %c0_i32_0 = arith.constant 0 : i32
    return %arg0, %c0_i32 : i32, i32
  }
  func.func @transform_1(%arg0: i32) -> (i32, i32) {
    %c0_i32 = arith.constant 0 : i32
    %c0_i32_0 = arith.constant 0 : i32
    return %arg0, %c0_i32 : i32, i32
  }
  func.func @transform_2(%arg0: i32) -> (i32, i32) {
    %c0_i32 = arith.constant 0 : i32
    %c0_i32_0 = arith.constant 0 : i32
    %c0_i32_1 = arith.constant 0 : i32
    return %c0_i32, %c0_i32_0 : i32, i32
  }
  func.func @transform_3(%arg0: i32) -> (i32, i32) {
    %c0_i32 = arith.constant 0 : i32
    %c0_i32_0 = arith.constant 0 : i32
    %c0_i32_1 = arith.constant 0 : i32
    return %c0_i32, %c0_i32_0 : i32, i32
  }
  func.func @transform_4(%arg0: i32) -> (i32, i32) {
    %c0_i32 = arith.constant 0 : i32
    %c0_i32_0 = arith.constant 0 : i32
    return %arg0, %c0_i32 : i32, i32
  }
}

</mosaic_0001>

<sc_bundles>
// kernel: kernel.20.cloned.1.call-start
scs
__scs_entry_jumppad:
0x0: {  	(pc) =	sbr.rel $0x88, $3  }
0x1: {  	(tag) =	ssettag $0x0;
	lr =	simm.s32 $0x1  }
0x2: {  	[smem:$0x3F90] =	sst lr;
	_ =	strace $0xD0000000  }
0x3: {  	_ = 	snop  }
0x4: {  	_ = 	snop  }
0x5: {  	_ = 	snop  }
0x6: {  	_ = 	snop  }
0x7: {  	_ = 	snop  }
__scs_overlays_trampoline_lowered:
0x8: {  	[smem:$0x3F9F] =	sst s0  }
0x9: {  	[smem:$0x3FA0] =	sst s1  }
0xa: {  	[smem:$0x3FA1] =	sst s2  }
0xb: {  	[smem:$0x3FA2] =	sst s3  }
0xc: {  	[smem:$0x3FA3] =	sst s4  }
0xd: {  	[smem:$0x3FA4] =	sst s5  }
0xe: {  	[smem:$0x3FA5] =	sst s6  }
0xf: {  	[smem:$0x3FA6] =	sst s7  }
0x10: {  	[smem:$0x3FA7] =	sst s8  }
0x11: {  	[smem:$0x3FA8] =	sst s9;
	s0 =	simm.s32 @!p0 $0x0  }
0x12: {  	s1 =	sld [smem:$0x3F8E];
	s0 =	simm.s32 @p0 $0x1  }
0x13: {  	[smem:$0x3FA9] =	sst s0;
	s0 =	simm.s32 @!p1 $0x0  }
0x14: {  	s2 =	sld [smem:$0x3F8D];
	s0 =	simm.s32 @p1 $0x1  }
0x15: {  	[smem:$0x3FAA] =	sst s0;
	s0 =	simm.s32 @!p2 $0x0  }
0x16: {  	s3 =	sld [smem:$0x3FDB];
	s0 =	simm.s32 @p2 $0x1  }
0x17: {  	s4 =	simm.s32 $0x1BF5;
	[smem:$0x3FAC] =	sst s0  }
0x18: {  	s0 =	sld [smem:$0x3F8F];
	_ =	swait.ge [sflag:s4], $0x0  }
0x19: {  	s7 =	sld [smem:$0x3F90]  }
0x1a: {  	s8 =	sadd.s32 $0xFFFFE003, lr  }
0x1b: {  	s9 =	sadd.s32 $0xFFFFFEF7, lr;
	s5 =	simm.s32 $0xFFFFFFFF;
	p2 =	slt.u32 s8, $0xFFFFF086  }
0x1c: {  	p1 =	slt.u32 s9, $0xF7A;
	s5 =	simm.s32 @!p2 $0x0  }
0x1d: {  	s5 =	simm.s32 @p1 $0x1;
	p0 =	seq.s32 s7, s2  }
0x1e: {  	s7 =	smul.u32 @!p0 $0xF7A, s2;
	p2 =	seq.s32 @!p0 s5, $0x0  }
0x1f: {  	s9 =	smul.u32 $0xF7A, s1;
	s8 =	simm.s32 @!p0 $0x1BF5;
	p2 =	por !p2, p0  }
0x20: {  	[sflag:s8] =	ssyncset.s32 @!p0 $0xFFFFF086;
	s6 =	sadd.s32 @!p0 s3, s7;
	s7 =	simm.s32 @!p0 $0x108  }
0x21: {  	s3 =	sadd.s32 s3, s9;
	s6 =	sadd.s32 @!p0 $0x88, s6;
	s7 =	simm.s32 @p2 $0x1082  }
0x22: {  	[simem:s7], [sflag:s8] =	dma.local @!p0 [hbm:s6], $0xF7A  }
0x23: {  	s9 =	sor.u32 $0xD0000000, s2;
	s6 =	simm.s32 $0x108;
	_ =	swait.ge @!p0 [sflag:s8], $0x0  }
0x24: {  	s3 =	sadd.s32 $0x88, s3;
	s6 =	simm.s32 @!p1 $0x1082;
	[sflag:s4] =	ssyncset.s32 $0xFFFFF086  }
0x25: {  	[simem:s6], [sflag:s4] =	dma.local [hbm:s3], $0xF7A  }
0x26: {  	[smem:$0x3F90] =	sst s1;
	(tag) =	ssettag s2;
	_ =	strace s9  }
0x27: {  	s1 =	sld [smem:$0x3FA0]  }
0x28: {  	s2 =	sld [smem:$0x3FA1]  }
0x29: {  	s4 =	sld [smem:$0x3FA3]  }
0x2a: {  	p0 =	seq.s32 s5, $0x0;
	s5 =	sld [smem:$0x3FA4]  }
0x2b: {  	s6 =	sld [smem:$0x3FA5]  }
0x2c: {  	s7 =	sld [smem:$0x3FA6]  }
0x2d: {  	s3 =	simm.s32 $0x108;
	s8 =	sld [smem:$0x3FA7]  }
0x2e: {  	s3 =	simm.s32 @!p0 $0x1082;
	s9 =	sld [smem:$0x3FA8]  }
0x2f: {  	lr =	sadd.s32 s0, s3;
	s0 =	sld [smem:$0x3F9F]  }
0x30: {  	s3 =	sld [smem:$0x3FA2]  }
0x31: {  	[smem:$0x3FAB] =	sst s10  }
0x32: {  	s10 =	sld [smem:$0x3FA9];
	_ =	sdelay $0x3  }
0x33: {  	p0 =	seq.s32 s10, $0x1;
	s10 =	sld [smem:$0x3FAB];
	_ =	sdelay $0x3  }
0x34: {  	[smem:$0x3FAB] =	sst s10  }
0x35: {  	s10 =	sld [smem:$0x3FAA];
	_ =	sdelay $0x3  }
0x36: {  	p1 =	seq.s32 s10, $0x1;
	s10 =	sld [smem:$0x3FAB];
	_ =	sdelay $0x3  }
0x37: {  	[smem:$0x3FAB] =	sst s10  }
0x38: {  	s10 =	sld [smem:$0x3FAC]  }
0x39: {  	_ = 	snop;
	(pc) =	sbr.ind lr, $3  }
0x3a: {  	_ = 	snop  }
0x3b: {  	_ = 	snop  }
0x3c: {  	p2 =	seq.s32 s10, $0x1;
	s10 =	sld [smem:$0x3FAB]  }
0x3d: {  	_ =	shalt  }
0x3e: {  	_ =	shalt  }
0x3f: {  	_ =	shalt  }
0x40: {  	_ =	shalt  }
0x41: {  	_ =	shalt  }
0x42: {  	_ =	shalt  }
0x43: {  	_ =	shalt  }
0x44: {  	_ =	shalt  }
0x45: {  	_ =	shalt  }
0x46: {  	_ =	shalt  }
0x47: {  	_ =	shalt  }
0x48: {  	_ =	shalt  }
0x49: {  	_ =	shalt  }
0x4a: {  	_ =	shalt  }
0x4b: {  	_ =	shalt  }
0x4c: {  	_ =	shalt  }
0x4d: {  	_ =	shalt  }
0x4e: {  	_ =	shalt  }
0x4f: {  	_ =	shalt  }
0x50: {  	_ =	shalt  }
0x51: {  	_ =	shalt  }
0x52: {  	_ =	shalt  }
0x53: {  	_ =	shalt  }
0x54: {  	_ =	shalt  }
0x55: {  	_ =	shalt  }
0x56: {  	_ =	shalt  }
0x57: {  	_ =	shalt  }
0x58: {  	_ =	shalt  }
0x59: {  	_ =	shalt  }
0x5a: {  	_ =	shalt  }
0x5b: {  	_ =	shalt  }
0x5c: {  	_ =	shalt  }
0x5d: {  	_ =	shalt  }
0x5e: {  	_ =	shalt  }
0x5f: {  	_ =	shalt  }
0x60: {  	_ =	shalt  }
0x61: {  	_ =	shalt  }
0x62: {  	_ =	shalt  }
0x63: {  	_ =	shalt  }
0x64: {  	_ =	shalt  }
0x65: {  	_ =	shalt  }
0x66: {  	_ =	shalt  }
0x67: {  	_ =	shalt  }
0x68: {  	_ =	shalt  }
0x69: {  	_ =	shalt  }
0x6a: {  	_ =	shalt  }
0x6b: {  	_ =	shalt  }
0x6c: {  	_ =	shalt  }
0x6d: {  	_ =	shalt  }
0x6e: {  	_ =	shalt  }
0x6f: {  	_ =	shalt  }
0x70: {  	_ =	shalt  }
0x71: {  	_ =	shalt  }
0x72: {  	_ =	shalt  }
0x73: {  	_ =	shalt  }
0x74: {  	_ =	shalt  }
0x75: {  	_ =	shalt  }
0x76: {  	_ =	shalt  }
0x77: {  	_ =	shalt  }
0x78: {  	_ =	shalt  }
0x79: {  	_ =	shalt  }
0x7a: {  	_ =	shalt  }
0x7b: {  	_ =	shalt  }
0x7c: {  	_ =	shalt  }
0x7d: {  	_ =	shalt  }
0x7e: {  	_ =	shalt  }
0x7f: {  	_ =	shalt  }
0x80: {  	_ =	shalt  }
0x81: {  	_ =	shalt  }
0x82: {  	_ =	shalt  }
0x83: {  	_ =	shalt  }
0x84: {  	_ =	shalt  }
0x85: {  	_ =	shalt  }
0x86: {  	_ =	shalt  }
0x87: {  	_ =	shalt  }
.Lfunc_end0:
.L_simem_size_0:
called_computation_lowered:
.L_overlay_start_0:
0x88: {  	s2 =	sld [smem:$0x3FD9]  }
0x89: {  	s3 =	sld [smem:$0x3FFE];
	_ =	sdelay $0x1  }
0x8a: {  	s1 =	srdreg.scid  }
0x8b: {  	s0 =	sand.u32 $0x1, s1  }
0x8c: {  	s16 =	sshll.u32 s0, $0xA;
	s2 =	sadd.s32 s3, s2  }
0x8d: {  	s2 =	sadd.s32 s2, s16  }
0x8e: {  	[smem:$0x3FB7] =	sst s2  }
0x8f: {  	_ = 	snop  }
0x90: {  	(tm) =	ssettm $0x1  }
0x91: {  	s17 =	sld [smem:$0x3FFB];
	_ =	sdelay $0x3  }
0x92: {  	_ =	strace s17  }
0x93: {  	s2 =	sld [smem:$0x3FFC];
	_ =	sdelay $0x3  }
0x94: {  	_ =	strace s2  }
0x95: {  	s2 =	sld [smem:$0x3FFD];
	_ =	sdelay $0x3  }
0x96: {  	_ =	strace s2  }
0x97: {  	_ =	strace $0x8FFFFFFF  }
0x98: {  	s18 =	sld [smem:$0x3FDB];
	_ =	sdelay $0x1  }
0x99: {  	s19 =	simm.s32 $_scs_section_size  }
0x9a: {  	s4 =	simm.s32 $_size__tile_overlayer_lowered;
	s5 =	simm.s32 $_tile_overlayer_lowered  }
0x9b: {  	s22 =	simm.s32 $0x1BFF;
	s21 =	sshll.u32 s5, $0x1;
	s2 =	sadd.s32 s19, s18  }
0x9c: {  	s6 =	simm.s32 $0x0;
	s20 =	sshll.u32 s4, $0x1;
	s4 =	sadd.s32 s21, s2  }
0x9d: {  	[timem:s6], [sflag:s22] =	dma.local [hbm:s4], s20  }
0x9e: {  	_ =	swait.ge [sflag:s22], s20  }
0x9f: {  	s3 =	ssub.s32 $0x0, s20;
	[sflag:s22] =	ssyncset.done $0x0  }
0xa0: {  	[sflag:s22] =	ssyncadd.s32 s3;
	_ =	sdelay $0x1  }
0xa1: {  	s23 =	simm.s32 $0x1B8B  }
0xa2: {  	_ =	swait.ge [sflag:s23], $0x1  }
0xa3: {  	[sflag:s23] =	ssyncset.done $0x0  }
0xa4: {  	s25 =	simm.s32 $0x1B8E;
	s24 =	sld [smem:$0x3FFE];
	[sflag:s23] =	ssyncadd.s32 $0xFFFFFFFF  }
0xa5: {  	s26 =	simm.s32 $execute0_lowered;
	[smem:$0x3FD2] =	sst s25  }
0xa6: {  	s4 =	sshll.u32 s26, $0x1;
	_ =	strace $0x80000046;
	[dreg:$0x1] =	wrdreg $0xFFFFFFFF  }
0xa7: {  	s28 =	simm.s32 $_size_execute0_lowered;
	s2 =	sadd.s32 s2, s4;
	[dreg:$0x0] =	wrdreg $0x0  }
0xa8: {  	s4 =	sshll.u32 s28, $0x1;
	[dreg:$0x2] =	wrdreg s2  }
0xa9: {  	[dreg:$0x3] =	wrdreg s4  }
0xaa: {  	[dreg:$0x4] =	wrdreg $0xC0  }
0xab: {  	_ =	task [dreg:s6], $0x5FFFF  }
0xac: {  	[dreg:$0x1] =	wrdreg $0xFFFFFFFF  }
0xad: {  	[dreg:$0x0] =	wrdreg $0x60  }
0xae: {  	[dreg:$0x2] =	wrdreg s24  }
0xaf: {  	[dreg:$0x3] =	wrdreg $0x64800  }
0xb0: {  	[dreg:$0x4] =	wrdreg $0x9  }
0xb1: {  	_ =	task.clear_ibuf [dreg:s6], $0x5FFFF;
	_ =	strace $0x90000046  }
0xb2: {  	s29 =	simm.s32 $0x9;
	_ =	strace $0x80000048  }
0xb3: {  	_ =	swait.ge [sflag:s29], $0x1  }
0xb4: {  	[sflag:s29] =	ssyncadd.s32 $0xFFFFFFFF  }
0xb5: {  	_ =	strace $0x90000048  }
0xb6: {  	_ =	sfence  }
0xb7: {  	s30 =	sld [smem:$0x0];
	_ =	sdelay $0x2  }
0xb8: {  	s31 =	sshll.u32 s1, $0xD;
	s1 =	sshrl.u32 s1, $0x2  }
0xb9: {  	s3 =	sand.u32 $0x4000, s31;
	s1 =	sadd.s32 s1, s30  }
0xba: {  	s0 =	sor.u32 s3, s0;
	s1 =	sshll.u32 s1, $0x11  }
0xbb: {  	s0 =	sor.u32 s1, s0  }
0xbc: {  	s0 =	sadd.s32 $0x8F2B, s0  }
0xbd: {  	[sflag:s0] =	ssyncadd.remote.s32 $0x1  }
0xbe: {  	_ =	sfence.sel $0xFFFF  }
0xbf: {  	[dreg:$0x0] =	wrdreg $0xFFFFFFFF;
	(pc) =	sbr.abs _section_cstart, $3  }
0xc0: {  	[dreg:$0x1] =	wrdreg $0xFFFFFFFF  }
0xc1: {  	_ =	task.clear_ibuf [dreg:s6], $0x2FFFF;
	_ =	strace $0x9FFFFFFF  }
0xc2: {  	(tm) =	ssettm $0x7FFFFFFF  }
0xc3: {  	_ =	shalt  }
tec
execute0_lowered:
.L_overlay_start_1:
0x0: {  	(tag) =	ssettag $0x1  }
0x1: {  	s5 =	rddreg [dreg:$0x0]  }
0x2: {  	s2 =	rddreg [dreg:$0x1]  }
0x3: {  	s0 =	rddreg [dreg:$0x2]  }
0x4: {  	s3 =	srdreg.scid;
	s1 =	stileid.u32;
	s11 =	simm.s32 $0x80  }
0x5: {  	s12 =	simm.s32 $0x6400;
	s13 =	simm.s32 $0x0;
	s4 =	sand.u32 $0x1, s3  }
0x6: {  	s6 =	sshll.u32 s1, $0x1;
	s7 =	smul.u32 $0xC80, s1;
	s3 =	simm.s32 $0x0  }
0x7: {  	s31 =	sshll.u32 s1, $0x6;
	s6 =	sor.u32 s4, s6;
	s8 =	smul.u32 $0xC800, s4  }
0x8: {  	[smem:$0x7FF] =	sst s3;
	s9 =	ssub.s32 $0x2, s4;
	s4 =	sadd.s32 $0x37000, s5  }
0x9: {  	s6 =	smul.u32 $0xC80, s6;
	_ =	strace $0x80000047;
	s8 =	sadd.s32 s7, s8  }
0xa: {  	s30 =	sshrl.u32 s9, $0x1;
	s10 =	sadd.s32 s7, s2;
	s8 =	sshrl.u32 s8, $0x3  }
0xb: {  	s9 =	ssub.s32 s9, s30;
	s6 =	sadd.s32 s6, s5;
	s8 =	sadd.s32 s8, s5  }
0xc: {  	s5 =	sor.u32 $0x1C01, s31;
	s6 =	sadd.s32 $0x5000, s6;
	s7 =	sadd.s32 $0x37200, s8  }
0xd: {  	v0 =	vimm.f32 $1.000000000e+00;
	s8 =	smax.u32 s9, $0x1;
	s9 =	sshrl.u32 s10, $0x3;
	s10 =	simm.s32 $0x1  }
.LBB2_1:
0xe: {  	[spmem:s9], [sflag:s5] =	dma.local [hbm:s4], $0x190  }
0xf: {  	_ =	swait.ge [sflag:s10], $0x190  }
0x10: {  	[sflag:s10] =	ssyncset.done $0x0  }
0x11: {  	[sflag:s10] =	ssyncadd.s32 $0xFFFFFE70  }
0x12: {  	[tilespmem:$0x6400] =	vst v0  }
0x13: {  	[tilespmem:$0x6410] =	vst v0  }
0x14: {  	[tilespmem:$0x6420] =	vst v0  }
0x15: {  	[tilespmem:$0x6430] =	vst v0  }
0x16: {  	[tilespmem:$0x6440] =	vst v0  }
0x17: {  	[tilespmem:$0x6450] =	vst v0  }
0x18: {  	[tilespmem:$0x6460] =	vst v0  }
0x19: {  	[tilespmem:$0x6470] =	vst v0  }
0x1a: {  	[tilespmem:s3], [sflag:$0x1] =	stream.linear.gather [hbm4b:s6+s3], $0x6400, $0x38;
	[tilespmem:$0x7100] =	vst v63  }
0x1b: {  	_ =	swait.ge [sflag:s10], $0x6400  }
0x1c: {  	[sflag:s10] =	ssyncset.done $0x0  }
0x1d: {  	[sflag:s10] =	ssyncadd.s32 $0xFFFF9C00  }
0x1e: {  	s14 =	simm.s32 $0x0;
	[bflag:$0x0] =	sbarrier.arrive $0xFFFF  }
0x1f: {  	[spmem:s2] =	stream.indirect.scatter.add.f32 [tilespmem:s12], [sflag:$0x1], $0x1, s14, s11, $0xb8;
	[tilespmem:$0x7100] =	vst v63  }
0x20: {  	_ =	swait.ge [sflag:s10], $0x80  }
0x21: {  	s14 =	simm.s32 $0x200;
	[sflag:s10] =	ssyncset.done $0x0  }
.LBB2_2:
0x22: {  	s15 =	sshra.s32 s14, $0x2;
	[sflag:s10] =	ssyncadd.s32 $0xFFFFFF80;
	p0 =	sne.s32 s14, $0x18E00  }
0x23: {  	[spmem:s2] =	stream.indirect.scatter.add.f32 [tilespmem:s12], [sflag:$0x1], $0x1, s15, s11, $0xb8;
	[tilespmem:$0x7100] =	vst v63  }
.Ltmp0:
0x24: {  	_ = 	snop;
	(pc) =	sbr.rel @p0 .LBB2_2-.Ltmp0, $4  }
0x25: {  	_ = 	snop  }
0x26: {  	s14 =	sadd.s32 $0x200, s14  }
0x27: {  	_ =	swait.ge [sflag:s10], $0x80  }
0x28: {  	[sflag:s10] =	ssyncset.done $0x0  }
0x29: {  	s13 =	sadd.s32 $0x1, s13  }
0x2a: {  	[sflag:s10] =	ssyncadd.s32 $0xFFFFFF80;
	p0 =	sne.s32 s13, s8  }
.Ltmp1:
0x2b: {  	[bflag:$0x0] =	sbarrier.arrive $0xFFFF;
	(pc) =	sbr.rel @p0 .LBB2_1-.Ltmp1, $4  }
0x2c: {  	[hbm:s7], [sflag:s5] =	dma.local [spmem:s9], $0x190  }
0x2d: {  	_ =	swait.ge [sflag:s10], $0x190  }
0x2e: {  	[sflag:s10] =	ssyncset.done $0x0  }
0x2f: {  	[sflag:s10] =	ssyncadd.s32 $0xFFFFFE70  }
0x30: {  	_ =	sfence.sel $0x180000  }
0x31: {  	[bflag:$0x0] =	sbarrier.arrive $0xFFFF  }
0x32: {  	p0 =	sne.s32 s1, $0x0;
	_ =	strace $0x90000047  }
0x33: {  	s0 =	sadd.s32 @!p0 $0x100000, s0;
	[bflag:$0x2] =	sbarrier.arrive $0xFFFF  }
0x34: {  	[sflag:s0] =	ssyncadd.tile.s32 @!p0 $0x1;
	_ =	shalt  }
.Lfunc_end2:
_tile_overlayer_lowered:
.L_overlay_start_2:
0x35: {  	(tag) =	ssettag $0x2  }
0x36: {  	s0 =	rddreg [dreg:$0x0];
	s2 =	stileid.u32  }
0x37: {  	s1 =	rddreg [dreg:$0x1];
	p0 =	sne.s32 s2, $0x0  }
0x38: {  	s3 =	rddreg [dreg:$0x2];
	[bflag:$0x3] =	sbarrier.arrive $0xFFFF;
	s2 =	simm.s32 @!p0 $0x1C01  }
0x39: {  	[timem:s3], [sflag:s2] =	dma.local @!p0 [hbm:s0], s1  }
0x3a: {  	s0 =	simm.s32 @!p0 $0x1  }
0x3b: {  	_ =	swait.ge @!p0 [sflag:s0], s1  }
0x3c: {  	s1 =	ssub.s32 @!p0 $0x0, s1;
	[sflag:s0] =	ssyncset.done @!p0 $0x0  }
0x3d: {  	[sflag:s0] =	ssyncadd.s32 @!p0 s1  }
0x3e: {  	[bflag:$0x3] =	sbarrier.arrive $0xFFFF  }
0x3f: {  	_ =	shalt  }

// kernel: kernel.23.cloned.1.call-start
scs
__scs_entry_jumppad:
0x0: {  	(pc) =	sbr.rel $0x88, $3  }
0x1: {  	(tag) =	ssettag $0x0;
	lr =	simm.s32 $0x1  }
0x2: {  	[smem:$0x3F90] =	sst lr;
	_ =	strace $0xD0000000  }
0x3: {  	_ = 	snop  }
0x4: {  	_ = 	snop  }
0x5: {  	_ = 	snop  }
0x6: {  	_ = 	snop  }
0x7: {  	_ = 	snop  }
__scs_overlays_trampoline_lowered:
0x8: {  	[smem:$0x3F9F] =	sst s0  }
0x9: {  	[smem:$0x3FA0] =	sst s1  }
0xa: {  	[smem:$0x3FA1] =	sst s2  }
0xb: {  	[smem:$0x3FA2] =	sst s3  }
0xc: {  	[smem:$0x3FA3] =	sst s4  }
0xd: {  	[smem:$0x3FA4] =	sst s5  }
0xe: {  	[smem:$0x3FA5] =	sst s6  }
0xf: {  	[smem:$0x3FA6] =	sst s7  }
0x10: {  	[smem:$0x3FA7] =	sst s8  }
0x11: {  	[smem:$0x3FA8] =	sst s9;
	s0 =	simm.s32 @!p0 $0x0  }
0x12: {  	s1 =	sld [smem:$0x3F8E];
	s0 =	simm.s32 @p0 $0x1  }
0x13: {  	[smem:$0x3FA9] =	sst s0;
	s0 =	simm.s32 @!p1 $0x0  }
0x14: {  	s2 =	sld [smem:$0x3F8D];
	s0 =	simm.s32 @p1 $0x1  }
0x15: {  	[smem:$0x3FAA] =	sst s0;
	s0 =	simm.s32 @!p2 $0x0  }
0x16: {  	s3 =	sld [smem:$0x3FDB];
	s0 =	simm.s32 @p2 $0x1  }
0x17: {  	s4 =	simm.s32 $0x1BF5;
	[smem:$0x3FAC] =	sst s0  }
0x18: {  	s0 =	sld [smem:$0x3F8F];
	_ =	swait.ge [sflag:s4], $0x0  }
0x19: {  	s7 =	sld [smem:$0x3F90]  }
0x1a: {  	s8 =	sadd.s32 $0xFFFFE003, lr  }
0x1b: {  	s9 =	sadd.s32 $0xFFFFFEF7, lr;
	s5 =	simm.s32 $0xFFFFFFFF;
	p2 =	slt.u32 s8, $0xFFFFF086  }
0x1c: {  	p1 =	slt.u32 s9, $0xF7A;
	s5 =	simm.s32 @!p2 $0x0  }
0x1d: {  	s5 =	simm.s32 @p1 $0x1;
	p0 =	seq.s32 s7, s2  }
0x1e: {  	s7 =	smul.u32 @!p0 $0xF7A, s2;
	p2 =	seq.s32 @!p0 s5, $0x0  }
0x1f: {  	s9 =	smul.u32 $0xF7A, s1;
	s8 =	simm.s32 @!p0 $0x1BF5;
	p2 =	por !p2, p0  }
0x20: {  	[sflag:s8] =	ssyncset.s32 @!p0 $0xFFFFF086;
	s6 =	sadd.s32 @!p0 s3, s7;
	s7 =	simm.s32 @!p0 $0x108  }
0x21: {  	s3 =	sadd.s32 s3, s9;
	s6 =	sadd.s32 @!p0 $0x88, s6;
	s7 =	simm.s32 @p2 $0x1082  }
0x22: {  	[simem:s7], [sflag:s8] =	dma.local @!p0 [hbm:s6], $0xF7A  }
0x23: {  	s9 =	sor.u32 $0xD0000000, s2;
	s6 =	simm.s32 $0x108;
	_ =	swait.ge @!p0 [sflag:s8], $0x0  }
0x24: {  	s3 =	sadd.s32 $0x88, s3;
	s6 =	simm.s32 @!p1 $0x1082;
	[sflag:s4] =	ssyncset.s32 $0xFFFFF086  }
0x25: {  	[simem:s6], [sflag:s4] =	dma.local [hbm:s3], $0xF7A  }
0x26: {  	[smem:$0x3F90] =	sst s1;
	(tag) =	ssettag s2;
	_ =	strace s9  }
0x27: {  	s1 =	sld [smem:$0x3FA0]  }
0x28: {  	s2 =	sld [smem:$0x3FA1]  }
0x29: {  	s4 =	sld [smem:$0x3FA3]  }
0x2a: {  	p0 =	seq.s32 s5, $0x0;
	s5 =	sld [smem:$0x3FA4]  }
0x2b: {  	s6 =	sld [smem:$0x3FA5]  }
0x2c: {  	s7 =	sld [smem:$0x3FA6]  }
0x2d: {  	s3 =	simm.s32 $0x108;
	s8 =	sld [smem:$0x3FA7]  }
0x2e: {  	s3 =	simm.s32 @!p0 $0x1082;
	s9 =	sld [smem:$0x3FA8]  }
0x2f: {  	lr =	sadd.s32 s0, s3;
	s0 =	sld [smem:$0x3F9F]  }
0x30: {  	s3 =	sld [smem:$0x3FA2]  }
0x31: {  	[smem:$0x3FAB] =	sst s10  }
0x32: {  	s10 =	sld [smem:$0x3FA9];
	_ =	sdelay $0x3  }
0x33: {  	p0 =	seq.s32 s10, $0x1;
	s10 =	sld [smem:$0x3FAB];
	_ =	sdelay $0x3  }
0x34: {  	[smem:$0x3FAB] =	sst s10  }
0x35: {  	s10 =	sld [smem:$0x3FAA];
	_ =	sdelay $0x3  }
0x36: {  	p1 =	seq.s32 s10, $0x1;
	s10 =	sld [smem:$0x3FAB];
	_ =	sdelay $0x3  }
0x37: {  	[smem:$0x3FAB] =	sst s10  }
0x38: {  	s10 =	sld [smem:$0x3FAC]  }
0x39: {  	_ = 	snop;
	(pc) =	sbr.ind lr, $3  }
0x3a: {  	_ = 	snop  }
0x3b: {  	_ = 	snop  }
0x3c: {  	p2 =	seq.s32 s10, $0x1;
	s10 =	sld [smem:$0x3FAB]  }
0x3d: {  	_ =	shalt  }
0x3e: {  	_ =	shalt  }
0x3f: {  	_ =	shalt  }
0x40: {  	_ =	shalt  }
0x41: {  	_ =	shalt  }
0x42: {  	_ =	shalt  }
0x43: {  	_ =	shalt  }
0x44: {  	_ =	shalt  }
0x45: {  	_ =	shalt  }
0x46: {  	_ =	shalt  }
0x47: {  	_ =	shalt  }
0x48: {  	_ =	shalt  }
0x49: {  	_ =	shalt  }
0x4a: {  	_ =	shalt  }
0x4b: {  	_ =	shalt  }
0x4c: {  	_ =	shalt  }
0x4d: {  	_ =	shalt  }
0x4e: {  	_ =	shalt  }
0x4f: {  	_ =	shalt  }
0x50: {  	_ =	shalt  }
0x51: {  	_ =	shalt  }
0x52: {  	_ =	shalt  }
0x53: {  	_ =	shalt  }
0x54: {  	_ =	shalt  }
0x55: {  	_ =	shalt  }
0x56: {  	_ =	shalt  }
0x57: {  	_ =	shalt  }
0x58: {  	_ =	shalt  }
0x59: {  	_ =	shalt  }
0x5a: {  	_ =	shalt  }
0x5b: {  	_ =	shalt  }
0x5c: {  	_ =	shalt  }
0x5d: {  	_ =	shalt  }
0x5e: {  	_ =	shalt  }
0x5f: {  	_ =	shalt  }
0x60: {  	_ =	shalt  }
0x61: {  	_ =	shalt  }
0x62: {  	_ =	shalt  }
0x63: {  	_ =	shalt  }
0x64: {  	_ =	shalt  }
0x65: {  	_ =	shalt  }
0x66: {  	_ =	shalt  }
0x67: {  	_ =	shalt  }
0x68: {  	_ =	shalt  }
0x69: {  	_ =	shalt  }
0x6a: {  	_ =	shalt  }
0x6b: {  	_ =	shalt  }
0x6c: {  	_ =	shalt  }
0x6d: {  	_ =	shalt  }
0x6e: {  	_ =	shalt  }
0x6f: {  	_ =	shalt  }
0x70: {  	_ =	shalt  }
0x71: {  	_ =	shalt  }
0x72: {  	_ =	shalt  }
0x73: {  	_ =	shalt  }
0x74: {  	_ =	shalt  }
0x75: {  	_ =	shalt  }
0x76: {  	_ =	shalt  }
0x77: {  	_ =	shalt  }
0x78: {  	_ =	shalt  }
0x79: {  	_ =	shalt  }
0x7a: {  	_ =	shalt  }
0x7b: {  	_ =	shalt  }
0x7c: {  	_ =	shalt  }
0x7d: {  	_ =	shalt  }
0x7e: {  	_ =	shalt  }
0x7f: {  	_ =	shalt  }
0x80: {  	_ =	shalt  }
0x81: {  	_ =	shalt  }
0x82: {  	_ =	shalt  }
0x83: {  	_ =	shalt  }
0x84: {  	_ =	shalt  }
0x85: {  	_ =	shalt  }
0x86: {  	_ =	shalt  }
0x87: {  	_ =	shalt  }
.Lfunc_end0:
.L_simem_size_0:
called_computation.1_lowered:
.L_overlay_start_0:
0x88: {  	s2 =	sld [smem:$0x3FD9]  }
0x89: {  	s3 =	sld [smem:$0x3FFE];
	_ =	sdelay $0x1  }
0x8a: {  	s1 =	srdreg.scid  }
0x8b: {  	s0 =	sand.u32 $0x1, s1  }
0x8c: {  	s16 =	sshll.u32 s0, $0xA;
	s2 =	sadd.s32 s3, s2  }
0x8d: {  	s2 =	sadd.s32 s2, s16  }
0x8e: {  	[smem:$0x3FB7] =	sst s2  }
0x8f: {  	_ = 	snop  }
0x90: {  	(tm) =	ssettm $0x1  }
0x91: {  	s17 =	sld [smem:$0x3FFB];
	_ =	sdelay $0x3  }
0x92: {  	_ =	strace s17  }
0x93: {  	s2 =	sld [smem:$0x3FFC];
	_ =	sdelay $0x3  }
0x94: {  	_ =	strace s2  }
0x95: {  	s2 =	sld [smem:$0x3FFD];
	_ =	sdelay $0x3  }
0x96: {  	_ =	strace s2  }
0x97: {  	_ =	strace $0x8FFFFFFF  }
0x98: {  	s18 =	sld [smem:$0x3FDB];
	_ =	sdelay $0x1  }
0x99: {  	s19 =	simm.s32 $_scs_section_size  }
0x9a: {  	s4 =	simm.s32 $_size__tile_overlayer_lowered;
	s5 =	simm.s32 $_tile_overlayer_lowered  }
0x9b: {  	s22 =	simm.s32 $0x1BFF;
	s21 =	sshll.u32 s5, $0x1;
	s2 =	sadd.s32 s19, s18  }
0x9c: {  	s6 =	simm.s32 $0x0;
	s20 =	sshll.u32 s4, $0x1;
	s4 =	sadd.s32 s21, s2  }
0x9d: {  	[timem:s6], [sflag:s22] =	dma.local [hbm:s4], s20  }
0x9e: {  	_ =	swait.ge [sflag:s22], s20  }
0x9f: {  	s3 =	ssub.s32 $0x0, s20;
	[sflag:s22] =	ssyncset.done $0x0  }
0xa0: {  	[sflag:s22] =	ssyncadd.s32 s3;
	_ =	sdelay $0x1  }
0xa1: {  	s23 =	simm.s32 $0x1B8B  }
0xa2: {  	_ =	swait.ge [sflag:s23], $0x1  }
0xa3: {  	[sflag:s23] =	ssyncset.done $0x0  }
0xa4: {  	s25 =	simm.s32 $0x1B8E;
	s24 =	sld [smem:$0x3FFE];
	[sflag:s23] =	ssyncadd.s32 $0xFFFFFFFF  }
0xa5: {  	s26 =	simm.s32 $execute0_lowered;
	[smem:$0x3FD2] =	sst s25  }
0xa6: {  	s4 =	sshll.u32 s26, $0x1;
	_ =	strace $0x80000049;
	[dreg:$0x1] =	wrdreg $0xFFFFFFFF  }
0xa7: {  	s28 =	simm.s32 $_size_execute0_lowered;
	s2 =	sadd.s32 s2, s4;
	[dreg:$0x0] =	wrdreg $0x0  }
0xa8: {  	s4 =	sshll.u32 s28, $0x1;
	[dreg:$0x2] =	wrdreg s2  }
0xa9: {  	[dreg:$0x3] =	wrdreg s4  }
0xaa: {  	[dreg:$0x4] =	wrdreg $0xC0  }
0xab: {  	_ =	task [dreg:s6], $0x5FFFF  }
0xac: {  	[dreg:$0x1] =	wrdreg $0xFFFFFFFF  }
0xad: {  	[dreg:$0x0] =	wrdreg $0x60  }
0xae: {  	[dreg:$0x2] =	wrdreg s24  }
0xaf: {  	[dreg:$0x3] =	wrdreg $0x34000  }
0xb0: {  	[dreg:$0x4] =	wrdreg $0x9  }
0xb1: {  	_ =	task.clear_ibuf [dreg:s6], $0x5FFFF;
	_ =	strace $0x90000049  }
0xb2: {  	s29 =	simm.s32 $0x9;
	_ =	strace $0x8000004B  }
0xb3: {  	_ =	swait.ge [sflag:s29], $0x1  }
0xb4: {  	[sflag:s29] =	ssyncadd.s32 $0xFFFFFFFF  }
0xb5: {  	_ =	strace $0x9000004B  }
0xb6: {  	_ =	sfence  }
0xb7: {  	s30 =	sld [smem:$0x0];
	_ =	sdelay $0x2  }
0xb8: {  	s31 =	sshll.u32 s1, $0xD;
	s1 =	sshrl.u32 s1, $0x2  }
0xb9: {  	s3 =	sand.u32 $0x4000, s31;
	s1 =	sadd.s32 s1, s30  }
0xba: {  	s0 =	sor.u32 s3, s0;
	s1 =	sshll.u32 s1, $0x11  }
0xbb: {  	s0 =	sor.u32 s1, s0  }
0xbc: {  	s0 =	sadd.s32 $0x8F2B, s0  }
0xbd: {  	[sflag:s0] =	ssyncadd.remote.s32 $0x1  }
0xbe: {  	_ =	sfence.sel $0xFFFF  }
0xbf: {  	[dreg:$0x0] =	wrdreg $0xFFFFFFFF;
	(pc) =	sbr.abs _section_cstart, $3  }
0xc0: {  	[dreg:$0x1] =	wrdreg $0xFFFFFFFF  }
0xc1: {  	_ =	task.clear_ibuf [dreg:s6], $0x2FFFF;
	_ =	strace $0x9FFFFFFF  }
0xc2: {  	(tm) =	ssettm $0x7FFFFFFF  }
0xc3: {  	_ =	shalt  }
tec
execute0_lowered:
.L_overlay_start_1:
0x0: {  	(tag) =	ssettag $0x1  }
0x1: {  	s8 =	rddreg [dreg:$0x0]  }
0x2: {  	s2 =	rddreg [dreg:$0x1]  }
0x3: {  	s0 =	rddreg [dreg:$0x2];
	s4 =	srdreg.scid  }
0x4: {  	s1 =	stileid.u32;
	s3 =	simm.s32 $0x0;
	s14 =	simm.s32 $0x800  }
0x5: {  	s16 =	simm.s32 $0x1000;
	s17 =	simm.s32 $0x1;
	s9 =	sand.u32 $0x1, s4  }
0x6: {  	s10 =	smul.u32 $0x1CB00, s1;
	[smem:$0x7FF] =	sst s3;
	s4 =	sadd.s32 $0x37000, s8  }
0x7: {  	s5 =	sadd.s32 $0x1E000, s8;
	s6 =	sadd.s32 $0x5000, s8;
	s7 =	smul.u32 $0x1CB000, s9  }
0x8: {  	s30 =	sshll.u32 s1, $0x6;
	s12 =	ssub.s32 $0x2, s9;
	s15 =	smul.u32 $0x61A8, s9  }
0x9: {  	_ =	strace $0x8000004A;
	s9 =	smul.u32 $0xC800, s1;
	s13 =	sshrl.u32 s12, $0x1  }
0xa: {  	s31 =	sadd.s32 s10, s2;
	s11 =	sadd.s32 s10, s7;
	s7 =	sadd.s32 $0xA4E00, s8  }
0xb: {  	s12 =	ssub.s32 s12, s13;
	s13 =	simm.s32 $0x2;
	s11 =	sshrl.u32 s11, $0x3  }
0xc: {  	v0 =	vmov s15;
	s15 =	simm.s32 $0x80;
	s11 =	sadd.s32 s11, s8;
	s8 =	sor.u32 $0x1C02, s30  }
0xd: {  	s10 =	sadd.s32 $0x284C00, s11;
	s11 =	smax.u32 s12, $0x1;
	s12 =	sshrl.u32 s31, $0x3  }
.LBB2_1:
0xe: {  	[spmem:s12], [sflag:s8] =	dma.local [hbm:s7], $0x3960  }
0xf: {  	_ =	swait.ge [sflag:s13], $0x3960  }
0x10: {  	[sflag:s13] =	ssyncset.done $0x0  }
0x11: {  	[sflag:s13] =	ssyncadd.s32 $0xFFFFC6A0  }
0x12: {  	s18 =	simm.s32 $0x0;
	[bflag:$0x0] =	sbarrier.arrive $0xFFFF  }
.LBB2_2:
0x13: {  	s19 =	sshll.u32 s18, $0xB  }
0x14: {  	s19 =	sadd.s32 s9, s19  }
0x15: {  	s19 =	sshrl.u32 s19, $0x3  }
0x16: {  	s21 =	simm.s32 $0x0;
	s20 =	sadd.s32 s5, s19  }
0x17: {  	[tilespmem:s21], [sflag:$0x2] =	stream.linear.gather [hbm4b:s20+s21], $0x800, $0x38;
	[tilespmem:$0x1FF00] =	vst v63  }
0x18: {  	_ =	swait.ge [sflag:s13], $0x800  }
0x19: {  	[sflag:s13] =	ssyncset.done $0x0  }
0x1a: {  	s19 =	sadd.s32 s6, s19;
	[sflag:s13] =	ssyncadd.s32 $0xFFFFF800  }
0x1b: {  	[tilespmem:s14], [sflag:$0x2] =	stream.linear.gather [hbm4b:s19+s21], $0x800, $0x38;
	[tilespmem:$0x1FF00] =	vst v63  }
0x1c: {  	_ =	swait.ge [sflag:s13], $0x800  }
0x1d: {  	[sflag:s13] =	ssyncset.done $0x0  }
0x1e: {  	s19 =	simm.s32 $0x0;
	[sflag:s13] =	ssyncadd.s32 $0xFFFFF800  }
0x1f: {  	v2 =	vld [tilespmem:s19+$0x870]  }
0x20: {  	v3 =	vld [tilespmem:s19+$0x860]  }
0x21: {  	v4 =	vld [tilespmem:s19+$0x820]  }
0x22: {  	v5 =	vld [tilespmem:s19+$0x800]  }
0x23: {  	v6 =	vld [tilespmem:s19+$0x810];
	_ =	sdelay $0x2  }
0x24: {  	v1 =	vsub.s32 v2, v0;
	v2 =	vand.u32 $0x3FF, v2  }
0x25: {  	v7 =	vsub.s32 v3, v0;
	v3 =	vand.u32 $0x3FF, v3;
	v8 =	vand.u32 $0x3FF, v4  }
0x26: {  	v9 =	vld [tilespmem:s19+$0x840];
	v11 =	vsub.s32 v5, v0;
	v12 =	vsub.s32 v6, v0;
	v6 =	vand.u32 $0x3FF, v6  }
0x27: {  	v10 =	vld [tilespmem:s19+$0x830];
	v5 =	vand.u32 $0x3FF, v5;
	v4 =	vsub.s32 v4, v0;
	vm0 =	vlt.u32 v1, $0x61A8  }
0x28: {  	vm1 =	vlt.u32 v7, $0x61A8;
	v3 =	vadd.s32 $0x61C0, v3;
	v8 =	vadd.s32 $0x61C0, v8  }
0x29: {  	vm2 =	vlt.u32 v12, $0x61A8;
	v5 =	vadd.s32 $0x61C0, v5;
	v7 =	vsel vm1, v7, v3;
	v3 =	vld [tilespmem:s19+$0x850]  }
0x2a: {  	v6 =	vadd.s32 $0x61C0, v6;
	vm3 =	vlt.u32 v4, $0x61A8;
	vm1 =	vlt.u32 v11, $0x61A8  }
0x2b: {  	[tilespmem:s19+$0x860] =	vst v7;
	v7 =	vsel vm1, v11, v5;
	v5 =	vsel vm2, v12, v6;
	v6 =	vand.u32 $0x3FF, v9  }
0x2c: {  	[tilespmem:s19+$0x810] =	vst v5;
	v5 =	vsel vm3, v4, v8;
	v8 =	vand.u32 $0x3FF, v10;
	v4 =	vadd.s32 $0x61C0, v6  }
0x2d: {  	v6 =	vsub.s32 v9, v0;
	[tilespmem:s19+$0x820] =	vst v5;
	v5 =	vsub.s32 v10, v0;
	v8 =	vadd.s32 $0x61C0, v8  }
0x2e: {  	s20 =	simm.s32 $0x200;
	[tilespmem:s19+$0x800] =	vst v7;
	vm1 =	vlt.u32 v6, $0x61A8;
	vm2 =	vlt.u32 v5, $0x61A8;
	v7 =	vand.u32 $0x3FF, v3  }
.LBB2_3:
0x2f: {  	p0 =	sne.s32 s20, $0x1E00;
	v5 =	vsel vm2, v5, v8;
	v4 =	vsel vm1, v6, v4;
	v3 =	vsub.s32 v3, v0;
	s21 =	smov.u32 s20;
	s20 =	sadd.s32 $0x200, s20  }
0x30: {  	v2 =	vadd.s32 $0x61C0, v2;
	[tilespmem:s19+$0x830] =	vst v5;
	vm1 =	vlt.u32 v3, $0x61A8;
	v5 =	vadd.s32 $0x61C0, v7  }
0x31: {  	v1 =	vsel vm0, v1, v2;
	[tilespmem:s19+$0x840] =	vst v4;
	v3 =	vsel vm1, v3, v5  }
0x32: {  	[tilespmem:s19+$0x850] =	vst v3  }
0x33: {  	[tilespmem:s19+$0x870] =	vst v1  }
0x34: {  	[tilespmem:s16], [sflag:$0x1] =	stream.indirect.gather [hbm4b:s4+s15], $0x48, s19, s15, $0xb8;
	[tilespmem:$0x1FF00] =	vst v63  }
0x35: {  	_ =	swait.ge [sflag:s17], $0x2400  }
0x36: {  	s19 =	sadd.s32 $0x800, s19;
	[sflag:s17] =	ssyncset.done $0x0  }
0x37: {  	[sflag:s17] =	ssyncadd.s32 $0xFFFFDC00  }
0x38: {  	[spmem:s2] =	stream.indirect.scatter.add.f32 [tilespmem:s16], [sflag:$0x2], $0x48, s19, s15, $0xb8;
	[tilespmem:$0x1FF00] =	vst v63  }
0x39: {  	_ =	swait.ge [sflag:s13], $0x2400  }
0x3a: {  	[sflag:s13] =	ssyncset.done $0x0  }
0x3b: {  	s19 =	sshra.s32 s21, $0x2;
	[sflag:s13] =	ssyncadd.s32 $0xFFFFDC00  }
0x3c: {  	v2 =	vld [tilespmem:s19+$0x870]  }
0x3d: {  	v3 =	vld [tilespmem:s19+$0x860]  }
0x3e: {  	v4 =	vld [tilespmem:s19+$0x820]  }
0x3f: {  	v5 =	vld [tilespmem:s19+$0x800]  }
0x40: {  	v6 =	vld [tilespmem:s19+$0x810]  }
0x41: {  	v1 =	vsub.s32 v2, v0;
	v2 =	vand.u32 $0x3FF, v2  }
0x42: {  	v7 =	vld [tilespmem:s19+$0x830];
	v8 =	vsub.s32 v3, v0;
	v3 =	vand.u32 $0x3FF, v3;
	vm0 =	vlt.u32 v1, $0x61A8  }
0x43: {  	v9 =	vand.u32 $0x3FF, v4;
	v10 =	vld [tilespmem:s19+$0x840];
	vm1 =	vlt.u32 v8, $0x61A8;
	v3 =	vadd.s32 $0x61C0, v3  }
0x44: {  	v11 =	vsub.s32 v5, v0;
	v9 =	vadd.s32 $0x61C0, v9;
	v8 =	vsel vm1, v8, v3  }
0x45: {  	vm1 =	vlt.u32 v11, $0x61A8;
	v12 =	vsub.s32 v6, v0;
	v6 =	vand.u32 $0x3FF, v6;
	v3 =	vld [tilespmem:s19+$0x850];
	[tilespmem:s19+$0x860] =	vst v8  }
0x46: {  	v4 =	vsub.s32 v4, v0;
	v5 =	vand.u32 $0x3FF, v5;
	vm2 =	vlt.u32 v12, $0x61A8  }
.Ltmp0:
0x47: {  	vm3 =	vlt.u32 v4, $0x61A8;
	v5 =	vadd.s32 $0x61C0, v5;
	v6 =	vadd.s32 $0x61C0, v6;
	(pc) =	sbr.rel @p0 .LBB2_3-.Ltmp0, $4  }
0x48: {  	v11 =	vsel vm1, v11, v5;
	v5 =	vsel vm2, v12, v6;
	v6 =	vand.u32 $0x3FF, v10  }
0x49: {  	v8 =	vand.u32 $0x3FF, v7;
	[tilespmem:s19+$0x810] =	vst v5;
	v5 =	vsel vm3, v4, v9;
	v4 =	vadd.s32 $0x61C0, v6  }
0x4a: {  	v8 =	vadd.s32 $0x61C0, v8;
	v6 =	vsub.s32 v10, v0;
	[tilespmem:s19+$0x820] =	vst v5;
	v5 =	vsub.s32 v7, v0  }
0x4b: {  	vm1 =	vlt.u32 v6, $0x61A8;
	v7 =	vand.u32 $0x3FF, v3;
	[tilespmem:s19+$0x800] =	vst v11;
	vm2 =	vlt.u32 v5, $0x61A8  }
0x4c: {  	v5 =	vsel vm2, v5, v8  }
0x4d: {  	v3 =	vsub.s32 v3, v0;
	v4 =	vsel vm1, v6, v4;
	v2 =	vadd.s32 $0x61C0, v2;
	[tilespmem:s19+$0x830] =	vst v5  }
0x4e: {  	v63 =	vadd.s32 $0x61C0, v7;
	vm15 =	vlt.u32 v3, $0x61A8;
	[tilespmem:s19+$0x840] =	vst v4;
	v1 =	vsel vm0, v1, v2  }
0x4f: {  	v3 =	vsel vm15, v3, v63;
	[tilespmem:s19+$0x870] =	vst v1  }
0x50: {  	[tilespmem:s19+$0x850] =	vst v3  }
0x51: {  	[tilespmem:s16], [sflag:$0x1] =	stream.indirect.gather [hbm4b:s4+s15], $0x48, s19, s15, $0xb8;
	[tilespmem:$0x1FF00] =	vst v63  }
0x52: {  	s18 =	sadd.s32 $0x1, s18;
	_ =	swait.ge [sflag:s17], $0x2400  }
0x53: {  	p0 =	sne.s32 s18, $0x19;
	[sflag:s17] =	ssyncset.done $0x0  }
.Ltmp1:
0x54: {  	s31 =	sadd.s32 $0x800, s19;
	[sflag:s17] =	ssyncadd.s32 $0xFFFFDC00;
	(pc) =	sbr.rel @p0 .LBB2_2-.Ltmp1, $4  }
0x55: {  	[spmem:s2] =	stream.indirect.scatter.add.f32 [tilespmem:s16], [sflag:$0x2], $0x48, s31, s15, $0xb8;
	[tilespmem:$0x1FF00] =	vst v63  }
0x56: {  	_ =	swait.ge [sflag:s13], $0x2400  }
0x57: {  	[sflag:s13] =	ssyncset.done $0x0  }
0x58: {  	[sflag:s13] =	ssyncadd.s32 $0xFFFFDC00  }
0x59: {  	s3 =	sadd.s32 $0x1, s3  }
0x5a: {  	p0 =	sne.s32 s3, s11  }
.Ltmp2:
0x5b: {  	[bflag:$0x0] =	sbarrier.arrive $0xFFFF;
	(pc) =	sbr.rel @p0 .LBB2_1-.Ltmp2, $4  }
0x5c: {  	[hbm:s10], [sflag:s8] =	dma.local [spmem:s12], $0x3960  }
0x5d: {  	_ =	swait.ge [sflag:s13], $0x3960  }
0x5e: {  	[sflag:s13] =	ssyncset.done $0x0  }
0x5f: {  	[sflag:s13] =	ssyncadd.s32 $0xFFFFC6A0  }
0x60: {  	_ =	sfence.sel $0x180000  }
0x61: {  	[bflag:$0x0] =	sbarrier.arrive $0xFFFF  }
0x62: {  	p0 =	sne.s32 s1, $0x0;
	_ =	strace $0x9000004A  }
0x63: {  	s0 =	sadd.s32 @!p0 $0x100000, s0;
	[bflag:$0x2] =	sbarrier.arrive $0xFFFF  }
0x64: {  	[sflag:s0] =	ssyncadd.tile.s32 @!p0 $0x1;
	_ =	shalt  }
.Lfunc_end2:
_tile_overlayer_lowered:
.L_overlay_start_2:
0x65: {  	(tag) =	ssettag $0x2  }
0x66: {  	s0 =	rddreg [dreg:$0x0];
	s2 =	stileid.u32  }
0x67: {  	s1 =	rddreg [dreg:$0x1];
	p0 =	sne.s32 s2, $0x0  }
0x68: {  	s3 =	rddreg [dreg:$0x2];
	[bflag:$0x3] =	sbarrier.arrive $0xFFFF;
	s2 =	simm.s32 @!p0 $0x1C02  }
0x69: {  	[timem:s3], [sflag:s2] =	dma.local @!p0 [hbm:s0], s1  }
0x6a: {  	s0 =	simm.s32 @!p0 $0x2  }
0x6b: {  	_ =	swait.ge @!p0 [sflag:s0], s1  }
0x6c: {  	s1 =	ssub.s32 @!p0 $0x0, s1;
	[sflag:s0] =	ssyncset.done @!p0 $0x0  }
0x6d: {  	[sflag:s0] =	ssyncadd.s32 @!p0 s1  }
0x6e: {  	[bflag:$0x3] =	sbarrier.arrive $0xFFFF  }
0x6f: {  	_ =	shalt  }

// kernel: kernel.26.cloned.1.call-start
scs
__scs_entry_jumppad:
0x0: {  	(pc) =	sbr.rel $0x88, $3  }
0x1: {  	(tag) =	ssettag $0x0;
	lr =	simm.s32 $0x1  }
0x2: {  	[smem:$0x3F90] =	sst lr;
	_ =	strace $0xD0000000  }
0x3: {  	_ = 	snop  }
0x4: {  	_ = 	snop  }
0x5: {  	_ = 	snop  }
0x6: {  	_ = 	snop  }
0x7: {  	_ = 	snop  }
__scs_overlays_trampoline_lowered:
0x8: {  	[smem:$0x3F9F] =	sst s0  }
0x9: {  	[smem:$0x3FA0] =	sst s1  }
0xa: {  	[smem:$0x3FA1] =	sst s2  }
0xb: {  	[smem:$0x3FA2] =	sst s3  }
0xc: {  	[smem:$0x3FA3] =	sst s4  }
0xd: {  	[smem:$0x3FA4] =	sst s5  }
0xe: {  	[smem:$0x3FA5] =	sst s6  }
0xf: {  	[smem:$0x3FA6] =	sst s7  }
0x10: {  	[smem:$0x3FA7] =	sst s8  }
0x11: {  	[smem:$0x3FA8] =	sst s9;
	s0 =	simm.s32 @!p0 $0x0  }
0x12: {  	s1 =	sld [smem:$0x3F8E];
	s0 =	simm.s32 @p0 $0x1  }
0x13: {  	[smem:$0x3FA9] =	sst s0;
	s0 =	simm.s32 @!p1 $0x0  }
0x14: {  	s2 =	sld [smem:$0x3F8D];
	s0 =	simm.s32 @p1 $0x1  }
0x15: {  	[smem:$0x3FAA] =	sst s0;
	s0 =	simm.s32 @!p2 $0x0  }
0x16: {  	s3 =	sld [smem:$0x3FDB];
	s0 =	simm.s32 @p2 $0x1  }
0x17: {  	s4 =	simm.s32 $0x1BF5;
	[smem:$0x3FAC] =	sst s0  }
0x18: {  	s0 =	sld [smem:$0x3F8F];
	_ =	swait.ge [sflag:s4], $0x0  }
0x19: {  	s7 =	sld [smem:$0x3F90]  }
0x1a: {  	s8 =	sadd.s32 $0xFFFFE003, lr  }
0x1b: {  	s9 =	sadd.s32 $0xFFFFFEF7, lr;
	s5 =	simm.s32 $0xFFFFFFFF;
	p2 =	slt.u32 s8, $0xFFFFF086  }
0x1c: {  	p1 =	slt.u32 s9, $0xF7A;
	s5 =	simm.s32 @!p2 $0x0  }
0x1d: {  	s5 =	simm.s32 @p1 $0x1;
	p0 =	seq.s32 s7, s2  }
0x1e: {  	s7 =	smul.u32 @!p0 $0xF7A, s2;
	p2 =	seq.s32 @!p0 s5, $0x0  }
0x1f: {  	s9 =	smul.u32 $0xF7A, s1;
	s8 =	simm.s32 @!p0 $0x1BF5;
	p2 =	por !p2, p0  }
0x20: {  	[sflag:s8] =	ssyncset.s32 @!p0 $0xFFFFF086;
	s6 =	sadd.s32 @!p0 s3, s7;
	s7 =	simm.s32 @!p0 $0x108  }
0x21: {  	s3 =	sadd.s32 s3, s9;
	s6 =	sadd.s32 @!p0 $0x88, s6;
	s7 =	simm.s32 @p2 $0x1082  }
0x22: {  	[simem:s7], [sflag:s8] =	dma.local @!p0 [hbm:s6], $0xF7A  }
0x23: {  	s9 =	sor.u32 $0xD0000000, s2;
	s6 =	simm.s32 $0x108;
	_ =	swait.ge @!p0 [sflag:s8], $0x0  }
0x24: {  	s3 =	sadd.s32 $0x88, s3;
	s6 =	simm.s32 @!p1 $0x1082;
	[sflag:s4] =	ssyncset.s32 $0xFFFFF086  }
0x25: {  	[simem:s6], [sflag:s4] =	dma.local [hbm:s3], $0xF7A  }
0x26: {  	[smem:$0x3F90] =	sst s1;
	(tag) =	ssettag s2;
	_ =	strace s9  }
0x27: {  	s1 =	sld [smem:$0x3FA0]  }
0x28: {  	s2 =	sld [smem:$0x3FA1]  }
0x29: {  	s4 =	sld [smem:$0x3FA3]  }
0x2a: {  	p0 =	seq.s32 s5, $0x0;
	s5 =	sld [smem:$0x3FA4]  }
0x2b: {  	s6 =	sld [smem:$0x3FA5]  }
0x2c: {  	s7 =	sld [smem:$0x3FA6]  }
0x2d: {  	s3 =	simm.s32 $0x108;
	s8 =	sld [smem:$0x3FA7]  }
0x2e: {  	s3 =	simm.s32 @!p0 $0x1082;
	s9 =	sld [smem:$0x3FA8]  }
0x2f: {  	lr =	sadd.s32 s0, s3;
	s0 =	sld [smem:$0x3F9F]  }
0x30: {  	s3 =	sld [smem:$0x3FA2]  }
0x31: {  	[smem:$0x3FAB] =	sst s10  }
0x32: {  	s10 =	sld [smem:$0x3FA9];
	_ =	sdelay $0x3  }
0x33: {  	p0 =	seq.s32 s10, $0x1;
	s10 =	sld [smem:$0x3FAB];
	_ =	sdelay $0x3  }
0x34: {  	[smem:$0x3FAB] =	sst s10  }
0x35: {  	s10 =	sld [smem:$0x3FAA];
	_ =	sdelay $0x3  }
0x36: {  	p1 =	seq.s32 s10, $0x1;
	s10 =	sld [smem:$0x3FAB];
	_ =	sdelay $0x3  }
0x37: {  	[smem:$0x3FAB] =	sst s10  }
0x38: {  	s10 =	sld [smem:$0x3FAC]  }
0x39: {  	_ = 	snop;
	(pc) =	sbr.ind lr, $3  }
0x3a: {  	_ = 	snop  }
0x3b: {  	_ = 	snop  }
0x3c: {  	p2 =	seq.s32 s10, $0x1;
	s10 =	sld [smem:$0x3FAB]  }
0x3d: {  	_ =	shalt  }
0x3e: {  	_ =	shalt  }
0x3f: {  	_ =	shalt  }
0x40: {  	_ =	shalt  }
0x41: {  	_ =	shalt  }
0x42: {  	_ =	shalt  }
0x43: {  	_ =	shalt  }
0x44: {  	_ =	shalt  }
0x45: {  	_ =	shalt  }
0x46: {  	_ =	shalt  }
0x47: {  	_ =	shalt  }
0x48: {  	_ =	shalt  }
0x49: {  	_ =	shalt  }
0x4a: {  	_ =	shalt  }
0x4b: {  	_ =	shalt  }
0x4c: {  	_ =	shalt  }
0x4d: {  	_ =	shalt  }
0x4e: {  	_ =	shalt  }
0x4f: {  	_ =	shalt  }
0x50: {  	_ =	shalt  }
0x51: {  	_ =	shalt  }
0x52: {  	_ =	shalt  }
0x53: {  	_ =	shalt  }
0x54: {  	_ =	shalt  }
0x55: {  	_ =	shalt  }
0x56: {  	_ =	shalt  }
0x57: {  	_ =	shalt  }
0x58: {  	_ =	shalt  }
0x59: {  	_ =	shalt  }
0x5a: {  	_ =	shalt  }
0x5b: {  	_ =	shalt  }
0x5c: {  	_ =	shalt  }
0x5d: {  	_ =	shalt  }
0x5e: {  	_ =	shalt  }
0x5f: {  	_ =	shalt  }
0x60: {  	_ =	shalt  }
0x61: {  	_ =	shalt  }
0x62: {  	_ =	shalt  }
0x63: {  	_ =	shalt  }
0x64: {  	_ =	shalt  }
0x65: {  	_ =	shalt  }
0x66: {  	_ =	shalt  }
0x67: {  	_ =	shalt  }
0x68: {  	_ =	shalt  }
0x69: {  	_ =	shalt  }
0x6a: {  	_ =	shalt  }
0x6b: {  	_ =	shalt  }
0x6c: {  	_ =	shalt  }
0x6d: {  	_ =	shalt  }
0x6e: {  	_ =	shalt  }
0x6f: {  	_ =	shalt  }
0x70: {  	_ =	shalt  }
0x71: {  	_ =	shalt  }
0x72: {  	_ =	shalt  }
0x73: {  	_ =	shalt  }
0x74: {  	_ =	shalt  }
0x75: {  	_ =	shalt  }
0x76: {  	_ =	shalt  }
0x77: {  	_ =	shalt  }
0x78: {  	_ =	shalt  }
0x79: {  	_ =	shalt  }
0x7a: {  	_ =	shalt  }
0x7b: {  	_ =	shalt  }
0x7c: {  	_ =	shalt  }
0x7d: {  	_ =	shalt  }
0x7e: {  	_ =	shalt  }
0x7f: {  	_ =	shalt  }
0x80: {  	_ =	shalt  }
0x81: {  	_ =	shalt  }
0x82: {  	_ =	shalt  }
0x83: {  	_ =	shalt  }
0x84: {  	_ =	shalt  }
0x85: {  	_ =	shalt  }
0x86: {  	_ =	shalt  }
0x87: {  	_ =	shalt  }
.Lfunc_end0:
.L_simem_size_0:
called_computation.2_lowered:
.L_overlay_start_0:
0x88: {  	s2 =	sld [smem:$0x3FD9]  }
0x89: {  	s3 =	sld [smem:$0x3FFE];
	_ =	sdelay $0x1  }
0x8a: {  	s1 =	srdreg.scid  }
0x8b: {  	s0 =	sand.u32 $0x1, s1  }
0x8c: {  	s16 =	sshll.u32 s0, $0xA;
	s2 =	sadd.s32 s3, s2  }
0x8d: {  	s2 =	sadd.s32 s2, s16  }
0x8e: {  	[smem:$0x3FB7] =	sst s2  }
0x8f: {  	_ = 	snop  }
0x90: {  	(tm) =	ssettm $0x1  }
0x91: {  	s17 =	sld [smem:$0x3FFB];
	_ =	sdelay $0x3  }
0x92: {  	_ =	strace s17  }
0x93: {  	s2 =	sld [smem:$0x3FFC];
	_ =	sdelay $0x3  }
0x94: {  	_ =	strace s2  }
0x95: {  	s2 =	sld [smem:$0x3FFD];
	_ =	sdelay $0x3  }
0x96: {  	_ =	strace s2  }
0x97: {  	_ =	strace $0x8FFFFFFF  }
0x98: {  	s18 =	sld [smem:$0x3FDB];
	_ =	sdelay $0x1  }
0x99: {  	s19 =	simm.s32 $_scs_section_size  }
0x9a: {  	s4 =	simm.s32 $_size__tile_overlayer_lowered;
	s5 =	simm.s32 $_tile_overlayer_lowered  }
0x9b: {  	s22 =	simm.s32 $0x1BFF;
	s21 =	sshll.u32 s5, $0x1;
	s2 =	sadd.s32 s19, s18  }
0x9c: {  	s6 =	simm.s32 $0x0;
	s20 =	sshll.u32 s4, $0x1;
	s4 =	sadd.s32 s21, s2  }
0x9d: {  	[timem:s6], [sflag:s22] =	dma.local [hbm:s4], s20  }
0x9e: {  	_ =	swait.ge [sflag:s22], s20  }
0x9f: {  	s3 =	ssub.s32 $0x0, s20;
	[sflag:s22] =	ssyncset.done $0x0  }
0xa0: {  	[sflag:s22] =	ssyncadd.s32 s3;
	_ =	sdelay $0x1  }
0xa1: {  	s23 =	simm.s32 $0x1B8B  }
0xa2: {  	_ =	swait.ge [sflag:s23], $0x1  }
0xa3: {  	[sflag:s23] =	ssyncset.done $0x0  }
0xa4: {  	s25 =	simm.s32 $0x1B8E;
	s24 =	sld [smem:$0x3FFE];
	[sflag:s23] =	ssyncadd.s32 $0xFFFFFFFF  }
0xa5: {  	s26 =	simm.s32 $execute0_lowered;
	[smem:$0x3FD2] =	sst s25  }
0xa6: {  	s4 =	sshll.u32 s26, $0x1;
	_ =	strace $0x8000004C;
	[dreg:$0x1] =	wrdreg $0xFFFFFFFF  }
0xa7: {  	s28 =	simm.s32 $_size_execute0_lowered;
	s2 =	sadd.s32 s2, s4;
	[dreg:$0x0] =	wrdreg $0x0  }
0xa8: {  	s4 =	sshll.u32 s28, $0x1;
	[dreg:$0x2] =	wrdreg s2  }
0xa9: {  	[dreg:$0x3] =	wrdreg s4  }
0xaa: {  	[dreg:$0x4] =	wrdreg $0xC0  }
0xab: {  	_ =	task [dreg:s6], $0x5FFFF  }
0xac: {  	[dreg:$0x1] =	wrdreg $0xFFFFFFFF  }
0xad: {  	[dreg:$0x0] =	wrdreg $0x60  }
0xae: {  	[dreg:$0x2] =	wrdreg s24  }
0xaf: {  	[dreg:$0x3] =	wrdreg $0x34000  }
0xb0: {  	[dreg:$0x4] =	wrdreg $0x9  }
0xb1: {  	_ =	task.clear_ibuf [dreg:s6], $0x5FFFF;
	_ =	strace $0x9000004C  }
0xb2: {  	s29 =	simm.s32 $0x9;
	_ =	strace $0x8000004E  }
0xb3: {  	_ =	swait.ge [sflag:s29], $0x1  }
0xb4: {  	[sflag:s29] =	ssyncadd.s32 $0xFFFFFFFF  }
0xb5: {  	_ =	strace $0x9000004E  }
0xb6: {  	_ =	sfence  }
0xb7: {  	s30 =	sld [smem:$0x0];
	_ =	sdelay $0x2  }
0xb8: {  	s31 =	sshll.u32 s1, $0xD;
	s1 =	sshrl.u32 s1, $0x2  }
0xb9: {  	s3 =	sand.u32 $0x4000, s31;
	s1 =	sadd.s32 s1, s30  }
0xba: {  	s0 =	sor.u32 s3, s0;
	s1 =	sshll.u32 s1, $0x11  }
0xbb: {  	s0 =	sor.u32 s1, s0  }
0xbc: {  	s0 =	sadd.s32 $0x8F2B, s0  }
0xbd: {  	[sflag:s0] =	ssyncadd.remote.s32 $0x1  }
0xbe: {  	_ =	sfence.sel $0xFFFF  }
0xbf: {  	[dreg:$0x0] =	wrdreg $0xFFFFFFFF;
	(pc) =	sbr.abs _section_cstart, $3  }
0xc0: {  	[dreg:$0x1] =	wrdreg $0xFFFFFFFF  }
0xc1: {  	_ =	task.clear_ibuf [dreg:s6], $0x2FFFF;
	_ =	strace $0x9FFFFFFF  }
0xc2: {  	(tm) =	ssettm $0x7FFFFFFF  }
0xc3: {  	_ =	shalt  }
tec
execute0_lowered:
.L_overlay_start_1:
0x0: {  	(tag) =	ssettag $0x1  }
0x1: {  	s8 =	rddreg [dreg:$0x0]  }
0x2: {  	s2 =	rddreg [dreg:$0x1]  }
0x3: {  	s0 =	rddreg [dreg:$0x2];
	s4 =	srdreg.scid  }
0x4: {  	s1 =	stileid.u32;
	s3 =	simm.s32 $0x0;
	s14 =	simm.s32 $0x800  }
0x5: {  	s16 =	simm.s32 $0x1000;
	s17 =	simm.s32 $0x1;
	s9 =	sand.u32 $0x1, s4  }
0x6: {  	s10 =	smul.u32 $0x1CB00, s1;
	[smem:$0x7FF] =	sst s3;
	s4 =	sadd.s32 $0x37000, s8  }
0x7: {  	s5 =	sadd.s32 $0x1E000, s8;
	s6 =	sadd.s32 $0x5000, s8;
	s7 =	smul.u32 $0x1CB000, s9  }
0x8: {  	s30 =	sshll.u32 s1, $0x6;
	s12 =	ssub.s32 $0x2, s9;
	s15 =	smul.u32 $0x61A8, s9  }
0x9: {  	_ =	strace $0x8000004D;
	s9 =	smul.u32 $0xC800, s1;
	s13 =	sshrl.u32 s12, $0x1  }
0xa: {  	s31 =	sadd.s32 s10, s2;
	s11 =	sadd.s32 s10, s7;
	s7 =	sadd.s32 $0xA4E00, s8  }
0xb: {  	s12 =	ssub.s32 s12, s13;
	s13 =	simm.s32 $0x2;
	s11 =	sshrl.u32 s11, $0x3  }
0xc: {  	v0 =	vmov s15;
	s15 =	simm.s32 $0x80;
	s11 =	sadd.s32 s11, s8;
	s8 =	sor.u32 $0x1C02, s30  }
0xd: {  	s10 =	sadd.s32 $0x284C00, s11;
	s11 =	smax.u32 s12, $0x1;
	s12 =	sshrl.u32 s31, $0x3  }
.LBB2_1:
0xe: {  	[spmem:s12], [sflag:s8] =	dma.local [hbm:s7], $0x3960  }
0xf: {  	_ =	swait.ge [sflag:s13], $0x3960  }
0x10: {  	[sflag:s13] =	ssyncset.done $0x0  }
0x11: {  	[sflag:s13] =	ssyncadd.s32 $0xFFFFC6A0  }
0x12: {  	s18 =	simm.s32 $0x0;
	[bflag:$0x0] =	sbarrier.arrive $0xFFFF  }
.LBB2_2:
0x13: {  	s19 =	sshll.u32 s18, $0xB  }
0x14: {  	s19 =	sadd.s32 s9, s19  }
0x15: {  	s19 =	sshrl.u32 s19, $0x3  }
0x16: {  	s21 =	simm.s32 $0x0;
	s20 =	sadd.s32 s5, s19  }
0x17: {  	[tilespmem:s21], [sflag:$0x2] =	stream.linear.gather [hbm4b:s20+s21], $0x800, $0x38;
	[tilespmem:$0x1FF00] =	vst v63  }
0x18: {  	_ =	swait.ge [sflag:s13], $0x800  }
0x19: {  	[sflag:s13] =	ssyncset.done $0x0  }
0x1a: {  	s19 =	sadd.s32 s6, s19;
	[sflag:s13] =	ssyncadd.s32 $0xFFFFF800  }
0x1b: {  	[tilespmem:s14], [sflag:$0x2] =	stream.linear.gather [hbm4b:s19+s21], $0x800, $0x38;
	[tilespmem:$0x1FF00] =	vst v63  }
0x1c: {  	_ =	swait.ge [sflag:s13], $0x800  }
0x1d: {  	[sflag:s13] =	ssyncset.done $0x0  }
0x1e: {  	s19 =	simm.s32 $0x0;
	[sflag:s13] =	ssyncadd.s32 $0xFFFFF800  }
0x1f: {  	v2 =	vld [tilespmem:s19+$0x870]  }
0x20: {  	v3 =	vld [tilespmem:s19+$0x860]  }
0x21: {  	v4 =	vld [tilespmem:s19+$0x820]  }
0x22: {  	v5 =	vld [tilespmem:s19+$0x800]  }
0x23: {  	v6 =	vld [tilespmem:s19+$0x810];
	_ =	sdelay $0x2  }
0x24: {  	v1 =	vsub.s32 v2, v0;
	v2 =	vand.u32 $0x3FF, v2  }
0x25: {  	v7 =	vsub.s32 v3, v0;
	v3 =	vand.u32 $0x3FF, v3;
	v8 =	vand.u32 $0x3FF, v4  }
0x26: {  	v9 =	vld [tilespmem:s19+$0x840];
	v11 =	vsub.s32 v5, v0;
	v12 =	vsub.s32 v6, v0;
	v6 =	vand.u32 $0x3FF, v6  }
0x27: {  	v10 =	vld [tilespmem:s19+$0x830];
	v5 =	vand.u32 $0x3FF, v5;
	v4 =	vsub.s32 v4, v0;
	vm0 =	vlt.u32 v1, $0x61A8  }
0x28: {  	vm1 =	vlt.u32 v7, $0x61A8;
	v3 =	vadd.s32 $0x61C0, v3;
	v8 =	vadd.s32 $0x61C0, v8  }
0x29: {  	vm2 =	vlt.u32 v12, $0x61A8;
	v5 =	vadd.s32 $0x61C0, v5;
	v7 =	vsel vm1, v7, v3;
	v3 =	vld [tilespmem:s19+$0x850]  }
0x2a: {  	v6 =	vadd.s32 $0x61C0, v6;
	vm3 =	vlt.u32 v4, $0x61A8;
	vm1 =	vlt.u32 v11, $0x61A8  }
0x2b: {  	[tilespmem:s19+$0x860] =	vst v7;
	v7 =	vsel vm1, v11, v5;
	v5 =	vsel vm2, v12, v6;
	v6 =	vand.u32 $0x3FF, v9  }
0x2c: {  	[tilespmem:s19+$0x810] =	vst v5;
	v5 =	vsel vm3, v4, v8;
	v8 =	vand.u32 $0x3FF, v10;
	v4 =	vadd.s32 $0x61C0, v6  }
0x2d: {  	v6 =	vsub.s32 v9, v0;
	[tilespmem:s19+$0x820] =	vst v5;
	v5 =	vsub.s32 v10, v0;
	v8 =	vadd.s32 $0x61C0, v8  }
0x2e: {  	s20 =	simm.s32 $0x200;
	[tilespmem:s19+$0x800] =	vst v7;
	vm1 =	vlt.u32 v6, $0x61A8;
	vm2 =	vlt.u32 v5, $0x61A8;
	v7 =	vand.u32 $0x3FF, v3  }
.LBB2_3:
0x2f: {  	p0 =	sne.s32 s20, $0x1E00;
	v5 =	vsel vm2, v5, v8;
	v4 =	vsel vm1, v6, v4;
	v3 =	vsub.s32 v3, v0;
	s21 =	smov.u32 s20;
	s20 =	sadd.s32 $0x200, s20  }
0x30: {  	v2 =	vadd.s32 $0x61C0, v2;
	[tilespmem:s19+$0x830] =	vst v5;
	vm1 =	vlt.u32 v3, $0x61A8;
	v5 =	vadd.s32 $0x61C0, v7  }
0x31: {  	v1 =	vsel vm0, v1, v2;
	[tilespmem:s19+$0x840] =	vst v4;
	v3 =	vsel vm1, v3, v5  }
0x32: {  	[tilespmem:s19+$0x850] =	vst v3  }
0x33: {  	[tilespmem:s19+$0x870] =	vst v1  }
0x34: {  	[tilespmem:s16], [sflag:$0x1] =	stream.indirect.gather [hbm4b:s4+s15], $0x48, s19, s15, $0xb8;
	[tilespmem:$0x1FF00] =	vst v63  }
0x35: {  	_ =	swait.ge [sflag:s17], $0x2400  }
0x36: {  	s19 =	sadd.s32 $0x800, s19;
	[sflag:s17] =	ssyncset.done $0x0  }
0x37: {  	[sflag:s17] =	ssyncadd.s32 $0xFFFFDC00  }
0x38: {  	[spmem:s2] =	stream.indirect.scatter.add.f32 [tilespmem:s16], [sflag:$0x2], $0x48, s19, s15, $0xb8;
	[tilespmem:$0x1FF00] =	vst v63  }
0x39: {  	_ =	swait.ge [sflag:s13], $0x2400  }
0x3a: {  	[sflag:s13] =	ssyncset.done $0x0  }
0x3b: {  	s19 =	sshra.s32 s21, $0x2;
	[sflag:s13] =	ssyncadd.s32 $0xFFFFDC00  }
0x3c: {  	v2 =	vld [tilespmem:s19+$0x870]  }
0x3d: {  	v3 =	vld [tilespmem:s19+$0x860]  }
0x3e: {  	v4 =	vld [tilespmem:s19+$0x820]  }
0x3f: {  	v5 =	vld [tilespmem:s19+$0x800]  }
0x40: {  	v6 =	vld [tilespmem:s19+$0x810]  }
0x41: {  	v1 =	vsub.s32 v2, v0;
	v2 =	vand.u32 $0x3FF, v2  }
0x42: {  	v7 =	vld [tilespmem:s19+$0x830];
	v8 =	vsub.s32 v3, v0;
	v3 =	vand.u32 $0x3FF, v3;
	vm0 =	vlt.u32 v1, $0x61A8  }
0x43: {  	v9 =	vand.u32 $0x3FF, v4;
	v10 =	vld [tilespmem:s19+$0x840];
	vm1 =	vlt.u32 v8, $0x61A8;
	v3 =	vadd.s32 $0x61C0, v3  }
0x44: {  	v11 =	vsub.s32 v5, v0;
	v9 =	vadd.s32 $0x61C0, v9;
	v8 =	vsel vm1, v8, v3  }
0x45: {  	vm1 =	vlt.u32 v11, $0x61A8;
	v12 =	vsub.s32 v6, v0;
	v6 =	vand.u32 $0x3FF, v6;
	v3 =	vld [tilespmem:s19+$0x850];
	[tilespmem:s19+$0x860] =	vst v8  }
0x46: {  	v4 =	vsub.s32 v4, v0;
	v5 =	vand.u32 $0x3FF, v5;
	vm2 =	vlt.u32 v12, $0x61A8  }
.Ltmp0:
0x47: {  	vm3 =	vlt.u32 v4, $0x61A8;
	v5 =	vadd.s32 $0x61C0, v5;
	v6 =	vadd.s32 $0x61C0, v6;
	(pc) =	sbr.rel @p0 .LBB2_3-.Ltmp0, $4  }
0x48: {  	v11 =	vsel vm1, v11, v5;
	v5 =	vsel vm2, v12, v6;
	v6 =	vand.u32 $0x3FF, v10  }
0x49: {  	v8 =	vand.u32 $0x3FF, v7;
	[tilespmem:s19+$0x810] =	vst v5;
	v5 =	vsel vm3, v4, v9;
	v4 =	vadd.s32 $0x61C0, v6  }
0x4a: {  	v8 =	vadd.s32 $0x61C0, v8;
	v6 =	vsub.s32 v10, v0;
	[tilespmem:s19+$0x820] =	vst v5;
	v5 =	vsub.s32 v7, v0  }
0x4b: {  	vm1 =	vlt.u32 v6, $0x61A8;
	v7 =	vand.u32 $0x3FF, v3;
	[tilespmem:s19+$0x800] =	vst v11;
	vm2 =	vlt.u32 v5, $0x61A8  }
0x4c: {  	v5 =	vsel vm2, v5, v8  }
0x4d: {  	v3 =	vsub.s32 v3, v0;
	v4 =	vsel vm1, v6, v4;
	v2 =	vadd.s32 $0x61C0, v2;
	[tilespmem:s19+$0x830] =	vst v5  }
0x4e: {  	v63 =	vadd.s32 $0x61C0, v7;
	vm15 =	vlt.u32 v3, $0x61A8;
	[tilespmem:s19+$0x840] =	vst v4;
	v1 =	vsel vm0, v1, v2  }
0x4f: {  	v3 =	vsel vm15, v3, v63;
	[tilespmem:s19+$0x870] =	vst v1  }
0x50: {  	[tilespmem:s19+$0x850] =	vst v3  }
0x51: {  	[tilespmem:s16], [sflag:$0x1] =	stream.indirect.gather [hbm4b:s4+s15], $0x48, s19, s15, $0xb8;
	[tilespmem:$0x1FF00] =	vst v63  }
0x52: {  	s18 =	sadd.s32 $0x1, s18;
	_ =	swait.ge [sflag:s17], $0x2400  }
0x53: {  	p0 =	sne.s32 s18, $0x19;
	[sflag:s17] =	ssyncset.done $0x0  }
.Ltmp1:
0x54: {  	s31 =	sadd.s32 $0x800, s19;
	[sflag:s17] =	ssyncadd.s32 $0xFFFFDC00;
	(pc) =	sbr.rel @p0 .LBB2_2-.Ltmp1, $4  }
0x55: {  	[spmem:s2] =	stream.indirect.scatter.add.f32 [tilespmem:s16], [sflag:$0x2], $0x48, s31, s15, $0xb8;
	[tilespmem:$0x1FF00] =	vst v63  }
0x56: {  	_ =	swait.ge [sflag:s13], $0x2400  }
0x57: {  	[sflag:s13] =	ssyncset.done $0x0  }
0x58: {  	[sflag:s13] =	ssyncadd.s32 $0xFFFFDC00  }
0x59: {  	s3 =	sadd.s32 $0x1, s3  }
0x5a: {  	p0 =	sne.s32 s3, s11  }
.Ltmp2:
0x5b: {  	[bflag:$0x0] =	sbarrier.arrive $0xFFFF;
	(pc) =	sbr.rel @p0 .LBB2_1-.Ltmp2, $4  }
0x5c: {  	[hbm:s10], [sflag:s8] =	dma.local [spmem:s12], $0x3960  }
0x5d: {  	_ =	swait.ge [sflag:s13], $0x3960  }
0x5e: {  	[sflag:s13] =	ssyncset.done $0x0  }
0x5f: {  	[sflag:s13] =	ssyncadd.s32 $0xFFFFC6A0  }
0x60: {  	_ =	sfence.sel $0x180000  }
0x61: {  	[bflag:$0x0] =	sbarrier.arrive $0xFFFF  }
0x62: {  	p0 =	sne.s32 s1, $0x0;
	_ =	strace $0x9000004D  }
0x63: {  	s0 =	sadd.s32 @!p0 $0x100000, s0;
	[bflag:$0x2] =	sbarrier.arrive $0xFFFF  }
0x64: {  	[sflag:s0] =	ssyncadd.tile.s32 @!p0 $0x1;
	_ =	shalt  }
.Lfunc_end2:
_tile_overlayer_lowered:
.L_overlay_start_2:
0x65: {  	(tag) =	ssettag $0x2  }
0x66: {  	s0 =	rddreg [dreg:$0x0];
	s2 =	stileid.u32  }
0x67: {  	s1 =	rddreg [dreg:$0x1];
	p0 =	sne.s32 s2, $0x0  }
0x68: {  	s3 =	rddreg [dreg:$0x2];
	[bflag:$0x3] =	sbarrier.arrive $0xFFFF;
	s2 =	simm.s32 @!p0 $0x1C02  }
0x69: {  	[timem:s3], [sflag:s2] =	dma.local @!p0 [hbm:s0], s1  }
0x6a: {  	s0 =	simm.s32 @!p0 $0x2  }
0x6b: {  	_ =	swait.ge @!p0 [sflag:s0], s1  }
0x6c: {  	s1 =	ssub.s32 @!p0 $0x0, s1;
	[sflag:s0] =	ssyncset.done @!p0 $0x0  }
0x6d: {  	[sflag:s0] =	ssyncadd.s32 @!p0 s1  }
0x6e: {  	[bflag:$0x3] =	sbarrier.arrive $0xFFFF  }
0x6f: {  	_ =	shalt  }

// kernel: kernel.29.cloned.1.call-start
scs
__scs_entry_jumppad:
0x0: {  	(pc) =	sbr.rel $0x88, $3  }
0x1: {  	(tag) =	ssettag $0x0;
	lr =	simm.s32 $0x1  }
0x2: {  	[smem:$0x3F90] =	sst lr;
	_ =	strace $0xD0000000  }
0x3: {  	_ = 	snop  }
0x4: {  	_ = 	snop  }
0x5: {  	_ = 	snop  }
0x6: {  	_ = 	snop  }
0x7: {  	_ = 	snop  }
__scs_overlays_trampoline_lowered:
0x8: {  	[smem:$0x3F9F] =	sst s0  }
0x9: {  	[smem:$0x3FA0] =	sst s1  }
0xa: {  	[smem:$0x3FA1] =	sst s2  }
0xb: {  	[smem:$0x3FA2] =	sst s3  }
0xc: {  	[smem:$0x3FA3] =	sst s4  }
0xd: {  	[smem:$0x3FA4] =	sst s5  }
0xe: {  	[smem:$0x3FA5] =	sst s6  }
0xf: {  	[smem:$0x3FA6] =	sst s7  }
0x10: {  	[smem:$0x3FA7] =	sst s8  }
0x11: {  	[smem:$0x3FA8] =	sst s9;
	s0 =	simm.s32 @!p0 $0x0  }
0x12: {  	s1 =	sld [smem:$0x3F8E];
	s0 =	simm.s32 @p0 $0x1  }
0x13: {  	[smem:$0x3FA9] =	sst s0;
	s0 =	simm.s32 @!p1 $0x0  }
0x14: {  	s2 =	sld [smem:$0x3F8D];
	s0 =	simm.s32 @p1 $0x1  }
0x15: {  	[smem:$0x3FAA] =	sst s0;
	s0 =	simm.s32 @!p2 $0x0  }
0x16: {  	s3 =	sld [smem:$0x3FDB];
	s0 =	simm.s32 @p2 $0x1  }
0x17: {  	s4 =	simm.s32 $0x1BF5;
	[smem:$0x3FAC] =	sst s0  }
0x18: {  	s0 =	sld [smem:$0x3F8F];
	_ =	swait.ge [sflag:s4], $0x0  }
0x19: {  	s7 =	sld [smem:$0x3F90]  }
0x1a: {  	s8 =	sadd.s32 $0xFFFFE003, lr  }
0x1b: {  	s9 =	sadd.s32 $0xFFFFFEF7, lr;
	s5 =	simm.s32 $0xFFFFFFFF;
	p2 =	slt.u32 s8, $0xFFFFF086  }
0x1c: {  	p1 =	slt.u32 s9, $0xF7A;
	s5 =	simm.s32 @!p2 $0x0  }
0x1d: {  	s5 =	simm.s32 @p1 $0x1;
	p0 =	seq.s32 s7, s2  }
0x1e: {  	s7 =	smul.u32 @!p0 $0xF7A, s2;
	p2 =	seq.s32 @!p0 s5, $0x0  }
0x1f: {  	s9 =	smul.u32 $0xF7A, s1;
	s8 =	simm.s32 @!p0 $0x1BF5;
	p2 =	por !p2, p0  }
0x20: {  	[sflag:s8] =	ssyncset.s32 @!p0 $0xFFFFF086;
	s6 =	sadd.s32 @!p0 s3, s7;
	s7 =	simm.s32 @!p0 $0x108  }
0x21: {  	s3 =	sadd.s32 s3, s9;
	s6 =	sadd.s32 @!p0 $0x88, s6;
	s7 =	simm.s32 @p2 $0x1082  }
0x22: {  	[simem:s7], [sflag:s8] =	dma.local @!p0 [hbm:s6], $0xF7A  }
0x23: {  	s9 =	sor.u32 $0xD0000000, s2;
	s6 =	simm.s32 $0x108;
	_ =	swait.ge @!p0 [sflag:s8], $0x0  }
0x24: {  	s3 =	sadd.s32 $0x88, s3;
	s6 =	simm.s32 @!p1 $0x1082;
	[sflag:s4] =	ssyncset.s32 $0xFFFFF086  }
0x25: {  	[simem:s6], [sflag:s4] =	dma.local [hbm:s3], $0xF7A  }
0x26: {  	[smem:$0x3F90] =	sst s1;
	(tag) =	ssettag s2;
	_ =	strace s9  }
0x27: {  	s1 =	sld [smem:$0x3FA0]  }
0x28: {  	s2 =	sld [smem:$0x3FA1]  }
0x29: {  	s4 =	sld [smem:$0x3FA3]  }
0x2a: {  	p0 =	seq.s32 s5, $0x0;
	s5 =	sld [smem:$0x3FA4]  }
0x2b: {  	s6 =	sld [smem:$0x3FA5]  }
0x2c: {  	s7 =	sld [smem:$0x3FA6]  }
0x2d: {  	s3 =	simm.s32 $0x108;
	s8 =	sld [smem:$0x3FA7]  }
0x2e: {  	s3 =	simm.s32 @!p0 $0x1082;
	s9 =	sld [smem:$0x3FA8]  }
0x2f: {  	lr =	sadd.s32 s0, s3;
	s0 =	sld [smem:$0x3F9F]  }
0x30: {  	s3 =	sld [smem:$0x3FA2]  }
0x31: {  	[smem:$0x3FAB] =	sst s10  }
0x32: {  	s10 =	sld [smem:$0x3FA9];
	_ =	sdelay $0x3  }
0x33: {  	p0 =	seq.s32 s10, $0x1;
	s10 =	sld [smem:$0x3FAB];
	_ =	sdelay $0x3  }
0x34: {  	[smem:$0x3FAB] =	sst s10  }
0x35: {  	s10 =	sld [smem:$0x3FAA];
	_ =	sdelay $0x3  }
0x36: {  	p1 =	seq.s32 s10, $0x1;
	s10 =	sld [smem:$0x3FAB];
	_ =	sdelay $0x3  }
0x37: {  	[smem:$0x3FAB] =	sst s10  }
0x38: {  	s10 =	sld [smem:$0x3FAC]  }
0x39: {  	_ = 	snop;
	(pc) =	sbr.ind lr, $3  }
0x3a: {  	_ = 	snop  }
0x3b: {  	_ = 	snop  }
0x3c: {  	p2 =	seq.s32 s10, $0x1;
	s10 =	sld [smem:$0x3FAB]  }
0x3d: {  	_ =	shalt  }
0x3e: {  	_ =	shalt  }
0x3f: {  	_ =	shalt  }
0x40: {  	_ =	shalt  }
0x41: {  	_ =	shalt  }
0x42: {  	_ =	shalt  }
0x43: {  	_ =	shalt  }
0x44: {  	_ =	shalt  }
0x45: {  	_ =	shalt  }
0x46: {  	_ =	shalt  }
0x47: {  	_ =	shalt  }
0x48: {  	_ =	shalt  }
0x49: {  	_ =	shalt  }
0x4a: {  	_ =	shalt  }
0x4b: {  	_ =	shalt  }
0x4c: {  	_ =	shalt  }
0x4d: {  	_ =	shalt  }
0x4e: {  	_ =	shalt  }
0x4f: {  	_ =	shalt  }
0x50: {  	_ =	shalt  }
0x51: {  	_ =	shalt  }
0x52: {  	_ =	shalt  }
0x53: {  	_ =	shalt  }
0x54: {  	_ =	shalt  }
0x55: {  	_ =	shalt  }
0x56: {  	_ =	shalt  }
0x57: {  	_ =	shalt  }
0x58: {  	_ =	shalt  }
0x59: {  	_ =	shalt  }
0x5a: {  	_ =	shalt  }
0x5b: {  	_ =	shalt  }
0x5c: {  	_ =	shalt  }
0x5d: {  	_ =	shalt  }
0x5e: {  	_ =	shalt  }
0x5f: {  	_ =	shalt  }
0x60: {  	_ =	shalt  }
0x61: {  	_ =	shalt  }
0x62: {  	_ =	shalt  }
0x63: {  	_ =	shalt  }
0x64: {  	_ =	shalt  }
0x65: {  	_ =	shalt  }
0x66: {  	_ =	shalt  }
0x67: {  	_ =	shalt  }
0x68: {  	_ =	shalt  }
0x69: {  	_ =	shalt  }
0x6a: {  	_ =	shalt  }
0x6b: {  	_ =	shalt  }
0x6c: {  	_ =	shalt  }
0x6d: {  	_ =	shalt  }
0x6e: {  	_ =	shalt  }
0x6f: {  	_ =	shalt  }
0x70: {  	_ =	shalt  }
0x71: {  	_ =	shalt  }
0x72: {  	_ =	shalt  }
0x73: {  	_ =	shalt  }
0x74: {  	_ =	shalt  }
0x75: {  	_ =	shalt  }
0x76: {  	_ =	shalt  }
0x77: {  	_ =	shalt  }
0x78: {  	_ =	shalt  }
0x79: {  	_ =	shalt  }
0x7a: {  	_ =	shalt  }
0x7b: {  	_ =	shalt  }
0x7c: {  	_ =	shalt  }
0x7d: {  	_ =	shalt  }
0x7e: {  	_ =	shalt  }
0x7f: {  	_ =	shalt  }
0x80: {  	_ =	shalt  }
0x81: {  	_ =	shalt  }
0x82: {  	_ =	shalt  }
0x83: {  	_ =	shalt  }
0x84: {  	_ =	shalt  }
0x85: {  	_ =	shalt  }
0x86: {  	_ =	shalt  }
0x87: {  	_ =	shalt  }
.Lfunc_end0:
.L_simem_size_0:
called_computation.3_lowered:
.L_overlay_start_0:
0x88: {  	s2 =	sld [smem:$0x3FD9]  }
0x89: {  	s3 =	sld [smem:$0x3FFE];
	_ =	sdelay $0x1  }
0x8a: {  	s1 =	srdreg.scid  }
0x8b: {  	s0 =	sand.u32 $0x1, s1  }
0x8c: {  	s16 =	sshll.u32 s0, $0xA;
	s2 =	sadd.s32 s3, s2  }
0x8d: {  	s2 =	sadd.s32 s2, s16  }
0x8e: {  	[smem:$0x3FB7] =	sst s2  }
0x8f: {  	_ = 	snop  }
0x90: {  	(tm) =	ssettm $0x1  }
0x91: {  	s17 =	sld [smem:$0x3FFB];
	_ =	sdelay $0x3  }
0x92: {  	_ =	strace s17  }
0x93: {  	s2 =	sld [smem:$0x3FFC];
	_ =	sdelay $0x3  }
0x94: {  	_ =	strace s2  }
0x95: {  	s2 =	sld [smem:$0x3FFD];
	_ =	sdelay $0x3  }
0x96: {  	_ =	strace s2  }
0x97: {  	_ =	strace $0x8FFFFFFF  }
0x98: {  	s18 =	sld [smem:$0x3FDB];
	_ =	sdelay $0x1  }
0x99: {  	s19 =	simm.s32 $_scs_section_size  }
0x9a: {  	s4 =	simm.s32 $_size__tile_overlayer_lowered;
	s5 =	simm.s32 $_tile_overlayer_lowered  }
0x9b: {  	s22 =	simm.s32 $0x1BFF;
	s21 =	sshll.u32 s5, $0x1;
	s2 =	sadd.s32 s19, s18  }
0x9c: {  	s6 =	simm.s32 $0x0;
	s20 =	sshll.u32 s4, $0x1;
	s4 =	sadd.s32 s21, s2  }
0x9d: {  	[timem:s6], [sflag:s22] =	dma.local [hbm:s4], s20  }
0x9e: {  	_ =	swait.ge [sflag:s22], s20  }
0x9f: {  	s3 =	ssub.s32 $0x0, s20;
	[sflag:s22] =	ssyncset.done $0x0  }
0xa0: {  	[sflag:s22] =	ssyncadd.s32 s3;
	_ =	sdelay $0x1  }
0xa1: {  	s23 =	simm.s32 $0x1B8B  }
0xa2: {  	_ =	swait.ge [sflag:s23], $0x1  }
0xa3: {  	[sflag:s23] =	ssyncset.done $0x0  }
0xa4: {  	s25 =	simm.s32 $0x1B8E;
	s24 =	sld [smem:$0x3FFE];
	[sflag:s23] =	ssyncadd.s32 $0xFFFFFFFF  }
0xa5: {  	s26 =	simm.s32 $execute0_lowered;
	[smem:$0x3FD2] =	sst s25  }
0xa6: {  	s4 =	sshll.u32 s26, $0x1;
	_ =	strace $0x8000004F;
	[dreg:$0x1] =	wrdreg $0xFFFFFFFF  }
0xa7: {  	s28 =	simm.s32 $_size_execute0_lowered;
	s2 =	sadd.s32 s2, s4;
	[dreg:$0x0] =	wrdreg $0x0  }
0xa8: {  	s4 =	sshll.u32 s28, $0x1;
	[dreg:$0x2] =	wrdreg s2  }
0xa9: {  	[dreg:$0x3] =	wrdreg s4  }
0xaa: {  	[dreg:$0x4] =	wrdreg $0xC0  }
0xab: {  	_ =	task [dreg:s6], $0x5FFFF  }
0xac: {  	[dreg:$0x1] =	wrdreg $0xFFFFFFFF  }
0xad: {  	[dreg:$0x0] =	wrdreg $0x60  }
0xae: {  	[dreg:$0x2] =	wrdreg s24  }
0xaf: {  	[dreg:$0x3] =	wrdreg $0x34000  }
0xb0: {  	[dreg:$0x4] =	wrdreg $0x9  }
0xb1: {  	_ =	task.clear_ibuf [dreg:s6], $0x5FFFF;
	_ =	strace $0x9000004F  }
0xb2: {  	s29 =	simm.s32 $0x9;
	_ =	strace $0x80000051  }
0xb3: {  	_ =	swait.ge [sflag:s29], $0x1  }
0xb4: {  	[sflag:s29] =	ssyncadd.s32 $0xFFFFFFFF  }
0xb5: {  	_ =	strace $0x90000051  }
0xb6: {  	_ =	sfence  }
0xb7: {  	s30 =	sld [smem:$0x0];
	_ =	sdelay $0x2  }
0xb8: {  	s31 =	sshll.u32 s1, $0xD;
	s1 =	sshrl.u32 s1, $0x2  }
0xb9: {  	s3 =	sand.u32 $0x4000, s31;
	s1 =	sadd.s32 s1, s30  }
0xba: {  	s0 =	sor.u32 s3, s0;
	s1 =	sshll.u32 s1, $0x11  }
0xbb: {  	s0 =	sor.u32 s1, s0  }
0xbc: {  	s0 =	sadd.s32 $0x8F2B, s0  }
0xbd: {  	[sflag:s0] =	ssyncadd.remote.s32 $0x1  }
0xbe: {  	_ =	sfence.sel $0xFFFF  }
0xbf: {  	[dreg:$0x0] =	wrdreg $0xFFFFFFFF;
	(pc) =	sbr.abs _section_cstart, $3  }
0xc0: {  	[dreg:$0x1] =	wrdreg $0xFFFFFFFF  }
0xc1: {  	_ =	task.clear_ibuf [dreg:s6], $0x2FFFF;
	_ =	strace $0x9FFFFFFF  }
0xc2: {  	(tm) =	ssettm $0x7FFFFFFF  }
0xc3: {  	_ =	shalt  }
tec
execute0_lowered:
.L_overlay_start_1:
0x0: {  	(tag) =	ssettag $0x1  }
0x1: {  	s8 =	rddreg [dreg:$0x0]  }
0x2: {  	s2 =	rddreg [dreg:$0x1]  }
0x3: {  	s0 =	rddreg [dreg:$0x2];
	s4 =	srdreg.scid  }
0x4: {  	s1 =	stileid.u32;
	s3 =	simm.s32 $0x0;
	s14 =	simm.s32 $0x800  }
0x5: {  	s16 =	simm.s32 $0x1000;
	s17 =	simm.s32 $0x1;
	s9 =	sand.u32 $0x1, s4  }
0x6: {  	s10 =	smul.u32 $0x1CB00, s1;
	[smem:$0x7FF] =	sst s3;
	s4 =	sadd.s32 $0x37000, s8  }
0x7: {  	s5 =	sadd.s32 $0x1E000, s8;
	s6 =	sadd.s32 $0x5000, s8;
	s7 =	smul.u32 $0x1CB000, s9  }
0x8: {  	s30 =	sshll.u32 s1, $0x6;
	s12 =	ssub.s32 $0x2, s9;
	s15 =	smul.u32 $0x61A8, s9  }
0x9: {  	_ =	strace $0x80000050;
	s9 =	smul.u32 $0xC800, s1;
	s13 =	sshrl.u32 s12, $0x1  }
0xa: {  	s31 =	sadd.s32 s10, s2;
	s11 =	sadd.s32 s10, s7;
	s7 =	sadd.s32 $0xA4E00, s8  }
0xb: {  	s12 =	ssub.s32 s12, s13;
	s13 =	simm.s32 $0x2;
	s11 =	sshrl.u32 s11, $0x3  }
0xc: {  	v0 =	vmov s15;
	s15 =	simm.s32 $0x80;
	s11 =	sadd.s32 s11, s8;
	s8 =	sor.u32 $0x1C02, s30  }
0xd: {  	s10 =	sadd.s32 $0x284C00, s11;
	s11 =	smax.u32 s12, $0x1;
	s12 =	sshrl.u32 s31, $0x3  }
.LBB2_1:
0xe: {  	[spmem:s12], [sflag:s8] =	dma.local [hbm:s7], $0x3960  }
0xf: {  	_ =	swait.ge [sflag:s13], $0x3960  }
0x10: {  	[sflag:s13] =	ssyncset.done $0x0  }
0x11: {  	[sflag:s13] =	ssyncadd.s32 $0xFFFFC6A0  }
0x12: {  	s18 =	simm.s32 $0x0;
	[bflag:$0x0] =	sbarrier.arrive $0xFFFF  }
.LBB2_2:
0x13: {  	s19 =	sshll.u32 s18, $0xB  }
0x14: {  	s19 =	sadd.s32 s9, s19  }
0x15: {  	s19 =	sshrl.u32 s19, $0x3  }
0x16: {  	s21 =	simm.s32 $0x0;
	s20 =	sadd.s32 s5, s19  }
0x17: {  	[tilespmem:s21], [sflag:$0x2] =	stream.linear.gather [hbm4b:s20+s21], $0x800, $0x38;
	[tilespmem:$0x1FF00] =	vst v63  }
0x18: {  	_ =	swait.ge [sflag:s13], $0x800  }
0x19: {  	[sflag:s13] =	ssyncset.done $0x0  }
0x1a: {  	s19 =	sadd.s32 s6, s19;
	[sflag:s13] =	ssyncadd.s32 $0xFFFFF800  }
0x1b: {  	[tilespmem:s14], [sflag:$0x2] =	stream.linear.gather [hbm4b:s19+s21], $0x800, $0x38;
	[tilespmem:$0x1FF00] =	vst v63  }
0x1c: {  	_ =	swait.ge [sflag:s13], $0x800  }
0x1d: {  	[sflag:s13] =	ssyncset.done $0x0  }
0x1e: {  	s19 =	simm.s32 $0x0;
	[sflag:s13] =	ssyncadd.s32 $0xFFFFF800  }
0x1f: {  	v2 =	vld [tilespmem:s19+$0x870]  }
0x20: {  	v3 =	vld [tilespmem:s19+$0x860]  }
0x21: {  	v4 =	vld [tilespmem:s19+$0x820]  }
0x22: {  	v5 =	vld [tilespmem:s19+$0x800]  }
0x23: {  	v6 =	vld [tilespmem:s19+$0x810];
	_ =	sdelay $0x2  }
0x24: {  	v1 =	vsub.s32 v2, v0;
	v2 =	vand.u32 $0x3FF, v2  }
0x25: {  	v7 =	vsub.s32 v3, v0;
	v3 =	vand.u32 $0x3FF, v3;
	v8 =	vand.u32 $0x3FF, v4  }
0x26: {  	v9 =	vld [tilespmem:s19+$0x840];
	v11 =	vsub.s32 v5, v0;
	v12 =	vsub.s32 v6, v0;
	v6 =	vand.u32 $0x3FF, v6  }
0x27: {  	v10 =	vld [tilespmem:s19+$0x830];
	v5 =	vand.u32 $0x3FF, v5;
	v4 =	vsub.s32 v4, v0;
	vm0 =	vlt.u32 v1, $0x61A8  }
0x28: {  	vm1 =	vlt.u32 v7, $0x61A8;
	v3 =	vadd.s32 $0x61C0, v3;
	v8 =	vadd.s32 $0x61C0, v8  }
0x29: {  	vm2 =	vlt.u32 v12, $0x61A8;
	v5 =	vadd.s32 $0x61C0, v5;
	v7 =	vsel vm1, v7, v3;
	v3 =	vld [tilespmem:s19+$0x850]  }
0x2a: {  	v6 =	vadd.s32 $0x61C0, v6;
	vm3 =	vlt.u32 v4, $0x61A8;
	vm1 =	vlt.u32 v11, $0x61A8  }
0x2b: {  	[tilespmem:s19+$0x860] =	vst v7;
	v7 =	vsel vm1, v11, v5;
	v5 =	vsel vm2, v12, v6;
	v6 =	vand.u32 $0x3FF, v9  }
0x2c: {  	[tilespmem:s19+$0x810] =	vst v5;
	v5 =	vsel vm3, v4, v8;
	v8 =	vand.u32 $0x3FF, v10;
	v4 =	vadd.s32 $0x61C0, v6  }
0x2d: {  	v6 =	vsub.s32 v9, v0;
	[tilespmem:s19+$0x820] =	vst v5;
	v5 =	vsub.s32 v10, v0;
	v8 =	vadd.s32 $0x61C0, v8  }
0x2e: {  	s20 =	simm.s32 $0x200;
	[tilespmem:s19+$0x800] =	vst v7;
	vm1 =	vlt.u32 v6, $0x61A8;
	vm2 =	vlt.u32 v5, $0x61A8;
	v7 =	vand.u32 $0x3FF, v3  }
.LBB2_3:
0x2f: {  	p0 =	sne.s32 s20, $0x1E00;
	v5 =	vsel vm2, v5, v8;
	v4 =	vsel vm1, v6, v4;
	v3 =	vsub.s32 v3, v0;
	s21 =	smov.u32 s20;
	s20 =	sadd.s32 $0x200, s20  }
0x30: {  	v2 =	vadd.s32 $0x61C0, v2;
	[tilespmem:s19+$0x830] =	vst v5;
	vm1 =	vlt.u32 v3, $0x61A8;
	v5 =	vadd.s32 $0x61C0, v7  }
0x31: {  	v1 =	vsel vm0, v1, v2;
	[tilespmem:s19+$0x840] =	vst v4;
	v3 =	vsel vm1, v3, v5  }
0x32: {  	[tilespmem:s19+$0x850] =	vst v3  }
0x33: {  	[tilespmem:s19+$0x870] =	vst v1  }
0x34: {  	[tilespmem:s16], [sflag:$0x1] =	stream.indirect.gather [hbm4b:s4+s15], $0x48, s19, s15, $0xb8;
	[tilespmem:$0x1FF00] =	vst v63  }
0x35: {  	_ =	swait.ge [sflag:s17], $0x2400  }
0x36: {  	s19 =	sadd.s32 $0x800, s19;
	[sflag:s17] =	ssyncset.done $0x0  }
0x37: {  	[sflag:s17] =	ssyncadd.s32 $0xFFFFDC00  }
0x38: {  	[spmem:s2] =	stream.indirect.scatter.add.f32 [tilespmem:s16], [sflag:$0x2], $0x48, s19, s15, $0xb8;
	[tilespmem:$0x1FF00] =	vst v63  }
0x39: {  	_ =	swait.ge [sflag:s13], $0x2400  }
0x3a: {  	[sflag:s13] =	ssyncset.done $0x0  }
0x3b: {  	s19 =	sshra.s32 s21, $0x2;
	[sflag:s13] =	ssyncadd.s32 $0xFFFFDC00  }
0x3c: {  	v2 =	vld [tilespmem:s19+$0x870]  }
0x3d: {  	v3 =	vld [tilespmem:s19+$0x860]  }
0x3e: {  	v4 =	vld [tilespmem:s19+$0x820]  }
0x3f: {  	v5 =	vld [tilespmem:s19+$0x800]  }
0x40: {  	v6 =	vld [tilespmem:s19+$0x810]  }
0x41: {  	v1 =	vsub.s32 v2, v0;
	v2 =	vand.u32 $0x3FF, v2  }
0x42: {  	v7 =	vld [tilespmem:s19+$0x830];
	v8 =	vsub.s32 v3, v0;
	v3 =	vand.u32 $0x3FF, v3;
	vm0 =	vlt.u32 v1, $0x61A8  }
0x43: {  	v9 =	vand.u32 $0x3FF, v4;
	v10 =	vld [tilespmem:s19+$0x840];
	vm1 =	vlt.u32 v8, $0x61A8;
	v3 =	vadd.s32 $0x61C0, v3  }
0x44: {  	v11 =	vsub.s32 v5, v0;
	v9 =	vadd.s32 $0x61C0, v9;
	v8 =	vsel vm1, v8, v3  }
0x45: {  	vm1 =	vlt.u32 v11, $0x61A8;
	v12 =	vsub.s32 v6, v0;
	v6 =	vand.u32 $0x3FF, v6;
	v3 =	vld [tilespmem:s19+$0x850];
	[tilespmem:s19+$0x860] =	vst v8  }
0x46: {  	v4 =	vsub.s32 v4, v0;
	v5 =	vand.u32 $0x3FF, v5;
	vm2 =	vlt.u32 v12, $0x61A8  }
.Ltmp0:
0x47: {  	vm3 =	vlt.u32 v4, $0x61A8;
	v5 =	vadd.s32 $0x61C0, v5;
	v6 =	vadd.s32 $0x61C0, v6;
	(pc) =	sbr.rel @p0 .LBB2_3-.Ltmp0, $4  }
0x48: {  	v11 =	vsel vm1, v11, v5;
	v5 =	vsel vm2, v12, v6;
	v6 =	vand.u32 $0x3FF, v10  }
0x49: {  	v8 =	vand.u32 $0x3FF, v7;
	[tilespmem:s19+$0x810] =	vst v5;
	v5 =	vsel vm3, v4, v9;
	v4 =	vadd.s32 $0x61C0, v6  }
0x4a: {  	v8 =	vadd.s32 $0x61C0, v8;
	v6 =	vsub.s32 v10, v0;
	[tilespmem:s19+$0x820] =	vst v5;
	v5 =	vsub.s32 v7, v0  }
0x4b: {  	vm1 =	vlt.u32 v6, $0x61A8;
	v7 =	vand.u32 $0x3FF, v3;
	[tilespmem:s19+$0x800] =	vst v11;
	vm2 =	vlt.u32 v5, $0x61A8  }
0x4c: {  	v5 =	vsel vm2, v5, v8  }
0x4d: {  	v3 =	vsub.s32 v3, v0;
	v4 =	vsel vm1, v6, v4;
	v2 =	vadd.s32 $0x61C0, v2;
	[tilespmem:s19+$0x830] =	vst v5  }
0x4e: {  	v63 =	vadd.s32 $0x61C0, v7;
	vm15 =	vlt.u32 v3, $0x61A8;
	[tilespmem:s19+$0x840] =	vst v4;
	v1 =	vsel vm0, v1, v2  }
0x4f: {  	v3 =	vsel vm15, v3, v63;
	[tilespmem:s19+$0x870] =	vst v1  }
0x50: {  	[tilespmem:s19+$0x850] =	vst v3  }
0x51: {  	[tilespmem:s16], [sflag:$0x1] =	stream.indirect.gather [hbm4b:s4+s15], $0x48, s19, s15, $0xb8;
	[tilespmem:$0x1FF00] =	vst v63  }
0x52: {  	s18 =	sadd.s32 $0x1, s18;
	_ =	swait.ge [sflag:s17], $0x2400  }
0x53: {  	p0 =	sne.s32 s18, $0x19;
	[sflag:s17] =	ssyncset.done $0x0  }
.Ltmp1:
0x54: {  	s31 =	sadd.s32 $0x800, s19;
	[sflag:s17] =	ssyncadd.s32 $0xFFFFDC00;
	(pc) =	sbr.rel @p0 .LBB2_2-.Ltmp1, $4  }
0x55: {  	[spmem:s2] =	stream.indirect.scatter.add.f32 [tilespmem:s16], [sflag:$0x2], $0x48, s31, s15, $0xb8;
	[tilespmem:$0x1FF00] =	vst v63  }
0x56: {  	_ =	swait.ge [sflag:s13], $0x2400  }
0x57: {  	[sflag:s13] =	ssyncset.done $0x0  }
0x58: {  	[sflag:s13] =	ssyncadd.s32 $0xFFFFDC00  }
0x59: {  	s3 =	sadd.s32 $0x1, s3  }
0x5a: {  	p0 =	sne.s32 s3, s11  }
.Ltmp2:
0x5b: {  	[bflag:$0x0] =	sbarrier.arrive $0xFFFF;
	(pc) =	sbr.rel @p0 .LBB2_1-.Ltmp2, $4  }
0x5c: {  	[hbm:s10], [sflag:s8] =	dma.local [spmem:s12], $0x3960  }
0x5d: {  	_ =	swait.ge [sflag:s13], $0x3960  }
0x5e: {  	[sflag:s13] =	ssyncset.done $0x0  }
0x5f: {  	[sflag:s13] =	ssyncadd.s32 $0xFFFFC6A0  }
0x60: {  	_ =	sfence.sel $0x180000  }
0x61: {  	[bflag:$0x0] =	sbarrier.arrive $0xFFFF  }
0x62: {  	p0 =	sne.s32 s1, $0x0;
	_ =	strace $0x90000050  }
0x63: {  	s0 =	sadd.s32 @!p0 $0x100000, s0;
	[bflag:$0x2] =	sbarrier.arrive $0xFFFF  }
0x64: {  	[sflag:s0] =	ssyncadd.tile.s32 @!p0 $0x1;
	_ =	shalt  }
.Lfunc_end2:
_tile_overlayer_lowered:
.L_overlay_start_2:
0x65: {  	(tag) =	ssettag $0x2  }
0x66: {  	s0 =	rddreg [dreg:$0x0];
	s2 =	stileid.u32  }
0x67: {  	s1 =	rddreg [dreg:$0x1];
	p0 =	sne.s32 s2, $0x0  }
0x68: {  	s3 =	rddreg [dreg:$0x2];
	[bflag:$0x3] =	sbarrier.arrive $0xFFFF;
	s2 =	simm.s32 @!p0 $0x1C02  }
0x69: {  	[timem:s3], [sflag:s2] =	dma.local @!p0 [hbm:s0], s1  }
0x6a: {  	s0 =	simm.s32 @!p0 $0x2  }
0x6b: {  	_ =	swait.ge @!p0 [sflag:s0], s1  }
0x6c: {  	s1 =	ssub.s32 @!p0 $0x0, s1;
	[sflag:s0] =	ssyncset.done @!p0 $0x0  }
0x6d: {  	[sflag:s0] =	ssyncadd.s32 @!p0 s1  }
0x6e: {  	[bflag:$0x3] =	sbarrier.arrive $0xFFFF  }
0x6f: {  	_ =	shalt  }

// kernel: kernel.32.cloned.1.call-start
scs
__scs_entry_jumppad:
0x0: {  	(pc) =	sbr.rel $0x88, $3  }
0x1: {  	(tag) =	ssettag $0x0;
	lr =	simm.s32 $0x1  }
0x2: {  	[smem:$0x3F90] =	sst lr;
	_ =	strace $0xD0000000  }
0x3: {  	_ = 	snop  }
0x4: {  	_ = 	snop  }
0x5: {  	_ = 	snop  }
0x6: {  	_ = 	snop  }
0x7: {  	_ = 	snop  }
__scs_overlays_trampoline_lowered:
0x8: {  	[smem:$0x3F9F] =	sst s0  }
0x9: {  	[smem:$0x3FA0] =	sst s1  }
0xa: {  	[smem:$0x3FA1] =	sst s2  }
0xb: {  	[smem:$0x3FA2] =	sst s3  }
0xc: {  	[smem:$0x3FA3] =	sst s4  }
0xd: {  	[smem:$0x3FA4] =	sst s5  }
0xe: {  	[smem:$0x3FA5] =	sst s6  }
0xf: {  	[smem:$0x3FA6] =	sst s7  }
0x10: {  	[smem:$0x3FA7] =	sst s8  }
0x11: {  	[smem:$0x3FA8] =	sst s9;
	s0 =	simm.s32 @!p0 $0x0  }
0x12: {  	s1 =	sld [smem:$0x3F8E];
	s0 =	simm.s32 @p0 $0x1  }
0x13: {  	[smem:$0x3FA9] =	sst s0;
	s0 =	simm.s32 @!p1 $0x0  }
0x14: {  	s2 =	sld [smem:$0x3F8D];
	s0 =	simm.s32 @p1 $0x1  }
0x15: {  	[smem:$0x3FAA] =	sst s0;
	s0 =	simm.s32 @!p2 $0x0  }
0x16: {  	s3 =	sld [smem:$0x3FDB];
	s0 =	simm.s32 @p2 $0x1  }
0x17: {  	s4 =	simm.s32 $0x1BF5;
	[smem:$0x3FAC] =	sst s0  }
0x18: {  	s0 =	sld [smem:$0x3F8F];
	_ =	swait.ge [sflag:s4], $0x0  }
0x19: {  	s7 =	sld [smem:$0x3F90]  }
0x1a: {  	s8 =	sadd.s32 $0xFFFFE003, lr  }
0x1b: {  	s9 =	sadd.s32 $0xFFFFFEF7, lr;
	s5 =	simm.s32 $0xFFFFFFFF;
	p2 =	slt.u32 s8, $0xFFFFF086  }
0x1c: {  	p1 =	slt.u32 s9, $0xF7A;
	s5 =	simm.s32 @!p2 $0x0  }
0x1d: {  	s5 =	simm.s32 @p1 $0x1;
	p0 =	seq.s32 s7, s2  }
0x1e: {  	s7 =	smul.u32 @!p0 $0xF7A, s2;
	p2 =	seq.s32 @!p0 s5, $0x0  }
0x1f: {  	s9 =	smul.u32 $0xF7A, s1;
	s8 =	simm.s32 @!p0 $0x1BF5;
	p2 =	por !p2, p0  }
0x20: {  	[sflag:s8] =	ssyncset.s32 @!p0 $0xFFFFF086;
	s6 =	sadd.s32 @!p0 s3, s7;
	s7 =	simm.s32 @!p0 $0x108  }
0x21: {  	s3 =	sadd.s32 s3, s9;
	s6 =	sadd.s32 @!p0 $0x88, s6;
	s7 =	simm.s32 @p2 $0x1082  }
0x22: {  	[simem:s7], [sflag:s8] =	dma.local @!p0 [hbm:s6], $0xF7A  }
0x23: {  	s9 =	sor.u32 $0xD0000000, s2;
	s6 =	simm.s32 $0x108;
	_ =	swait.ge @!p0 [sflag:s8], $0x0  }
0x24: {  	s3 =	sadd.s32 $0x88, s3;
	s6 =	simm.s32 @!p1 $0x1082;
	[sflag:s4] =	ssyncset.s32 $0xFFFFF086  }
0x25: {  	[simem:s6], [sflag:s4] =	dma.local [hbm:s3], $0xF7A  }
0x26: {  	[smem:$0x3F90] =	sst s1;
	(tag) =	ssettag s2;
	_ =	strace s9  }
0x27: {  	s1 =	sld [smem:$0x3FA0]  }
0x28: {  	s2 =	sld [smem:$0x3FA1]  }
0x29: {  	s4 =	sld [smem:$0x3FA3]  }
0x2a: {  	p0 =	seq.s32 s5, $0x0;
	s5 =	sld [smem:$0x3FA4]  }
0x2b: {  	s6 =	sld [smem:$0x3FA5]  }
0x2c: {  	s7 =	sld [smem:$0x3FA6]  }
0x2d: {  	s3 =	simm.s32 $0x108;
	s8 =	sld [smem:$0x3FA7]  }
0x2e: {  	s3 =	simm.s32 @!p0 $0x1082;
	s9 =	sld [smem:$0x3FA8]  }
0x2f: {  	lr =	sadd.s32 s0, s3;
	s0 =	sld [smem:$0x3F9F]  }
0x30: {  	s3 =	sld [smem:$0x3FA2]  }
0x31: {  	[smem:$0x3FAB] =	sst s10  }
0x32: {  	s10 =	sld [smem:$0x3FA9];
	_ =	sdelay $0x3  }
0x33: {  	p0 =	seq.s32 s10, $0x1;
	s10 =	sld [smem:$0x3FAB];
	_ =	sdelay $0x3  }
0x34: {  	[smem:$0x3FAB] =	sst s10  }
0x35: {  	s10 =	sld [smem:$0x3FAA];
	_ =	sdelay $0x3  }
0x36: {  	p1 =	seq.s32 s10, $0x1;
	s10 =	sld [smem:$0x3FAB];
	_ =	sdelay $0x3  }
0x37: {  	[smem:$0x3FAB] =	sst s10  }
0x38: {  	s10 =	sld [smem:$0x3FAC]  }
0x39: {  	_ = 	snop;
	(pc) =	sbr.ind lr, $3  }
0x3a: {  	_ = 	snop  }
0x3b: {  	_ = 	snop  }
0x3c: {  	p2 =	seq.s32 s10, $0x1;
	s10 =	sld [smem:$0x3FAB]  }
0x3d: {  	_ =	shalt  }
0x3e: {  	_ =	shalt  }
0x3f: {  	_ =	shalt  }
0x40: {  	_ =	shalt  }
0x41: {  	_ =	shalt  }
0x42: {  	_ =	shalt  }
0x43: {  	_ =	shalt  }
0x44: {  	_ =	shalt  }
0x45: {  	_ =	shalt  }
0x46: {  	_ =	shalt  }
0x47: {  	_ =	shalt  }
0x48: {  	_ =	shalt  }
0x49: {  	_ =	shalt  }
0x4a: {  	_ =	shalt  }
0x4b: {  	_ =	shalt  }
0x4c: {  	_ =	shalt  }
0x4d: {  	_ =	shalt  }
0x4e: {  	_ =	shalt  }
0x4f: {  	_ =	shalt  }
0x50: {  	_ =	shalt  }
0x51: {  	_ =	shalt  }
0x52: {  	_ =	shalt  }
0x53: {  	_ =	shalt  }
0x54: {  	_ =	shalt  }
0x55: {  	_ =	shalt  }
0x56: {  	_ =	shalt  }
0x57: {  	_ =	shalt  }
0x58: {  	_ =	shalt  }
0x59: {  	_ =	shalt  }
0x5a: {  	_ =	shalt  }
0x5b: {  	_ =	shalt  }
0x5c: {  	_ =	shalt  }
0x5d: {  	_ =	shalt  }
0x5e: {  	_ =	shalt  }
0x5f: {  	_ =	shalt  }
0x60: {  	_ =	shalt  }
0x61: {  	_ =	shalt  }
0x62: {  	_ =	shalt  }
0x63: {  	_ =	shalt  }
0x64: {  	_ =	shalt  }
0x65: {  	_ =	shalt  }
0x66: {  	_ =	shalt  }
0x67: {  	_ =	shalt  }
0x68: {  	_ =	shalt  }
0x69: {  	_ =	shalt  }
0x6a: {  	_ =	shalt  }
0x6b: {  	_ =	shalt  }
0x6c: {  	_ =	shalt  }
0x6d: {  	_ =	shalt  }
0x6e: {  	_ =	shalt  }
0x6f: {  	_ =	shalt  }
0x70: {  	_ =	shalt  }
0x71: {  	_ =	shalt  }
0x72: {  	_ =	shalt  }
0x73: {  	_ =	shalt  }
0x74: {  	_ =	shalt  }
0x75: {  	_ =	shalt  }
0x76: {  	_ =	shalt  }
0x77: {  	_ =	shalt  }
0x78: {  	_ =	shalt  }
0x79: {  	_ =	shalt  }
0x7a: {  	_ =	shalt  }
0x7b: {  	_ =	shalt  }
0x7c: {  	_ =	shalt  }
0x7d: {  	_ =	shalt  }
0x7e: {  	_ =	shalt  }
0x7f: {  	_ =	shalt  }
0x80: {  	_ =	shalt  }
0x81: {  	_ =	shalt  }
0x82: {  	_ =	shalt  }
0x83: {  	_ =	shalt  }
0x84: {  	_ =	shalt  }
0x85: {  	_ =	shalt  }
0x86: {  	_ =	shalt  }
0x87: {  	_ =	shalt  }
.Lfunc_end0:
.L_simem_size_0:
called_computation.4_lowered:
.L_overlay_start_0:
0x88: {  	s2 =	sld [smem:$0x3FD9]  }
0x89: {  	s3 =	sld [smem:$0x3FFE];
	_ =	sdelay $0x1  }
0x8a: {  	s1 =	srdreg.scid  }
0x8b: {  	s0 =	sand.u32 $0x1, s1  }
0x8c: {  	s16 =	sshll.u32 s0, $0xA;
	s2 =	sadd.s32 s3, s2  }
0x8d: {  	s2 =	sadd.s32 s2, s16  }
0x8e: {  	[smem:$0x3FB7] =	sst s2  }
0x8f: {  	_ = 	snop  }
0x90: {  	(tm) =	ssettm $0x1  }
0x91: {  	s17 =	sld [smem:$0x3FFB];
	_ =	sdelay $0x3  }
0x92: {  	_ =	strace s17  }
0x93: {  	s2 =	sld [smem:$0x3FFC];
	_ =	sdelay $0x3  }
0x94: {  	_ =	strace s2  }
0x95: {  	s2 =	sld [smem:$0x3FFD];
	_ =	sdelay $0x3  }
0x96: {  	_ =	strace s2  }
0x97: {  	_ =	strace $0x8FFFFFFF  }
0x98: {  	s18 =	sld [smem:$0x3FDB];
	_ =	sdelay $0x1  }
0x99: {  	s19 =	simm.s32 $_scs_section_size  }
0x9a: {  	s4 =	simm.s32 $_size__tile_overlayer_lowered;
	s5 =	simm.s32 $_tile_overlayer_lowered  }
0x9b: {  	s22 =	simm.s32 $0x1BFF;
	s21 =	sshll.u32 s5, $0x1;
	s2 =	sadd.s32 s19, s18  }
0x9c: {  	s6 =	simm.s32 $0x0;
	s20 =	sshll.u32 s4, $0x1;
	s4 =	sadd.s32 s21, s2  }
0x9d: {  	[timem:s6], [sflag:s22] =	dma.local [hbm:s4], s20  }
0x9e: {  	_ =	swait.ge [sflag:s22], s20  }
0x9f: {  	s3 =	ssub.s32 $0x0, s20;
	[sflag:s22] =	ssyncset.done $0x0  }
0xa0: {  	[sflag:s22] =	ssyncadd.s32 s3;
	_ =	sdelay $0x1  }
0xa1: {  	s23 =	simm.s32 $0x1B8B  }
0xa2: {  	_ =	swait.ge [sflag:s23], $0x1  }
0xa3: {  	[sflag:s23] =	ssyncset.done $0x0  }
0xa4: {  	s25 =	simm.s32 $0x1B8E;
	s24 =	sld [smem:$0x3FFE];
	[sflag:s23] =	ssyncadd.s32 $0xFFFFFFFF  }
0xa5: {  	s26 =	simm.s32 $execute0_lowered;
	[smem:$0x3FD2] =	sst s25  }
0xa6: {  	s4 =	sshll.u32 s26, $0x1;
	_ =	strace $0x80000052;
	[dreg:$0x1] =	wrdreg $0xFFFFFFFF  }
0xa7: {  	s28 =	simm.s32 $_size_execute0_lowered;
	s2 =	sadd.s32 s2, s4;
	[dreg:$0x0] =	wrdreg $0x0  }
0xa8: {  	s4 =	sshll.u32 s28, $0x1;
	[dreg:$0x2] =	wrdreg s2  }
0xa9: {  	[dreg:$0x3] =	wrdreg s4  }
0xaa: {  	[dreg:$0x4] =	wrdreg $0xC0  }
0xab: {  	_ =	task [dreg:s6], $0x5FFFF  }
0xac: {  	[dreg:$0x1] =	wrdreg $0xFFFFFFFF  }
0xad: {  	[dreg:$0x0] =	wrdreg $0x60  }
0xae: {  	[dreg:$0x2] =	wrdreg s24  }
0xaf: {  	[dreg:$0x3] =	wrdreg $0x9  }
0xb0: {  	_ =	task.clear_ibuf [dreg:s6], $0x4FFFF;
	_ =	strace $0x90000052  }
0xb1: {  	s29 =	simm.s32 $0x9;
	_ =	strace $0x80000054  }
0xb2: {  	_ =	swait.ge [sflag:s29], $0x1  }
0xb3: {  	[sflag:s29] =	ssyncadd.s32 $0xFFFFFFFF  }
0xb4: {  	_ =	strace $0x90000054  }
0xb5: {  	_ =	sfence  }
0xb6: {  	s30 =	sld [smem:$0x0];
	_ =	sdelay $0x2  }
0xb7: {  	s31 =	sshll.u32 s1, $0xD;
	s1 =	sshrl.u32 s1, $0x2  }
0xb8: {  	s3 =	sand.u32 $0x4000, s31;
	s1 =	sadd.s32 s1, s30  }
0xb9: {  	s0 =	sor.u32 s3, s0;
	s1 =	sshll.u32 s1, $0x11  }
0xba: {  	s0 =	sor.u32 s1, s0  }
0xbb: {  	s0 =	sadd.s32 $0x8F2B, s0  }
0xbc: {  	[sflag:s0] =	ssyncadd.remote.s32 $0x1  }
0xbd: {  	_ =	sfence.sel $0xFFFF  }
0xbe: {  	[dreg:$0x0] =	wrdreg $0xFFFFFFFF;
	(pc) =	sbr.abs _section_cstart, $3  }
0xbf: {  	[dreg:$0x1] =	wrdreg $0xFFFFFFFF  }
0xc0: {  	_ =	task.clear_ibuf [dreg:s6], $0x2FFFF;
	_ =	strace $0x9FFFFFFF  }
0xc1: {  	(tm) =	ssettm $0x7FFFFFFF  }
tec
execute0_lowered:
.L_overlay_start_1:
0x0: {  	(tag) =	ssettag $0x1  }
0x1: {  	s1 =	srdreg.scid;
	s0 =	stileid.u32  }
0x2: {  	s6 =	sand.u32 $0x1, s1;
	s3 =	sshll.u32 s0, $0x1  }
0x3: {  	s7 =	sor.u32 s6, s3  }
0x4: {  	p0 =	sgt.u32 s7, $0x18  }
.Ltmp0:
0x5: {  	_ = 	snop;
	(pc) =	sbr.rel @p0 .LBB2_5-.Ltmp0, $4  }
0x6: {  	_ = 	snop  }
0x7: {  	s5 =	rddreg [dreg:$0x0];
	s2 =	simm.s32 $0x0  }
0x8: {  	[smem:$0x7FF] =	sst s2  }
0x9: {  	s1 =	rddreg [dreg:$0x1];
	_ =	strace $0x80000053  }
0xa: {  	s3 =	sadd.s32 $0x5000, s5;
	s4 =	sadd.s32 $0xAEC00, s5;
	s7 =	sshll.u32 s7, $0x9  }
0xb: {  	s8 =	sadd.s32 $0xABA00, s5;
	s10 =	sadd.s32 $0x1FDA00, s5;
	s13 =	smul.u32 $0x12000, s0  }
0xc: {  	s11 =	sadd.s32 $0x11CA00, s5;
	s12 =	ssub.s32 $0x2, s6;
	s14 =	smul.u32 $0x9000, s6  }
0xd: {  	s15 =	simm.s32 $0x4400;
	s16 =	simm.s32 $0x2;
	s17 =	simm.s32 $0x0  }
0xe: {  	s9 =	sadd.s32 s7, s5;
	s29 =	sshrl.u32 s12, $0x1;
	s6 =	sadd.s32 s8, s7  }
0xf: {  	s5 =	sadd.s32 $0xA8800, s9;
	s9 =	ssub.s32 s12, s29;
	s30 =	sadd.s32 s13, s10  }
0x10: {  	s31 =	sadd.s32 s13, s11;
	s10 =	simm.s32 $0x3;
	s11 =	simm.s32 $0x1000  }
0x11: {  	s12 =	simm.s32 $0x80;
	s13 =	simm.s32 $0x2000;
	s7 =	smax.u32 s9, $0x1  }
0x12: {  	s8 =	sadd.s32 s14, s30;
	s9 =	sadd.s32 s14, s31;
	s14 =	simm.s32 $0x1  }
.LBB2_2:
0x13: {  	s18 =	simm.s32 $0x0  }
0x14: {  	[tilespmem:s18], [sflag:$0x3] =	stream.linear.gather [hbm4b:s6+s18], $0x1000, $0x38;
	[tilespmem:$0x6800] =	vst v63  }
0x15: {  	_ =	swait.ge [sflag:s10], $0x1000  }
0x16: {  	[sflag:s10] =	ssyncset.done $0x0  }
0x17: {  	[sflag:s10] =	ssyncadd.s32 $0xFFFFF000  }
0x18: {  	[tilespmem:s11], [sflag:$0x3] =	stream.linear.gather [hbm4b:s5+s18], $0x1000, $0x38;
	[tilespmem:$0x6800] =	vst v63  }
0x19: {  	_ =	swait.ge [sflag:s10], $0x1000  }
0x1a: {  	[sflag:s10] =	ssyncset.done $0x0  }
0x1b: {  	s30 =	simm.s32 $0x0;
	[sflag:s10] =	ssyncadd.s32 $0xFFFFF000  }
0x1c: {  	[tilespmem:s13], [sflag:$0x1] =	stream.indirect.gather [hbm4b:s3+s12], $0x48, s30, s12, $0xb8;
	[tilespmem:$0x6800] =	vst v63  }
0x1d: {  	_ =	swait.ge [sflag:s14], $0x2400  }
0x1e: {  	[sflag:s14] =	ssyncset.done $0x0  }
0x1f: {  	[sflag:s14] =	ssyncadd.s32 $0xFFFFDC00  }
0x20: {  	[hbm4b:s8+s2] =	stream.linear.scatter [tilespmem:s13], [sflag:$0x3], $0x2400, $0x38;
	[tilespmem:$0x6800] =	vst v63  }
0x21: {  	_ =	swait.ge [sflag:s10], $0x2400  }
0x22: {  	[sflag:s10] =	ssyncset.done $0x0  }
0x23: {  	s31 =	simm.s32 $0x1000;
	[sflag:s10] =	ssyncadd.s32 $0xFFFFDC00  }
0x24: {  	[tilespmem:s15], [sflag:$0x2] =	stream.indirect.gather [hbm4b:s4+s12], $0x48, s31, s12, $0xb8;
	[tilespmem:$0x6800] =	vst v63  }
0x25: {  	_ =	swait.ge [sflag:s16], $0x2400  }
0x26: {  	[sflag:s16] =	ssyncset.done $0x0  }
0x27: {  	[sflag:s16] =	ssyncadd.s32 $0xFFFFDC00  }
0x28: {  	[hbm4b:s9+s2] =	stream.linear.scatter [tilespmem:s15], [sflag:$0x3], $0x2400, $0x38;
	[tilespmem:$0x6800] =	vst v63  }
0x29: {  	s20 =	simm.s32 $0x200;
	s21 =	simm.s32 $0x400;
	_ =	swait.ge [sflag:s10], $0x2400  }
0x2a: {  	s19 =	sadd.s32 $0x480, s8;
	s18 =	sadd.s32 $0x480, s9;
	[sflag:s10] =	ssyncset.done $0x0  }
.LBB2_3:
0x2b: {  	s22 =	sshra.s32 s20, $0x2  }
0x2c: {  	[sflag:s10] =	ssyncadd.s32 $0xFFFFDC00;
	s20 =	smov.u32 s21;
	s23 =	sadd.s32 $0x200, s21  }
0x2d: {  	[tilespmem:s13], [sflag:$0x1] =	stream.indirect.gather [hbm4b:s3+s12], $0x48, s22, s12, $0xb8;
	[tilespmem:$0x6800] =	vst v63  }
0x2e: {  	p0 =	sne.s32 s21, $0x3E00;
	_ =	swait.ge [sflag:s14], $0x2400  }
0x2f: {  	[sflag:s14] =	ssyncset.done $0x0  }
0x30: {  	[sflag:s14] =	ssyncadd.s32 $0xFFFFDC00  }
0x31: {  	[hbm4b:s19+s2] =	stream.linear.scatter [tilespmem:s13], [sflag:$0x3], $0x2400, $0x38;
	[tilespmem:$0x6800] =	vst v63  }
0x32: {  	_ =	swait.ge [sflag:s10], $0x2400  }
0x33: {  	[sflag:s10] =	ssyncset.done $0x0  }
0x34: {  	s21 =	sadd.s32 $0x1000, s22;
	[sflag:s10] =	ssyncadd.s32 $0xFFFFDC00  }
0x35: {  	[tilespmem:s15], [sflag:$0x2] =	stream.indirect.gather [hbm4b:s4+s12], $0x48, s21, s12, $0xb8;
	[tilespmem:$0x6800] =	vst v63  }
0x36: {  	_ =	swait.ge [sflag:s16], $0x2400  }
.Ltmp1:
0x37: {  	[sflag:s16] =	ssyncset.done $0x0;
	(pc) =	sbr.rel @p0 .LBB2_3-.Ltmp1, $4  }
0x38: {  	[sflag:s16] =	ssyncadd.s32 $0xFFFFDC00  }
0x39: {  	[hbm4b:s18+s2] =	stream.linear.scatter [tilespmem:s15], [sflag:$0x3], $0x2400, $0x38;
	[tilespmem:$0x6800] =	vst v63  }
0x3a: {  	s19 =	sadd.s32 $0x480, s19;
	_ =	swait.ge [sflag:s10], $0x2400  }
0x3b: {  	s21 =	smov.u32 s23;
	s18 =	sadd.s32 $0x480, s18;
	[sflag:s10] =	ssyncset.done $0x0  }
0x3c: {  	s20 =	sshra.s32 s20, $0x2;
	[sflag:s10] =	ssyncadd.s32 $0xFFFFDC00  }
0x3d: {  	[tilespmem:s13], [sflag:$0x1] =	stream.indirect.gather [hbm4b:s3+s12], $0x48, s20, s12, $0xb8;
	[tilespmem:$0x6800] =	vst v63  }
0x3e: {  	_ =	swait.ge [sflag:s14], $0x2400  }
0x3f: {  	[sflag:s14] =	ssyncset.done $0x0  }
0x40: {  	[sflag:s14] =	ssyncadd.s32 $0xFFFFDC00  }
0x41: {  	[hbm4b:s19+s2] =	stream.linear.scatter [tilespmem:s13], [sflag:$0x3], $0x2400, $0x38;
	[tilespmem:$0x6800] =	vst v63  }
0x42: {  	_ =	swait.ge [sflag:s10], $0x2400  }
0x43: {  	[sflag:s10] =	ssyncset.done $0x0  }
0x44: {  	s31 =	sadd.s32 $0x1000, s20;
	[sflag:s10] =	ssyncadd.s32 $0xFFFFDC00  }
0x45: {  	[tilespmem:s15], [sflag:$0x2] =	stream.indirect.gather [hbm4b:s4+s12], $0x48, s31, s12, $0xb8;
	[tilespmem:$0x6800] =	vst v63  }
0x46: {  	s17 =	sadd.s32 $0x1, s17;
	_ =	swait.ge [sflag:s16], $0x2400  }
0x47: {  	p0 =	sne.s32 s17, s7;
	[sflag:s16] =	ssyncset.done $0x0  }
.Ltmp2:
0x48: {  	[sflag:s16] =	ssyncadd.s32 $0xFFFFDC00;
	(pc) =	sbr.rel @p0 .LBB2_2-.Ltmp2, $4  }
0x49: {  	[hbm4b:s18+s2] =	stream.linear.scatter [tilespmem:s15], [sflag:$0x3], $0x2400, $0x38;
	[tilespmem:$0x6800] =	vst v63  }
0x4a: {  	_ =	swait.ge [sflag:s10], $0x2400  }
0x4b: {  	[sflag:s10] =	ssyncset.done $0x0  }
0x4c: {  	[sflag:s10] =	ssyncadd.s32 $0xFFFFDC00  }
.LBB2_5:
0x4d: {  	_ =	sfence.sel $0x180000  }
0x4e: {  	[bflag:$0x0] =	sbarrier.arrive $0xFFFF  }
0x4f: {  	p0 =	sne.s32 s0, $0x0;
	_ =	strace $0x90000053  }
0x50: {  	s0 =	sadd.s32 @!p0 $0x100000, s1;
	[bflag:$0x2] =	sbarrier.arrive $0xFFFF  }
0x51: {  	[sflag:s0] =	ssyncadd.tile.s32 @!p0 $0x1;
	_ =	shalt  }
.Lfunc_end2:
_tile_overlayer_lowered:
.L_overlay_start_2:
0x52: {  	(tag) =	ssettag $0x2  }
0x53: {  	s0 =	rddreg [dreg:$0x0];
	s2 =	stileid.u32  }
0x54: {  	s1 =	rddreg [dreg:$0x1];
	p0 =	sne.s32 s2, $0x0  }
0x55: {  	s3 =	rddreg [dreg:$0x2];
	[bflag:$0x3] =	sbarrier.arrive $0xFFFF;
	s2 =	simm.s32 @!p0 $0x1C03  }
0x56: {  	[timem:s3], [sflag:s2] =	dma.local @!p0 [hbm:s0], s1  }
0x57: {  	s0 =	simm.s32 @!p0 $0x3  }
0x58: {  	_ =	swait.ge @!p0 [sflag:s0], s1  }
0x59: {  	s1 =	ssub.s32 @!p0 $0x0, s1;
	[sflag:s0] =	ssyncset.done @!p0 $0x0  }
0x5a: {  	[sflag:s0] =	ssyncadd.s32 @!p0 s1  }
0x5b: {  	[bflag:$0x3] =	sbarrier.arrive $0xFFFF  }
0x5c: {  	_ =	shalt  }

</sc_bundles>
